<compile_context>
chip_gen: v7x
topology: tpu7x:2x2x1
jax: 0.10.2.dev20260603
libtpu: 0.0.44.dev20260713+nightly
codegen_flags: <defaults>
</compile_context>

<pallas_src>
import jax
import jax.numpy as jnp
from jax import lax
from jax.experimental import pallas as pl
from jax.experimental.pallas import tpu as pltpu
from jax.experimental.pallas import tpu_sc as plsc

_N = 10000
_E = 320000
_H = 128
_NC = 2
_NS = 16
_CHUNK = 100
_NCHUNK = (_E // _NS) // _CHUNK
_NPAD = 10240
_RPT = _NPAD // _NS
_ZR = 16
_IB = 40
_NBLK = _NCHUNK // _IB
_IBP = 8
_NBLKP = _NCHUNK // _IBP
_BR = 1000
_GRID = _N // _BR

_MESH = plsc.VectorSubcoreMesh(core_axis_name="c", subcore_axis_name="s")



_DW = 128


def _deg_body(dst_hbm, out_hbm, didx_v, ones_v, zbuf_v, acc_sh, sem):
    c = lax.axis_index("c")
    s = lax.axis_index("s")

    _LPR = _DW // 16

    def _fill_ones(i, _):
        ones_v[i // _LPR, pl.ds((i % _LPR) * 16, 16)] = jnp.ones(
            (16,), jnp.float32)
        return 0
    lax.fori_loop(0, _CHUNK * _LPR, _fill_ones, 0)

    def _fill_zero(i, _):
        zbuf_v[i // _LPR, pl.ds((i % _LPR) * 16, 16)] = jnp.zeros(
            (16,), jnp.float32)
        return 0
    lax.fori_loop(0, _ZR * _LPR, _fill_zero, 0)

    def _zero(j, _):
        pltpu.sync_copy(zbuf_v, acc_sh.at[pl.ds(s * _RPT + j * _ZR, _ZR)])
        return 0
    lax.fori_loop(0, _RPT // _ZR, _zero, 0)
    plsc.subcore_barrier()

    def _blk(b, _):
        @pl.when(b >= 2)
        def _dr():
            def _w(j, _):
                pltpu.make_async_copy(ones_v, acc_sh.at[didx_v.at[0, 0]],
                                      sem).wait()
                return 0
            lax.fori_loop(0, _IB, _w, 0)
        pltpu.sync_copy(dst_hbm.at[c, s, pl.ds(b * _IB, _IB)],
                        didx_v.at[b % 2])

        def _scat(j, _):
            pltpu.async_copy(ones_v, acc_sh.at[didx_v.at[b % 2, j]],
                             sem, add=True)
            return 0
        lax.fori_loop(0, _IB, _scat, 0)
        return 0
    lax.fori_loop(0, _NBLK, _blk, 0)

    def _wend(j, _):
        pltpu.make_async_copy(ones_v, acc_sh.at[didx_v.at[0, 0]], sem).wait()
        return 0
    lax.fori_loop(0, 2 * _IB, _wend, 0)
    plsc.subcore_barrier()

    pltpu.sync_copy(acc_sh.at[pl.ds(s * _RPT, _RPT)],
                    out_hbm.at[c, pl.ds(s * _RPT, _RPT)])


_deg_call = pl.kernel(
    _deg_body,
    out_type=jax.ShapeDtypeStruct((_NC, _NPAD, _DW), jnp.float32),
    mesh=_MESH,
    scratch_types=[
        pltpu.VMEM((2, _IB, _CHUNK), jnp.int32),
        pltpu.VMEM((_CHUNK, _DW), jnp.float32),
        pltpu.VMEM((_ZR, _DW), jnp.float32),
        pltpu.VMEM_SHARED((_NPAD, _DW), jnp.float32),
        pltpu.SemaphoreType.DMA,
    ],
)


def _prop_body(h_hbm, src_hbm, dst_hbm, out_hbm,
               sidx_v, didx_v, rows_v, zbuf_v, acc_sh, sem, sem2):
    c = lax.axis_index("c")
    s = lax.axis_index("s")

    def _fill_zero(i, _):
        r = i // 8
        l = (i % 8) * 16
        zbuf_v[r, pl.ds(l, 16)] = jnp.zeros((16,), jnp.float32)
        return 0
    lax.fori_loop(0, _ZR * 8, _fill_zero, 0)

    def _zero(j, _):
        pltpu.sync_copy(zbuf_v, acc_sh.at[pl.ds(s * _RPT + j * _ZR, _ZR)])
        return 0
    lax.fori_loop(0, _RPT // _ZR, _zero, 0)
    plsc.subcore_barrier()

    def _blk(b, _):
        pltpu.sync_copy(src_hbm.at[c, s, pl.ds(b * _IBP, _IBP)], sidx_v)
        pltpu.sync_copy(dst_hbm.at[c, s, pl.ds(b * _IBP, _IBP)], didx_v)
        pltpu.async_copy(h_hbm.at[sidx_v.at[0]], rows_v.at[0], sem)

        def _edge(j, _):
            @pl.when(j >= 2)
            def _ws():
                pltpu.make_async_copy(rows_v.at[0],
                                      acc_sh.at[didx_v.at[0]], sem2).wait()

            @pl.when(j + 1 < _IBP)
            def _pref():
                pltpu.async_copy(h_hbm.at[sidx_v.at[j + 1]],
                                 rows_v.at[(j + 1) % 3], sem)
            pltpu.make_async_copy(h_hbm.at[sidx_v.at[j]],
                                  rows_v.at[j % 3], sem).wait()
            pltpu.async_copy(rows_v.at[j % 3], acc_sh.at[didx_v.at[j]],
                             sem2, add=True)
            return 0
        lax.fori_loop(0, _IBP, _edge, 0)
        pltpu.make_async_copy(rows_v.at[0], acc_sh.at[didx_v.at[0]],
                              sem2).wait()
        pltpu.make_async_copy(rows_v.at[0], acc_sh.at[didx_v.at[0]],
                              sem2).wait()
        return 0
    lax.fori_loop(0, _NBLKP, _blk, 0)
    plsc.subcore_barrier()

    pltpu.sync_copy(acc_sh.at[pl.ds(s * _RPT, _RPT)],
                    out_hbm.at[c, pl.ds(s * _RPT, _RPT)])


_prop_call = pl.kernel(
    _prop_body,
    out_type=jax.ShapeDtypeStruct((_NC, _NPAD, _H), jnp.float32),
    mesh=_MESH,
    scratch_types=[
        pltpu.VMEM((_IBP, _CHUNK), jnp.int32),
        pltpu.VMEM((_IBP, _CHUNK), jnp.int32),
        pltpu.VMEM((3, _CHUNK, _H), jnp.float32),
        pltpu.VMEM((_ZR, _H), jnp.float32),
        pltpu.VMEM_SHARED((_NPAD, _H), jnp.float32),
        pltpu.SemaphoreType.DMA,
        pltpu.SemaphoreType.DMA,
    ],
)



def _tc1_body(x_ref, w1_ref, b1_ref, wka_ref, wkb_ref, wr_ref, br_ref,
              wwr_ref, deg_ref, h_ref, dinv_ref, part_ref):
    r0 = jnp.maximum(
        jnp.dot(x_ref[...], w1_ref[...], preferred_element_type=jnp.float32)
        + b1_ref[...], 0.0)
    deg = jnp.concatenate(
        [deg_ref[0, :, 0:1], deg_ref[1, :, 0:1]], axis=1)
    dinv = jnp.where(deg > 0, 1.0 / jnp.sqrt(deg), 0.0)
    dinv_ref[...] = dinv
    h_ref[0] = dinv[:, 0:1] * jnp.dot(
        r0, wka_ref[...], preferred_element_type=jnp.float32)
    h_ref[1] = dinv[:, 1:2] * jnp.dot(
        r0, wkb_ref[...], preferred_element_type=jnp.float32)
    part_ref[...] = wwr_ref[0, 0] * (
        jnp.dot(r0, wr_ref[...], preferred_element_type=jnp.float32)
        + br_ref[0, 0])


_tc1_call = pl.pallas_call(
    _tc1_body,
    grid=(_GRID,),
    in_specs=[
        pl.BlockSpec((_BR, _H), lambda i: (i, 0)),
        pl.BlockSpec((_H, _H), lambda i: (0, 0)),
        pl.BlockSpec((1, _H), lambda i: (0, 0)),
        pl.BlockSpec((_H, _H), lambda i: (0, 0)),
        pl.BlockSpec((_H, _H), lambda i: (0, 0)),
        pl.BlockSpec((_H, 1), lambda i: (0, 0)),
        pl.BlockSpec((1, 1), lambda i: (0, 0)),
        pl.BlockSpec((1, 1), lambda i: (0, 0)),
        pl.BlockSpec((_NC, _BR, _DW), lambda i: (0, i, 0)),
    ],
    out_specs=[
        pl.BlockSpec((_NC, _BR, _H), lambda i: (0, i, 0)),
        pl.BlockSpec((_BR, _NC), lambda i: (i, 0)),
        pl.BlockSpec((_BR, 1), lambda i: (i, 0)),
    ],
    out_shape=[
        jax.ShapeDtypeStruct((_NC, _N, _H), jnp.float32),
        jax.ShapeDtypeStruct((_N, _NC), jnp.float32),
        jax.ShapeDtypeStruct((_N, 1), jnp.float32),
    ],
)


def _mid_body(s_ref, dinv_ref, ba_ref, bb_ref, wka_ref, wkb_ref, wr_ref,
              br_ref, wwr_ref, pin_ref, h_ref, part_ref):
    dinv = dinv_ref[...]
    left = dinv[:, 0:1] * s_ref[0] + ba_ref[...]
    right = dinv[:, 1:2] * s_ref[1] + bb_ref[...]
    rk = jnp.concatenate([left, right], axis=1)
    h_ref[0] = dinv[:, 0:1] * jnp.dot(
        rk, wka_ref[...], preferred_element_type=jnp.float32)
    h_ref[1] = dinv[:, 1:2] * jnp.dot(
        rk, wkb_ref[...], preferred_element_type=jnp.float32)
    part_ref[...] = pin_ref[...] + wwr_ref[0, 0] * (
        jnp.dot(rk, wr_ref[...], preferred_element_type=jnp.float32)
        + br_ref[0, 0])


_mid_call = pl.pallas_call(
    _mid_body,
    grid=(_GRID,),
    in_specs=[
        pl.BlockSpec((_NC, _BR, _H), lambda i: (0, i, 0)),
        pl.BlockSpec((_BR, _NC), lambda i: (i, 0)),
        pl.BlockSpec((1, _H), lambda i: (0, 0)),
        pl.BlockSpec((1, _H), lambda i: (0, 0)),
        pl.BlockSpec((2 * _H, _H), lambda i: (0, 0)),
        pl.BlockSpec((2 * _H, _H), lambda i: (0, 0)),
        pl.BlockSpec((2 * _H, 1), lambda i: (0, 0)),
        pl.BlockSpec((1, 1), lambda i: (0, 0)),
        pl.BlockSpec((1, 1), lambda i: (0, 0)),
        pl.BlockSpec((_BR, 1), lambda i: (i, 0)),
    ],
    out_specs=[
        pl.BlockSpec((_NC, _BR, _H), lambda i: (0, i, 0)),
        pl.BlockSpec((_BR, 1), lambda i: (i, 0)),
    ],
    out_shape=[
        jax.ShapeDtypeStruct((_NC, _N, _H), jnp.float32),
        jax.ShapeDtypeStruct((_N, 1), jnp.float32),
    ],
)


def _tc4_body(s_ref, dinv_ref, ba_ref, bb_ref, wr_ref, br_ref, wwr_ref,
              pin_ref, out_ref):
    dinv = dinv_ref[...]
    left = dinv[:, 0:1] * s_ref[0] + ba_ref[...]
    right = dinv[:, 1:2] * s_ref[1] + bb_ref[...]
    rk = jnp.concatenate([left, right], axis=1)
    out_ref[...] = pin_ref[...] + wwr_ref[0, 0] * (
        jnp.dot(rk, wr_ref[...], preferred_element_type=jnp.float32)
        + br_ref[0, 0])


_tc4_call = pl.pallas_call(
    _tc4_body,
    grid=(_GRID,),
    in_specs=[
        pl.BlockSpec((_NC, _BR, _H), lambda i: (0, i, 0)),
        pl.BlockSpec((_BR, _NC), lambda i: (i, 0)),
        pl.BlockSpec((1, _H), lambda i: (0, 0)),
        pl.BlockSpec((1, _H), lambda i: (0, 0)),
        pl.BlockSpec((2 * _H, 1), lambda i: (0, 0)),
        pl.BlockSpec((1, 1), lambda i: (0, 0)),
        pl.BlockSpec((1, 1), lambda i: (0, 0)),
        pl.BlockSpec((_BR, 1), lambda i: (i, 0)),
    ],
    out_specs=pl.BlockSpec((_BR, 1), lambda i: (i, 0)),
    out_shape=jax.ShapeDtypeStruct((_N, 1), jnp.float32),
)



def kernel(x, edge_index, edge_index_aux, W1, b1, Wk11, bk11, Wk12, bk12,
           Wk21, bk21, Wk22, bk22, Wk31, bk31, Wk32, bk32, Wr0, br0, Wr1,
           br1, Wr2, br2, Wr3, br3, wr0, wr1, wr2, wr3):
    s1, d1 = edge_index[0], edge_index[1]
    s2, d2 = edge_index_aux[0], edge_index_aux[1]
    dst4 = jnp.stack([d1, d2]).reshape(_NC, _NS, _NCHUNK, _CHUNK)
    src4 = jnp.stack([s1, s2 + _N]).reshape(_NC, _NS, _NCHUNK, _CHUNK)

    deg = _deg_call(dst4)

    h, dinv, part = _tc1_call(
        x, W1, b1.reshape(1, _H), Wk11, Wk12, Wr0,
        br0.reshape(1, 1), wr0.reshape(1, 1), deg)
    S = _prop_call(h.reshape(_NC * _N, _H), src4, dst4)

    h, part = _mid_call(
        S, dinv, bk11.reshape(1, _H), bk12.reshape(1, _H), Wk21, Wk22, Wr1,
        br1.reshape(1, 1), wr1.reshape(1, 1), part)
    S = _prop_call(h.reshape(_NC * _N, _H), src4, dst4)

    h, part = _mid_call(
        S, dinv, bk21.reshape(1, _H), bk22.reshape(1, _H), Wk31, Wk32, Wr2,
        br2.reshape(1, 1), wr2.reshape(1, 1), part)
    S = _prop_call(h.reshape(_NC * _N, _H), src4, dst4)

    out = _tc4_call(
        S, dinv, bk31.reshape(1, _H), bk32.reshape(1, _H), Wr3,
        br3.reshape(1, 1), wr3.reshape(1, 1), part)
    return out

# --- scband reference (transcript-rebuilt; emitter-appended) ---
"""Pipeline reference for scband-hgdc-9294309229062 (READ-ONLY COPY).

The authoritative reference and input builder live on the scoring server;
editing this copy changes nothing except your own understanding.
"""

import jax, jax.numpy as jnp
import numpy as np

N = 10000
E = 320000
D = 128
H = 128

def _p(key, shape, fan_in):
    return jax.random.normal(key, shape, dtype=jnp.float32) * (1.0 / np.sqrt(fan_in))

def setup_inputs(seed: int = 0):
    key = jax.random.key(seed)
    ks = jax.random.split(key, 32)
    inp = {}
    inp["x"] = jax.random.normal(ks[0], (N, D), dtype=jnp.float32)
    inp["edge_index"] = jax.random.randint(ks[1], (2, E), 0, N, dtype=jnp.int32)
    inp["edge_index_aux"] = jax.random.randint(ks[2], (2, E), 0, N, dtype=jnp.int32)
    inp["W1"] = _p(ks[3], (D, H), D)
    inp["b1"] = jnp.zeros((H,), jnp.float32)
    inp["Wk11"] = _p(ks[4], (H, H), H)
    inp["bk11"] = jnp.zeros((H,), jnp.float32)
    inp["Wk12"] = _p(ks[5], (H, H), H)
    inp["bk12"] = jnp.zeros((H,), jnp.float32)
    inp["Wk21"] = _p(ks[6], (2 * H, H), 2 * H)
    inp["bk21"] = jnp.zeros((H,), jnp.float32)
    inp["Wk22"] = _p(ks[7], (2 * H, H), 2 * H)
    inp["bk22"] = jnp.zeros((H,), jnp.float32)
    inp["Wk31"] = _p(ks[8], (2 * H, H), 2 * H)
    inp["bk31"] = jnp.zeros((H,), jnp.float32)
    inp["Wk32"] = _p(ks[9], (2 * H, H), 2 * H)
    inp["bk32"] = jnp.zeros((H,), jnp.float32)
    inp["Wr0"] = _p(ks[10], (H, 1), H)
    inp["br0"] = jnp.zeros((1,), jnp.float32)
    inp["Wr1"] = _p(ks[11], (2 * H, 1), 2 * H)
    inp["br1"] = jnp.zeros((1,), jnp.float32)
    inp["Wr2"] = _p(ks[12], (2 * H, 1), 2 * H)
    inp["br2"] = jnp.zeros((1,), jnp.float32)
    inp["Wr3"] = _p(ks[13], (2 * H, 1), 2 * H)
    inp["br3"] = jnp.zeros((1,), jnp.float32)
    inp["wr0"] = jnp.array([0.95], jnp.float32)
    inp["wr1"] = jnp.array([0.9], jnp.float32)
    inp["wr2"] = jnp.array([0.15], jnp.float32)
    inp["wr3"] = jnp.array([0.1], jnp.float32)
    return inp

def _gcn(x, src, dst, W, b):
    # GCNConv with add_self_loops=False: h = x W; symmetric norm from dst-degree; scatter-add to dst
    h = x @ W
    deg = jax.ops.segment_sum(jnp.ones(src.shape[0], jnp.float32), dst, num_segments=N)
    dinv = jnp.where(deg > 0, 1.0 / jnp.sqrt(deg), 0.0)
    norm = dinv[src] * dinv[dst]
    agg = jax.ops.segment_sum(h[src] * norm[:, None], dst, num_segments=N)
    return agg + b

def reference(x, edge_index, edge_index_aux, W1, b1, Wk11, bk11, Wk12, bk12, Wk21, bk21, Wk22, bk22, Wk31, bk31, Wk32, bk32, Wr0, br0, Wr1, br1, Wr2, br2, Wr3, br3, wr0, wr1, wr2, wr3):
    # eval mode: dropout_edge and F.dropout are identity
    s1, d1 = edge_index[0], edge_index[1]
    s2, d2 = edge_index_aux[0], edge_index_aux[1]
    R0 = jax.nn.relu(x @ W1 + b1)
    R1 = jnp.concatenate([_gcn(R0, s1, d1, Wk11, bk11), _gcn(R0, s2, d2, Wk12, bk12)], axis=1)
    R2 = jnp.concatenate([_gcn(R1, s1, d1, Wk21, bk21), _gcn(R1, s2, d2, Wk22, bk22)], axis=1)
    R3 = jnp.concatenate([_gcn(R2, s1, d1, Wk31, bk31), _gcn(R2, s2, d2, Wk32, bk32)], axis=1)
    res0 = R0 @ Wr0 + br0
    res1 = R1 @ Wr1 + br1
    res2 = R2 @ Wr2 + br2
    res3 = R3 @ Wr3 + br3
    return res0 * wr0 + res1 * wr1 + res2 * wr2 + res3 * wr3

if __name__ == "__main__":
    import jax
    _d = setup_inputs()
    print(jax.jit(kernel)(*tuple(_d.values())))

</pallas_src>

<mosaic_0001>
#map = affine_map<(d0, d1) -> (0, 0)>
#map1 = affine_map<(d0, d1) -> (0, 0, 0, 0)>
#map2 = affine_map<(d0, d1) -> (0, 0, 0)>
module attributes {stable_mosaic.version = 14 : i64} {
  func.func @_prop_body(%arg0: i32, %arg1: i32, %arg2: memref<20000x128xf32, #tpu.memory_space<hbm>>, %arg3: memref<2x16x200x100xi32, #tpu.memory_space<hbm>>, %arg4: memref<2x16x200x100xi32, #tpu.memory_space<hbm>>, %arg5: memref<2x10240x128xf32, #tpu.memory_space<hbm>>, %arg6: memref<8x100xi32, #tpu.memory_space<vmem>>, %arg7: memref<8x100xi32, #tpu.memory_space<vmem>>, %arg8: memref<3x100x128xf32, #tpu.memory_space<vmem>>, %arg9: memref<16x128xf32, #tpu.memory_space<vmem>>, %arg10: memref<10240x128xf32, #tpu.memory_space<vmem_shared>>, %arg11: memref<!tpu.dma_semaphore, #tpu.memory_space<semaphore_mem>>, %arg12: memref<!tpu.dma_semaphore, #tpu.memory_space<semaphore_mem>>) attributes {dimension_semantics = [#tpu.dimension_semantics<core_parallel>, #tpu.dimension_semantics<subcore_parallel>], iteration_bounds = array<i64: 2, 16>, scalar_prefetch = 0 : i64, scratch_operands = 7 : i64, tpu.core_type = #tpu.core_type<sc_vector_subcore>, window_params = [{transform_indices = #map}, {transform_indices = #map1}, {transform_indices = #map1}, {transform_indices = #map2}]} {
    %scan3A = arith.constant 0 : i32
    %scan3A_0 = arith.constant 0 : i32
    %scan3A_1 = arith.constant 128 : i32
    %scan3A_2 = arith.addi %scan3A_0, %scan3A_1 : i32
    %scan3A_3 = arith.constant 1 : i32
    %scan3A_4 = scf.for %scan3A_24 = %scan3A_0 to %scan3A_2 step %scan3A_3 iter_args(%scan3A_25 = %scan3A) -> (i32)  : i32 {
      %jit3A = arith.constant 8 : i32
      %div3A = arith.divsi %scan3A_24, %jit3A : i32
      %sign3A = arith.constant 0 : i32
      %sign3A_26 = arith.cmpi sgt, %scan3A_24, %sign3A : i32
      %sign3A_27 = arith.extui %sign3A_26 : i1 to i32
      %sign3A_28 = arith.constant 0 : i32
      %sign3A_29 = arith.cmpi slt, %scan3A_24, %sign3A_28 : i32
      %sign3A_30 = arith.extui %sign3A_29 : i1 to i32
      %sign3A_31 = arith.subi %sign3A_27, %sign3A_30 : i32
      %sign3A_32 = arith.constant 0 : i32
      %sign3A_33 = arith.cmpi sgt, %jit3A, %sign3A_32 : i32
      %sign3A_34 = arith.extui %sign3A_33 : i1 to i32
      %sign3A_35 = arith.constant 0 : i32
      %sign3A_36 = arith.cmpi slt, %jit3A, %sign3A_35 : i32
      %sign3A_37 = arith.extui %sign3A_36 : i1 to i32
      %sign3A_38 = arith.subi %sign3A_34, %sign3A_37 : i32
      %ne3A = arith.cmpi ne, %sign3A_31, %sign3A_38 : i32
      %rem3A = arith.remsi %scan3A_24, %jit3A : i32
      %ne3A_39 = arith.constant 0 : i32
      %ne3A_40 = arith.cmpi ne, %rem3A, %ne3A_39 : i32
      %and3A = arith.andi %ne3A, %ne3A_40 : i1
      %sub3A = arith.constant 1 : i32
      %sub3A_41 = arith.subi %div3A, %sub3A : i32
      %select_n3A = arith.select %and3A, %sub3A_41, %div3A : i32
      %jit3A_42 = arith.constant 8 : i32
      %eq3A = arith.constant 0 : i32
      %eq3A_43 = arith.cmpi eq, %jit3A_42, %eq3A : i32
      %jit3A_44 = arith.constant 1 : i32
      %select_n3A_45 = arith.select %eq3A_43, %jit3A_44, %jit3A_42 : i32
      %rem3A_46 = arith.remsi %scan3A_24, %select_n3A_45 : i32
      %ne3A_47 = arith.constant 0 : i32
      %ne3A_48 = arith.cmpi ne, %rem3A_46, %ne3A_47 : i32
      %lt3A = arith.constant 0 : i32
      %lt3A_49 = arith.cmpi slt, %rem3A_46, %lt3A : i32
      %lt3A_50 = arith.constant 0 : i32
      %lt3A_51 = arith.cmpi slt, %select_n3A_45, %lt3A_50 : i32
      %ne3A_52 = arith.xori %lt3A_49, %lt3A_51 : i1
      %and3A_53 = arith.andi %ne3A_52, %ne3A_48 : i1
      %add3A = arith.addi %rem3A_46, %select_n3A_45 : i32
      %select_n3A_54 = arith.select %and3A_53, %add3A, %rem3A_46 : i32
      %mul3A_55 = arith.constant 16 : i32
      %mul3A_56 = arith.muli %select_n3A_54, %mul3A_55 : i32
      %broadcast_in_dim3A = arith.constant 0.000000e+00 : f32
      %broadcast_in_dim3A_57 = vector.broadcast %broadcast_in_dim3A : f32 to vector<16xf32>
      %swap3A = arith.index_cast %select_n3A : i32 to index
      %swap3A_58 = arith.index_cast %mul3A_56 : i32 to index
      %swap3A_59 = tpu.vector_load %arg9[%swap3A, %swap3A_58] {strides = array<i32>} : memref<16x128xf32, #tpu.memory_space<vmem>>, vector<1x16xf32>,
      %swap3A_60 = vector.shape_cast %swap3A_59 : vector<1x16xf32> to vector<16xf32>
      %swap3A_61 = vector.shape_cast %broadcast_in_dim3A_57 : vector<16xf32> to vector<1x16xf32>
      tpu.vector_store %arg9[%swap3A, %swap3A_58], %swap3A_61 {strides = array<i32>} : memref<16x128xf32, #tpu.memory_space<vmem>>, vector<1x16xf32>,
      %scan3A_62 = arith.constant 0 : i32
      scf.yield %scan3A_62 : i32
    }
    %scan3A_5 = arith.constant 128 : i32
    %scan3A_6 = arith.constant 0 : i32
    %scan3A_7 = arith.constant 0 : i32
    %scan3A_8 = arith.constant 40 : i32
    %scan3A_9 = arith.addi %scan3A_7, %scan3A_8 : i32
    %scan3A_10 = arith.constant 1 : i32
    %scan3A_11 = scf.for %scan3A_24 = %scan3A_7 to %scan3A_9 step %scan3A_10 iter_args(%scan3A_25 = %scan3A_6) -> (i32)  : i32 {
      %mul3A_26 = arith.constant 640 : i32
      %mul3A_27 = arith.muli %arg1, %mul3A_26 : i32
      %mul3A_28 = arith.constant 16 : i32
      %mul3A_29 = arith.muli %scan3A_24, %mul3A_28 : i32
      %add3A = arith.addi %mul3A_27, %mul3A_29 : i32
      "tpu.region"() ({
        %run_scoped3A = tpu.sem_alloc : memref<!tpu.dma_semaphore, #tpu.memory_space<semaphore_mem>>
        %dma_start3A = arith.constant 0 : i32
        %dma_start3A_31 = tpu.memref_slice %arg10[%add3A, %dma_start3A] : memref<10240x128xf32, #tpu.memory_space<vmem_shared>> -> memref<16x128xf32, #tpu.memory_space<vmem_shared>>
        %dma_start3A_32 = arith.constant 0 : i32
        %dma_start3A_33 = tpu.memref_slice %arg10[%add3A, %dma_start3A_32] : memref<10240x128xf32, #tpu.memory_space<vmem_shared>> -> memref<16x128xf32, #tpu.memory_space<vmem_shared>>
        tpu.enqueue_dma source(%arg9 : memref<16x128xf32, #tpu.memory_space<vmem>>) target(%dma_start3A_33 : memref<16x128xf32, #tpu.memory_space<vmem_shared>>) target_semaphore(%run_scoped3A : memref<!tpu.dma_semaphore, #tpu.memory_space<semaphore_mem>>)
        %dma_wait3A = arith.constant 0 : i32
        %dma_wait3A_34 = tpu.memref_slice %arg10[%add3A, %dma_wait3A] : memref<10240x128xf32, #tpu.memory_space<vmem_shared>> -> memref<16x128xf32, #tpu.memory_space<vmem_shared>>
        %dma_wait3A_35 = arith.constant 0 : i32
        %dma_wait3A_36 = tpu.memref_slice %arg10[%add3A, %dma_wait3A_35] : memref<10240x128xf32, #tpu.memory_space<vmem_shared>> -> memref<16x128xf32, #tpu.memory_space<vmem_shared>>
        tpu.wait_dma2 semaphore(%run_scoped3A : memref<!tpu.dma_semaphore, #tpu.memory_space<semaphore_mem>>) src(%arg9 : memref<16x128xf32, #tpu.memory_space<vmem>>) dst(%dma_wait3A_36 : memref<16x128xf32, #tpu.memory_space<vmem_shared>>)
        tpu.yield
      }) : () -> ()
      %scan3A_30 = arith.constant 0 : i32
      scf.yield %scan3A_30 : i32
    }
    %scan3A_12 = arith.constant 40 : i32
    %barrier3A = arith.constant 0 : index
    tpu.barrier barrier_id(%barrier3A)
    %scan3A_13 = arith.constant 0 : i32
    %scan3A_14 = arith.constant 0 : i32
    %scan3A_15 = arith.constant 25 : i32
    %scan3A_16 = arith.addi %scan3A_14, %scan3A_15 : i32
    %scan3A_17 = arith.constant 1 : i32
    %scan3A_18 = scf.for %scan3A_24 = %scan3A_14 to %scan3A_16 step %scan3A_17 iter_args(%scan3A_25 = %scan3A_13) -> (i32)  : i32 {
      %mul3A_26 = arith.constant 8 : i32
      %mul3A_27 = arith.muli %scan3A_24, %mul3A_26 : i32
      "tpu.region"() ({
        %run_scoped3A = tpu.sem_alloc : memref<!tpu.dma_semaphore, #tpu.memory_space<semaphore_mem>>
        %dma_start3A_72 = arith.constant 0 : i32
        %dma_start3A_73 = tpu.memref_slice %arg3[%arg0, %arg1, %mul3A_27, %dma_start3A_72] : memref<2x16x200x100xi32, #tpu.memory_space<hbm>> -> memref<1x1x8x100xi32, #tpu.memory_space<hbm>>
        %dma_start3A_74 = tpu.memref_squeeze %dma_start3A_73 : memref<1x1x8x100xi32, #tpu.memory_space<hbm>> -> memref<8x100xi32, #tpu.memory_space<hbm>>
        %dma_start3A_75 = arith.constant 0 : i32
        %dma_start3A_76 = tpu.memref_slice %arg3[%arg0, %arg1, %mul3A_27, %dma_start3A_75] : memref<2x16x200x100xi32, #tpu.memory_space<hbm>> -> memref<1x1x8x100xi32, #tpu.memory_space<hbm>>
        %dma_start3A_77 = tpu.memref_squeeze %dma_start3A_76 : memref<1x1x8x100xi32, #tpu.memory_space<hbm>> -> memref<8x100xi32, #tpu.memory_space<hbm>>
        tpu.enqueue_dma source(%dma_start3A_77 : memref<8x100xi32, #tpu.memory_space<hbm>>) target(%arg6 : memref<8x100xi32, #tpu.memory_space<vmem>>) target_semaphore(%run_scoped3A : memref<!tpu.dma_semaphore, #tpu.memory_space<semaphore_mem>>)
        %dma_wait3A_78 = arith.constant 0 : i32
        %dma_wait3A_79 = tpu.memref_slice %arg3[%arg0, %arg1, %mul3A_27, %dma_wait3A_78] : memref<2x16x200x100xi32, #tpu.memory_space<hbm>> -> memref<1x1x8x100xi32, #tpu.memory_space<hbm>>
        %dma_wait3A_80 = tpu.memref_squeeze %dma_wait3A_79 : memref<1x1x8x100xi32, #tpu.memory_space<hbm>> -> memref<8x100xi32, #tpu.memory_space<hbm>>
        %dma_wait3A_81 = arith.constant 0 : i32
        %dma_wait3A_82 = tpu.memref_slice %arg3[%arg0, %arg1, %mul3A_27, %dma_wait3A_81] : memref<2x16x200x100xi32, #tpu.memory_space<hbm>> -> memref<1x1x8x100xi32, #tpu.memory_space<hbm>>
        %dma_wait3A_83 = tpu.memref_squeeze %dma_wait3A_82 : memref<1x1x8x100xi32, #tpu.memory_space<hbm>> -> memref<8x100xi32, #tpu.memory_space<hbm>>
        tpu.wait_dma2 semaphore(%run_scoped3A : memref<!tpu.dma_semaphore, #tpu.memory_space<semaphore_mem>>) src(%dma_wait3A_83 : memref<8x100xi32, #tpu.memory_space<hbm>>) dst(%arg6 : memref<8x100xi32, #tpu.memory_space<vmem>>)
        tpu.yield
      }) : () -> ()
      %mul3A_28 = arith.constant 8 : i32
      %mul3A_29 = arith.muli %scan3A_24, %mul3A_28 : i32
      "tpu.region"() ({
        %run_scoped3A = tpu.sem_alloc : memref<!tpu.dma_semaphore, #tpu.memory_space<semaphore_mem>>
        %dma_start3A_72 = arith.constant 0 : i32
        %dma_start3A_73 = tpu.memref_slice %arg4[%arg0, %arg1, %mul3A_29, %dma_start3A_72] : memref<2x16x200x100xi32, #tpu.memory_space<hbm>> -> memref<1x1x8x100xi32, #tpu.memory_space<hbm>>
        %dma_start3A_74 = tpu.memref_squeeze %dma_start3A_73 : memref<1x1x8x100xi32, #tpu.memory_space<hbm>> -> memref<8x100xi32, #tpu.memory_space<hbm>>
        %dma_start3A_75 = arith.constant 0 : i32
        %dma_start3A_76 = tpu.memref_slice %arg4[%arg0, %arg1, %mul3A_29, %dma_start3A_75] : memref<2x16x200x100xi32, #tpu.memory_space<hbm>> -> memref<1x1x8x100xi32, #tpu.memory_space<hbm>>
        %dma_start3A_77 = tpu.memref_squeeze %dma_start3A_76 : memref<1x1x8x100xi32, #tpu.memory_space<hbm>> -> memref<8x100xi32, #tpu.memory_space<hbm>>
        tpu.enqueue_dma source(%dma_start3A_77 : memref<8x100xi32, #tpu.memory_space<hbm>>) target(%arg7 : memref<8x100xi32, #tpu.memory_space<vmem>>) target_semaphore(%run_scoped3A : memref<!tpu.dma_semaphore, #tpu.memory_space<semaphore_mem>>)
        %dma_wait3A_78 = arith.constant 0 : i32
        %dma_wait3A_79 = tpu.memref_slice %arg4[%arg0, %arg1, %mul3A_29, %dma_wait3A_78] : memref<2x16x200x100xi32, #tpu.memory_space<hbm>> -> memref<1x1x8x100xi32, #tpu.memory_space<hbm>>
        %dma_wait3A_80 = tpu.memref_squeeze %dma_wait3A_79 : memref<1x1x8x100xi32, #tpu.memory_space<hbm>> -> memref<8x100xi32, #tpu.memory_space<hbm>>
        %dma_wait3A_81 = arith.constant 0 : i32
        %dma_wait3A_82 = tpu.memref_slice %arg4[%arg0, %arg1, %mul3A_29, %dma_wait3A_81] : memref<2x16x200x100xi32, #tpu.memory_space<hbm>> -> memref<1x1x8x100xi32, #tpu.memory_space<hbm>>
        %dma_wait3A_83 = tpu.memref_squeeze %dma_wait3A_82 : memref<1x1x8x100xi32, #tpu.memory_space<hbm>> -> memref<8x100xi32, #tpu.memory_space<hbm>>
        tpu.wait_dma2 semaphore(%run_scoped3A : memref<!tpu.dma_semaphore, #tpu.memory_space<semaphore_mem>>) src(%dma_wait3A_83 : memref<8x100xi32, #tpu.memory_space<hbm>>) dst(%arg7 : memref<8x100xi32, #tpu.memory_space<vmem>>)
        tpu.yield
      }) : () -> ()
      %dma_start3A = arith.constant 0 : i32
      %dma_start3A_30 = arith.constant 0 : i32
      %dma_start3A_31 = arith.constant 0 : i32
      %dma_start3A_32 = arith.constant 0 : i32
      %dma_start3A_33 = tpu.memref_slice %arg8[%dma_start3A_30, %dma_start3A_31, %dma_start3A_32] : memref<3x100x128xf32, #tpu.memory_space<vmem>> -> memref<1x100x128xf32, #tpu.memory_space<vmem>>
      %dma_start3A_34 = tpu.memref_squeeze %dma_start3A_33 : memref<1x100x128xf32, #tpu.memory_space<vmem>> -> memref<100x128xf32, #tpu.memory_space<vmem>>
      %dma_start3A_35 = arith.constant 0 : i32
      %dma_start3A_36 = tpu.memref_slice %arg6[%dma_start3A, %dma_start3A_35] : memref<8x100xi32, #tpu.memory_space<vmem>> -> memref<1x100xi32, #tpu.memory_space<vmem>>
      %dma_start3A_37 = tpu.memref_squeeze %dma_start3A_36 : memref<1x100xi32, #tpu.memory_space<vmem>> -> memref<100xi32, #tpu.memory_space<vmem>>
      %dma_start3A_38 = arith.constant 0 : i32
      %dma_start3A_39 = arith.constant 0 : i32
      %dma_start3A_40 = tpu.memref_slice %arg2[%dma_start3A_38, %dma_start3A_39] : memref<20000x128xf32, #tpu.memory_space<hbm>> -> memref<20000x128xf32, #tpu.memory_space<hbm>>
      tpu.enqueue_indirect_dma source(%dma_start3A_40 : memref<20000x128xf32, #tpu.memory_space<hbm>>) target(%dma_start3A_34 : memref<100x128xf32, #tpu.memory_space<vmem>>) offsets(%dma_start3A_37 : memref<100xi32, #tpu.memory_space<vmem>>) semaphore(%arg11 : memref<!tpu.dma_semaphore, #tpu.memory_space<semaphore_mem>>)
      %scan3A_41 = arith.constant 0 : i32
      %scan3A_42 = arith.constant 0 : i32
      %scan3A_43 = arith.constant 8 : i32
      %scan3A_44 = arith.addi %scan3A_42, %scan3A_43 : i32
      %scan3A_45 = arith.constant 1 : i32
      %scan3A_46 = scf.for %scan3A_72 = %scan3A_42 to %scan3A_44 step %scan3A_45 iter_args(%scan3A_73 = %scan3A_41) -> (i32)  : i32 {
        %ge3A = arith.constant 2 : i32
        %ge3A_74 = arith.cmpi sge, %scan3A_72, %ge3A : i32
        %convert_element_type3A = arith.extui %ge3A_74 : i1 to i32
        %cond3A = arith.constant 0 : i32
        %cond3A_75 = arith.cmpi ne, %convert_element_type3A, %cond3A : i32
        scf.if %cond3A_75 {
          %dma_wait3A_128 = arith.constant 0 : i32
          %dma_wait3A_129 = arith.constant 0 : i32
          %dma_wait3A_130 = arith.constant 0 : i32
          %dma_wait3A_131 = arith.constant 0 : i32
          %dma_wait3A_132 = tpu.memref_slice %arg8[%dma_wait3A_128, %dma_wait3A_130, %dma_wait3A_131] : memref<3x100x128xf32, #tpu.memory_space<vmem>> -> memref<1x100x128xf32, #tpu.memory_space<vmem>>
          %dma_wait3A_133 = tpu.memref_squeeze %dma_wait3A_132 : memref<1x100x128xf32, #tpu.memory_space<vmem>> -> memref<100x128xf32, #tpu.memory_space<vmem>>
          %dma_wait3A_134 = arith.constant 0 : i32
          %dma_wait3A_135 = tpu.memref_slice %arg7[%dma_wait3A_129, %dma_wait3A_134] : memref<8x100xi32, #tpu.memory_space<vmem>> -> memref<1x100xi32, #tpu.memory_space<vmem>>
          %dma_wait3A_136 = tpu.memref_squeeze %dma_wait3A_135 : memref<1x100xi32, #tpu.memory_space<vmem>> -> memref<100xi32, #tpu.memory_space<vmem>>
          %dma_wait3A_137 = arith.constant 0 : i32
          %dma_wait3A_138 = arith.constant 0 : i32
          %dma_wait3A_139 = tpu.memref_slice %arg10[%dma_wait3A_137, %dma_wait3A_138] : memref<10240x128xf32, #tpu.memory_space<vmem_shared>> -> memref<10240x128xf32, #tpu.memory_space<vmem_shared>>
          tpu.wait_indirect_dma semaphore(%arg12 : memref<!tpu.dma_semaphore, #tpu.memory_space<semaphore_mem>>) src(%dma_wait3A_133 : memref<100x128xf32, #tpu.memory_space<vmem>>) dst(%dma_wait3A_139 : memref<10240x128xf32, #tpu.memory_space<vmem_shared>>)
        } else {
        }
        %add3A = arith.constant 1 : i32
        %add3A_76 = arith.addi %scan3A_72, %add3A : i32
        %lt3A = arith.constant 8 : i32
        %lt3A_77 = arith.cmpi slt, %add3A_76, %lt3A : i32
        %convert_element_type3A_78 = arith.extui %lt3A_77 : i1 to i32
        %cond3A_79 = arith.constant 0 : i32
        %cond3A_80 = arith.cmpi ne, %convert_element_type3A_78, %cond3A_79 : i32
        scf.if %cond3A_80 {
          %add3A_128 = arith.constant 1 : i32
          %add3A_129 = arith.addi %scan3A_72, %add3A_128 : i32
          %add3A_130 = arith.constant 1 : i32
          %add3A_131 = arith.addi %scan3A_72, %add3A_130 : i32
          %jit3A_132 = arith.constant 3 : i32
          %eq3A_133 = arith.constant 0 : i32
          %eq3A_134 = arith.cmpi eq, %jit3A_132, %eq3A_133 : i32
          %jit3A_135 = arith.constant 1 : i32
          %select_n3A_136 = arith.select %eq3A_134, %jit3A_135, %jit3A_132 : i32
          %rem3A_137 = arith.remsi %add3A_131, %select_n3A_136 : i32
          %ne3A_138 = arith.constant 0 : i32
          %ne3A_139 = arith.cmpi ne, %rem3A_137, %ne3A_138 : i32
          %lt3A_140 = arith.constant 0 : i32
          %lt3A_141 = arith.cmpi slt, %rem3A_137, %lt3A_140 : i32
          %lt3A_142 = arith.constant 0 : i32
          %lt3A_143 = arith.cmpi slt, %select_n3A_136, %lt3A_142 : i32
          %ne3A_144 = arith.xori %lt3A_141, %lt3A_143 : i1
          %and3A_145 = arith.andi %ne3A_144, %ne3A_139 : i1
          %add3A_146 = arith.addi %rem3A_137, %select_n3A_136 : i32
          %select_n3A_147 = arith.select %and3A_145, %add3A_146, %rem3A_137 : i32
          %dma_start3A_148 = arith.constant 0 : i32
          %dma_start3A_149 = arith.constant 0 : i32
          %dma_start3A_150 = tpu.memref_slice %arg8[%select_n3A_147, %dma_start3A_148, %dma_start3A_149] : memref<3x100x128xf32, #tpu.memory_space<vmem>> -> memref<1x100x128xf32, #tpu.memory_space<vmem>>
          %dma_start3A_151 = tpu.memref_squeeze %dma_start3A_150 : memref<1x100x128xf32, #tpu.memory_space<vmem>> -> memref<100x128xf32, #tpu.memory_space<vmem>>
          %dma_start3A_152 = arith.constant 0 : i32
          %dma_start3A_153 = tpu.memref_slice %arg6[%add3A_129, %dma_start3A_152] : memref<8x100xi32, #tpu.memory_space<vmem>> -> memref<1x100xi32, #tpu.memory_space<vmem>>
          %dma_start3A_154 = tpu.memref_squeeze %dma_start3A_153 : memref<1x100xi32, #tpu.memory_space<vmem>> -> memref<100xi32, #tpu.memory_space<vmem>>
          %dma_start3A_155 = arith.constant 0 : i32
          %dma_start3A_156 = arith.constant 0 : i32
          %dma_start3A_157 = tpu.memref_slice %arg2[%dma_start3A_155, %dma_start3A_156] : memref<20000x128xf32, #tpu.memory_space<hbm>> -> memref<20000x128xf32, #tpu.memory_space<hbm>>
          tpu.enqueue_indirect_dma source(%dma_start3A_157 : memref<20000x128xf32, #tpu.memory_space<hbm>>) target(%dma_start3A_151 : memref<100x128xf32, #tpu.memory_space<vmem>>) offsets(%dma_start3A_154 : memref<100xi32, #tpu.memory_space<vmem>>) semaphore(%arg11 : memref<!tpu.dma_semaphore, #tpu.memory_space<semaphore_mem>>)
        } else {
        }
        %jit3A = arith.constant 3 : i32
        %eq3A = arith.constant 0 : i32
        %eq3A_81 = arith.cmpi eq, %jit3A, %eq3A : i32
        %jit3A_82 = arith.constant 1 : i32
        %select_n3A = arith.select %eq3A_81, %jit3A_82, %jit3A : i32
        %rem3A = arith.remsi %scan3A_72, %select_n3A : i32
        %ne3A = arith.constant 0 : i32
        %ne3A_83 = arith.cmpi ne, %rem3A, %ne3A : i32
        %lt3A_84 = arith.constant 0 : i32
        %lt3A_85 = arith.cmpi slt, %rem3A, %lt3A_84 : i32
        %lt3A_86 = arith.constant 0 : i32
        %lt3A_87 = arith.cmpi slt, %select_n3A, %lt3A_86 : i32
        %ne3A_88 = arith.xori %lt3A_85, %lt3A_87 : i1
        %and3A = arith.andi %ne3A_88, %ne3A_83 : i1
        %add3A_89 = arith.addi %rem3A, %select_n3A : i32
        %select_n3A_90 = arith.select %and3A, %add3A_89, %rem3A : i32
        %dma_wait3A_91 = arith.constant 0 : i32
        %dma_wait3A_92 = arith.constant 0 : i32
        %dma_wait3A_93 = tpu.memref_slice %arg8[%select_n3A_90, %dma_wait3A_91, %dma_wait3A_92] : memref<3x100x128xf32, #tpu.memory_space<vmem>> -> memref<1x100x128xf32, #tpu.memory_space<vmem>>
        %dma_wait3A_94 = tpu.memref_squeeze %dma_wait3A_93 : memref<1x100x128xf32, #tpu.memory_space<vmem>> -> memref<100x128xf32, #tpu.memory_space<vmem>>
        %dma_wait3A_95 = arith.constant 0 : i32
        %dma_wait3A_96 = tpu.memref_slice %arg6[%scan3A_72, %dma_wait3A_95] : memref<8x100xi32, #tpu.memory_space<vmem>> -> memref<1x100xi32, #tpu.memory_space<vmem>>
        %dma_wait3A_97 = tpu.memref_squeeze %dma_wait3A_96 : memref<1x100xi32, #tpu.memory_space<vmem>> -> memref<100xi32, #tpu.memory_space<vmem>>
        %dma_wait3A_98 = arith.constant 0 : i32
        %dma_wait3A_99 = arith.constant 0 : i32
        %dma_wait3A_100 = tpu.memref_slice %arg2[%dma_wait3A_98, %dma_wait3A_99] : memref<20000x128xf32, #tpu.memory_space<hbm>> -> memref<20000x128xf32, #tpu.memory_space<hbm>>
        tpu.wait_indirect_dma semaphore(%arg11 : memref<!tpu.dma_semaphore, #tpu.memory_space<semaphore_mem>>) src(%dma_wait3A_100 : memref<20000x128xf32, #tpu.memory_space<hbm>>) dst(%dma_wait3A_94 : memref<100x128xf32, #tpu.memory_space<vmem>>)
        %jit3A_101 = arith.constant 3 : i32
        %eq3A_102 = arith.constant 0 : i32
        %eq3A_103 = arith.cmpi eq, %jit3A_101, %eq3A_102 : i32
        %jit3A_104 = arith.constant 1 : i32
        %select_n3A_105 = arith.select %eq3A_103, %jit3A_104, %jit3A_101 : i32
        %rem3A_106 = arith.remsi %scan3A_72, %select_n3A_105 : i32
        %ne3A_107 = arith.constant 0 : i32
        %ne3A_108 = arith.cmpi ne, %rem3A_106, %ne3A_107 : i32
        %lt3A_109 = arith.constant 0 : i32
        %lt3A_110 = arith.cmpi slt, %rem3A_106, %lt3A_109 : i32
        %lt3A_111 = arith.constant 0 : i32
        %lt3A_112 = arith.cmpi slt, %select_n3A_105, %lt3A_111 : i32
        %ne3A_113 = arith.xori %lt3A_110, %lt3A_112 : i1
        %and3A_114 = arith.andi %ne3A_113, %ne3A_108 : i1
        %add3A_115 = arith.addi %rem3A_106, %select_n3A_105 : i32
        %select_n3A_116 = arith.select %and3A_114, %add3A_115, %rem3A_106 : i32
        %dma_start3A_117 = arith.constant 0 : i32
        %dma_start3A_118 = arith.constant 0 : i32
        %dma_start3A_119 = tpu.memref_slice %arg8[%select_n3A_116, %dma_start3A_117, %dma_start3A_118] : memref<3x100x128xf32, #tpu.memory_space<vmem>> -> memref<1x100x128xf32, #tpu.memory_space<vmem>>
        %dma_start3A_120 = tpu.memref_squeeze %dma_start3A_119 : memref<1x100x128xf32, #tpu.memory_space<vmem>> -> memref<100x128xf32, #tpu.memory_space<vmem>>
        %dma_start3A_121 = arith.constant 0 : i32
        %dma_start3A_122 = tpu.memref_slice %arg7[%scan3A_72, %dma_start3A_121] : memref<8x100xi32, #tpu.memory_space<vmem>> -> memref<1x100xi32, #tpu.memory_space<vmem>>
        %dma_start3A_123 = tpu.memref_squeeze %dma_start3A_122 : memref<1x100xi32, #tpu.memory_space<vmem>> -> memref<100xi32, #tpu.memory_space<vmem>>
        %dma_start3A_124 = arith.constant 0 : i32
        %dma_start3A_125 = arith.constant 0 : i32
        %dma_start3A_126 = tpu.memref_slice %arg10[%dma_start3A_124, %dma_start3A_125] : memref<10240x128xf32, #tpu.memory_space<vmem_shared>> -> memref<10240x128xf32, #tpu.memory_space<vmem_shared>>
        tpu.enqueue_indirect_dma source(%dma_start3A_120 : memref<100x128xf32, #tpu.memory_space<vmem>>) target(%dma_start3A_126 : memref<10240x128xf32, #tpu.memory_space<vmem_shared>>) offsets(%dma_start3A_123 : memref<100xi32, #tpu.memory_space<vmem>>) semaphore(%arg12 : memref<!tpu.dma_semaphore, #tpu.memory_space<semaphore_mem>>) {add = true}
        %scan3A_127 = arith.constant 0 : i32
        scf.yield %scan3A_127 : i32
      }
      %scan3A_47 = arith.constant 8 : i32
      %dma_wait3A = arith.constant 0 : i32
      %dma_wait3A_48 = arith.constant 0 : i32
      %dma_wait3A_49 = arith.constant 0 : i32
      %dma_wait3A_50 = arith.constant 0 : i32
      %dma_wait3A_51 = tpu.memref_slice %arg8[%dma_wait3A, %dma_wait3A_49, %dma_wait3A_50] : memref<3x100x128xf32, #tpu.memory_space<vmem>> -> memref<1x100x128xf32, #tpu.memory_space<vmem>>
      %dma_wait3A_52 = tpu.memref_squeeze %dma_wait3A_51 : memref<1x100x128xf32, #tpu.memory_space<vmem>> -> memref<100x128xf32, #tpu.memory_space<vmem>>
      %dma_wait3A_53 = arith.constant 0 : i32
      %dma_wait3A_54 = tpu.memref_slice %arg7[%dma_wait3A_48, %dma_wait3A_53] : memref<8x100xi32, #tpu.memory_space<vmem>> -> memref<1x100xi32, #tpu.memory_space<vmem>>
      %dma_wait3A_55 = tpu.memref_squeeze %dma_wait3A_54 : memref<1x100xi32, #tpu.memory_space<vmem>> -> memref<100xi32, #tpu.memory_space<vmem>>
      %dma_wait3A_56 = arith.constant 0 : i32
      %dma_wait3A_57 = arith.constant 0 : i32
      %dma_wait3A_58 = tpu.memref_slice %arg10[%dma_wait3A_56, %dma_wait3A_57] : memref<10240x128xf32, #tpu.memory_space<vmem_shared>> -> memref<10240x128xf32, #tpu.memory_space<vmem_shared>>
      tpu.wait_indirect_dma semaphore(%arg12 : memref<!tpu.dma_semaphore, #tpu.memory_space<semaphore_mem>>) src(%dma_wait3A_52 : memref<100x128xf32, #tpu.memory_space<vmem>>) dst(%dma_wait3A_58 : memref<10240x128xf32, #tpu.memory_space<vmem_shared>>)
      %dma_wait3A_59 = arith.constant 0 : i32
      %dma_wait3A_60 = arith.constant 0 : i32
      %dma_wait3A_61 = arith.constant 0 : i32
      %dma_wait3A_62 = arith.constant 0 : i32
      %dma_wait3A_63 = tpu.memref_slice %arg8[%dma_wait3A_59, %dma_wait3A_61, %dma_wait3A_62] : memref<3x100x128xf32, #tpu.memory_space<vmem>> -> memref<1x100x128xf32, #tpu.memory_space<vmem>>
      %dma_wait3A_64 = tpu.memref_squeeze %dma_wait3A_63 : memref<1x100x128xf32, #tpu.memory_space<vmem>> -> memref<100x128xf32, #tpu.memory_space<vmem>>
      %dma_wait3A_65 = arith.constant 0 : i32
      %dma_wait3A_66 = tpu.memref_slice %arg7[%dma_wait3A_60, %dma_wait3A_65] : memref<8x100xi32, #tpu.memory_space<vmem>> -> memref<1x100xi32, #tpu.memory_space<vmem>>
      %dma_wait3A_67 = tpu.memref_squeeze %dma_wait3A_66 : memref<1x100xi32, #tpu.memory_space<vmem>> -> memref<100xi32, #tpu.memory_space<vmem>>
      %dma_wait3A_68 = arith.constant 0 : i32
      %dma_wait3A_69 = arith.constant 0 : i32
      %dma_wait3A_70 = tpu.memref_slice %arg10[%dma_wait3A_68, %dma_wait3A_69] : memref<10240x128xf32, #tpu.memory_space<vmem_shared>> -> memref<10240x128xf32, #tpu.memory_space<vmem_shared>>
      tpu.wait_indirect_dma semaphore(%arg12 : memref<!tpu.dma_semaphore, #tpu.memory_space<semaphore_mem>>) src(%dma_wait3A_64 : memref<100x128xf32, #tpu.memory_space<vmem>>) dst(%dma_wait3A_70 : memref<10240x128xf32, #tpu.memory_space<vmem_shared>>)
      %scan3A_71 = arith.constant 0 : i32
      scf.yield %scan3A_71 : i32
    }
    %scan3A_19 = arith.constant 25 : i32
    %barrier3A_20 = arith.constant 0 : index
    tpu.barrier barrier_id(%barrier3A_20)
    %mul3A = arith.constant 640 : i32
    %mul3A_21 = arith.muli %arg1, %mul3A : i32
    %mul3A_22 = arith.constant 640 : i32
    %mul3A_23 = arith.muli %arg1, %mul3A_22 : i32
    "tpu.region"() ({
      %run_scoped3A = tpu.sem_alloc : memref<!tpu.dma_semaphore, #tpu.memory_space<semaphore_mem>>
      %dma_start3A = arith.constant 0 : i32
      %dma_start3A_24 = tpu.memref_slice %arg5[%arg0, %mul3A_23, %dma_start3A] : memref<2x10240x128xf32, #tpu.memory_space<hbm>> -> memref<1x640x128xf32, #tpu.memory_space<hbm>>
      %dma_start3A_25 = tpu.memref_squeeze %dma_start3A_24 : memref<1x640x128xf32, #tpu.memory_space<hbm>> -> memref<640x128xf32, #tpu.memory_space<hbm>>
      %dma_start3A_26 = arith.constant 0 : i32
      %dma_start3A_27 = tpu.memref_slice %arg10[%mul3A_21, %dma_start3A_26] : memref<10240x128xf32, #tpu.memory_space<vmem_shared>> -> memref<640x128xf32, #tpu.memory_space<vmem_shared>>
      tpu.enqueue_dma source(%dma_start3A_27 : memref<640x128xf32, #tpu.memory_space<vmem_shared>>) target(%dma_start3A_25 : memref<640x128xf32, #tpu.memory_space<hbm>>) target_semaphore(%run_scoped3A : memref<!tpu.dma_semaphore, #tpu.memory_space<semaphore_mem>>)
      %dma_wait3A = arith.constant 0 : i32
      %dma_wait3A_28 = tpu.memref_slice %arg5[%arg0, %mul3A_23, %dma_wait3A] : memref<2x10240x128xf32, #tpu.memory_space<hbm>> -> memref<1x640x128xf32, #tpu.memory_space<hbm>>
      %dma_wait3A_29 = tpu.memref_squeeze %dma_wait3A_28 : memref<1x640x128xf32, #tpu.memory_space<hbm>> -> memref<640x128xf32, #tpu.memory_space<hbm>>
      %dma_wait3A_30 = arith.constant 0 : i32
      %dma_wait3A_31 = tpu.memref_slice %arg10[%mul3A_21, %dma_wait3A_30] : memref<10240x128xf32, #tpu.memory_space<vmem_shared>> -> memref<640x128xf32, #tpu.memory_space<vmem_shared>>
      tpu.wait_dma2 semaphore(%run_scoped3A : memref<!tpu.dma_semaphore, #tpu.memory_space<semaphore_mem>>) src(%dma_wait3A_31 : memref<640x128xf32, #tpu.memory_space<vmem_shared>>) dst(%dma_wait3A_29 : memref<640x128xf32, #tpu.memory_space<hbm>>)
      tpu.yield
    }) : () -> ()
    return
  }
}

#map = affine_map<(d0, d1) -> (0, 0, 0, 0)>
#map1 = affine_map<(d0, d1) -> (0, 0, 0)>
module attributes {stable_mosaic.version = 14 : i64} {
  func.func @_deg_body(%arg0: i32, %arg1: i32, %arg2: memref<2x16x200x100xi32, #tpu.memory_space<hbm>>, %arg3: memref<2x10240x128xf32, #tpu.memory_space<hbm>>, %arg4: memref<2x40x100xi32, #tpu.memory_space<vmem>>, %arg5: memref<100x128xf32, #tpu.memory_space<vmem>>, %arg6: memref<16x128xf32, #tpu.memory_space<vmem>>, %arg7: memref<10240x128xf32, #tpu.memory_space<vmem_shared>>, %arg8: memref<!tpu.dma_semaphore, #tpu.memory_space<semaphore_mem>>) attributes {dimension_semantics = [#tpu.dimension_semantics<core_parallel>, #tpu.dimension_semantics<subcore_parallel>], iteration_bounds = array<i64: 2, 16>, scalar_prefetch = 0 : i64, scratch_operands = 5 : i64, tpu.core_type = #tpu.core_type<sc_vector_subcore>, window_params = [{transform_indices = #map}, {transform_indices = #map1}]} {
    %scan3A = arith.constant 0 : i32
    %scan3A_0 = arith.constant 0 : i32
    %scan3A_1 = arith.constant 800 : i32
    %scan3A_2 = arith.addi %scan3A_0, %scan3A_1 : i32
    %scan3A_3 = arith.constant 1 : i32
    %scan3A_4 = scf.for %scan3A_38 = %scan3A_0 to %scan3A_2 step %scan3A_3 iter_args(%scan3A_39 = %scan3A) -> (i32)  : i32 {
      %broadcast_in_dim3A = arith.constant 1.000000e+00 : f32
      %broadcast_in_dim3A_40 = vector.broadcast %broadcast_in_dim3A : f32 to vector<16xf32>
      %jit3A = arith.constant 8 : i32
      %div3A = arith.divsi %scan3A_38, %jit3A : i32
      %sign3A = arith.constant 0 : i32
      %sign3A_41 = arith.cmpi sgt, %scan3A_38, %sign3A : i32
      %sign3A_42 = arith.extui %sign3A_41 : i1 to i32
      %sign3A_43 = arith.constant 0 : i32
      %sign3A_44 = arith.cmpi slt, %scan3A_38, %sign3A_43 : i32
      %sign3A_45 = arith.extui %sign3A_44 : i1 to i32
      %sign3A_46 = arith.subi %sign3A_42, %sign3A_45 : i32
      %sign3A_47 = arith.constant 0 : i32
      %sign3A_48 = arith.cmpi sgt, %jit3A, %sign3A_47 : i32
      %sign3A_49 = arith.extui %sign3A_48 : i1 to i32
      %sign3A_50 = arith.constant 0 : i32
      %sign3A_51 = arith.cmpi slt, %jit3A, %sign3A_50 : i32
      %sign3A_52 = arith.extui %sign3A_51 : i1 to i32
      %sign3A_53 = arith.subi %sign3A_49, %sign3A_52 : i32
      %ne3A = arith.cmpi ne, %sign3A_46, %sign3A_53 : i32
      %rem3A = arith.remsi %scan3A_38, %jit3A : i32
      %ne3A_54 = arith.constant 0 : i32
      %ne3A_55 = arith.cmpi ne, %rem3A, %ne3A_54 : i32
      %and3A = arith.andi %ne3A, %ne3A_55 : i1
      %sub3A = arith.constant 1 : i32
      %sub3A_56 = arith.subi %div3A, %sub3A : i32
      %select_n3A = arith.select %and3A, %sub3A_56, %div3A : i32
      %jit3A_57 = arith.constant 8 : i32
      %eq3A = arith.constant 0 : i32
      %eq3A_58 = arith.cmpi eq, %jit3A_57, %eq3A : i32
      %jit3A_59 = arith.constant 1 : i32
      %select_n3A_60 = arith.select %eq3A_58, %jit3A_59, %jit3A_57 : i32
      %rem3A_61 = arith.remsi %scan3A_38, %select_n3A_60 : i32
      %ne3A_62 = arith.constant 0 : i32
      %ne3A_63 = arith.cmpi ne, %rem3A_61, %ne3A_62 : i32
      %lt3A = arith.constant 0 : i32
      %lt3A_64 = arith.cmpi slt, %rem3A_61, %lt3A : i32
      %lt3A_65 = arith.constant 0 : i32
      %lt3A_66 = arith.cmpi slt, %select_n3A_60, %lt3A_65 : i32
      %ne3A_67 = arith.xori %lt3A_64, %lt3A_66 : i1
      %and3A_68 = arith.andi %ne3A_67, %ne3A_63 : i1
      %add3A = arith.addi %rem3A_61, %select_n3A_60 : i32
      %select_n3A_69 = arith.select %and3A_68, %add3A, %rem3A_61 : i32
      %mul3A_70 = arith.constant 16 : i32
      %mul3A_71 = arith.muli %select_n3A_69, %mul3A_70 : i32
      %swap3A = arith.index_cast %select_n3A : i32 to index
      %swap3A_72 = arith.index_cast %mul3A_71 : i32 to index
      %swap3A_73 = tpu.vector_load %arg5[%swap3A, %swap3A_72] {strides = array<i32>} : memref<100x128xf32, #tpu.memory_space<vmem>>, vector<1x16xf32>,
      %swap3A_74 = vector.shape_cast %swap3A_73 : vector<1x16xf32> to vector<16xf32>
      %swap3A_75 = vector.shape_cast %broadcast_in_dim3A_40 : vector<16xf32> to vector<1x16xf32>
      tpu.vector_store %arg5[%swap3A, %swap3A_72], %swap3A_75 {strides = array<i32>} : memref<100x128xf32, #tpu.memory_space<vmem>>, vector<1x16xf32>,
      %scan3A_76 = arith.constant 0 : i32
      scf.yield %scan3A_76 : i32
    }
    %scan3A_5 = arith.constant 800 : i32
    %scan3A_6 = arith.constant 0 : i32
    %scan3A_7 = arith.constant 0 : i32
    %scan3A_8 = arith.constant 128 : i32
    %scan3A_9 = arith.addi %scan3A_7, %scan3A_8 : i32
    %scan3A_10 = arith.constant 1 : i32
    %scan3A_11 = scf.for %scan3A_38 = %scan3A_7 to %scan3A_9 step %scan3A_10 iter_args(%scan3A_39 = %scan3A_6) -> (i32)  : i32 {
      %broadcast_in_dim3A = arith.constant 0.000000e+00 : f32
      %broadcast_in_dim3A_40 = vector.broadcast %broadcast_in_dim3A : f32 to vector<16xf32>
      %jit3A = arith.constant 8 : i32
      %div3A = arith.divsi %scan3A_38, %jit3A : i32
      %sign3A = arith.constant 0 : i32
      %sign3A_41 = arith.cmpi sgt, %scan3A_38, %sign3A : i32
      %sign3A_42 = arith.extui %sign3A_41 : i1 to i32
      %sign3A_43 = arith.constant 0 : i32
      %sign3A_44 = arith.cmpi slt, %scan3A_38, %sign3A_43 : i32
      %sign3A_45 = arith.extui %sign3A_44 : i1 to i32
      %sign3A_46 = arith.subi %sign3A_42, %sign3A_45 : i32
      %sign3A_47 = arith.constant 0 : i32
      %sign3A_48 = arith.cmpi sgt, %jit3A, %sign3A_47 : i32
      %sign3A_49 = arith.extui %sign3A_48 : i1 to i32
      %sign3A_50 = arith.constant 0 : i32
      %sign3A_51 = arith.cmpi slt, %jit3A, %sign3A_50 : i32
      %sign3A_52 = arith.extui %sign3A_51 : i1 to i32
      %sign3A_53 = arith.subi %sign3A_49, %sign3A_52 : i32
      %ne3A = arith.cmpi ne, %sign3A_46, %sign3A_53 : i32
      %rem3A = arith.remsi %scan3A_38, %jit3A : i32
      %ne3A_54 = arith.constant 0 : i32
      %ne3A_55 = arith.cmpi ne, %rem3A, %ne3A_54 : i32
      %and3A = arith.andi %ne3A, %ne3A_55 : i1
      %sub3A = arith.constant 1 : i32
      %sub3A_56 = arith.subi %div3A, %sub3A : i32
      %select_n3A = arith.select %and3A, %sub3A_56, %div3A : i32
      %jit3A_57 = arith.constant 8 : i32
      %eq3A = arith.constant 0 : i32
      %eq3A_58 = arith.cmpi eq, %jit3A_57, %eq3A : i32
      %jit3A_59 = arith.constant 1 : i32
      %select_n3A_60 = arith.select %eq3A_58, %jit3A_59, %jit3A_57 : i32
      %rem3A_61 = arith.remsi %scan3A_38, %select_n3A_60 : i32
      %ne3A_62 = arith.constant 0 : i32
      %ne3A_63 = arith.cmpi ne, %rem3A_61, %ne3A_62 : i32
      %lt3A = arith.constant 0 : i32
      %lt3A_64 = arith.cmpi slt, %rem3A_61, %lt3A : i32
      %lt3A_65 = arith.constant 0 : i32
      %lt3A_66 = arith.cmpi slt, %select_n3A_60, %lt3A_65 : i32
      %ne3A_67 = arith.xori %lt3A_64, %lt3A_66 : i1
      %and3A_68 = arith.andi %ne3A_67, %ne3A_63 : i1
      %add3A = arith.addi %rem3A_61, %select_n3A_60 : i32
      %select_n3A_69 = arith.select %and3A_68, %add3A, %rem3A_61 : i32
      %mul3A_70 = arith.constant 16 : i32
      %mul3A_71 = arith.muli %select_n3A_69, %mul3A_70 : i32
      %swap3A = arith.index_cast %select_n3A : i32 to index
      %swap3A_72 = arith.index_cast %mul3A_71 : i32 to index
      %swap3A_73 = tpu.vector_load %arg6[%swap3A, %swap3A_72] {strides = array<i32>} : memref<16x128xf32, #tpu.memory_space<vmem>>, vector<1x16xf32>,
      %swap3A_74 = vector.shape_cast %swap3A_73 : vector<1x16xf32> to vector<16xf32>
      %swap3A_75 = vector.shape_cast %broadcast_in_dim3A_40 : vector<16xf32> to vector<1x16xf32>
      tpu.vector_store %arg6[%swap3A, %swap3A_72], %swap3A_75 {strides = array<i32>} : memref<16x128xf32, #tpu.memory_space<vmem>>, vector<1x16xf32>,
      %scan3A_76 = arith.constant 0 : i32
      scf.yield %scan3A_76 : i32
    }
    %scan3A_12 = arith.constant 128 : i32
    %scan3A_13 = arith.constant 0 : i32
    %scan3A_14 = arith.constant 0 : i32
    %scan3A_15 = arith.constant 40 : i32
    %scan3A_16 = arith.addi %scan3A_14, %scan3A_15 : i32
    %scan3A_17 = arith.constant 1 : i32
    %scan3A_18 = scf.for %scan3A_38 = %scan3A_14 to %scan3A_16 step %scan3A_17 iter_args(%scan3A_39 = %scan3A_13) -> (i32)  : i32 {
      %mul3A_40 = arith.constant 640 : i32
      %mul3A_41 = arith.muli %arg1, %mul3A_40 : i32
      %mul3A_42 = arith.constant 16 : i32
      %mul3A_43 = arith.muli %scan3A_38, %mul3A_42 : i32
      %add3A = arith.addi %mul3A_41, %mul3A_43 : i32
      "tpu.region"() ({
        %run_scoped3A = tpu.sem_alloc : memref<!tpu.dma_semaphore, #tpu.memory_space<semaphore_mem>>
        %dma_start3A = arith.constant 0 : i32
        %dma_start3A_45 = tpu.memref_slice %arg7[%add3A, %dma_start3A] : memref<10240x128xf32, #tpu.memory_space<vmem_shared>> -> memref<16x128xf32, #tpu.memory_space<vmem_shared>>
        %dma_start3A_46 = arith.constant 0 : i32
        %dma_start3A_47 = tpu.memref_slice %arg7[%add3A, %dma_start3A_46] : memref<10240x128xf32, #tpu.memory_space<vmem_shared>> -> memref<16x128xf32, #tpu.memory_space<vmem_shared>>
        tpu.enqueue_dma source(%arg6 : memref<16x128xf32, #tpu.memory_space<vmem>>) target(%dma_start3A_47 : memref<16x128xf32, #tpu.memory_space<vmem_shared>>) target_semaphore(%run_scoped3A : memref<!tpu.dma_semaphore, #tpu.memory_space<semaphore_mem>>)
        %dma_wait3A = arith.constant 0 : i32
        %dma_wait3A_48 = tpu.memref_slice %arg7[%add3A, %dma_wait3A] : memref<10240x128xf32, #tpu.memory_space<vmem_shared>> -> memref<16x128xf32, #tpu.memory_space<vmem_shared>>
        %dma_wait3A_49 = arith.constant 0 : i32
        %dma_wait3A_50 = tpu.memref_slice %arg7[%add3A, %dma_wait3A_49] : memref<10240x128xf32, #tpu.memory_space<vmem_shared>> -> memref<16x128xf32, #tpu.memory_space<vmem_shared>>
        tpu.wait_dma2 semaphore(%run_scoped3A : memref<!tpu.dma_semaphore, #tpu.memory_space<semaphore_mem>>) src(%arg6 : memref<16x128xf32, #tpu.memory_space<vmem>>) dst(%dma_wait3A_50 : memref<16x128xf32, #tpu.memory_space<vmem_shared>>)
        tpu.yield
      }) : () -> ()
      %scan3A_44 = arith.constant 0 : i32
      scf.yield %scan3A_44 : i32
    }
    %scan3A_19 = arith.constant 40 : i32
    %barrier3A = arith.constant 0 : index
    tpu.barrier barrier_id(%barrier3A)
    %scan3A_20 = arith.constant 0 : i32
    %scan3A_21 = arith.constant 0 : i32
    %scan3A_22 = arith.constant 5 : i32
    %scan3A_23 = arith.addi %scan3A_21, %scan3A_22 : i32
    %scan3A_24 = arith.constant 1 : i32
    %scan3A_25 = scf.for %scan3A_38 = %scan3A_21 to %scan3A_23 step %scan3A_24 iter_args(%scan3A_39 = %scan3A_20) -> (i32)  : i32 {
      %ge3A = arith.constant 2 : i32
      %ge3A_40 = arith.cmpi sge, %scan3A_38, %ge3A : i32
      %convert_element_type3A = arith.extui %ge3A_40 : i1 to i32
      %cond3A = arith.constant 0 : i32
      %cond3A_41 = arith.cmpi ne, %convert_element_type3A, %cond3A : i32
      scf.if %cond3A_41 {
        %scan3A_60 = arith.constant 0 : i32
        %scan3A_61 = arith.constant 0 : i32
        %scan3A_62 = arith.constant 40 : i32
        %scan3A_63 = arith.addi %scan3A_61, %scan3A_62 : i32
        %scan3A_64 = arith.constant 1 : i32
        %scan3A_65 = scf.for %scan3A_67 = %scan3A_61 to %scan3A_63 step %scan3A_64 iter_args(%scan3A_68 = %scan3A_60) -> (i32)  : i32 {
          %dma_wait3A = arith.constant 0 : i32
          %dma_wait3A_69 = arith.constant 0 : i32
          %dma_wait3A_70 = arith.constant 0 : i32
          %dma_wait3A_71 = tpu.memref_slice %arg4[%dma_wait3A, %dma_wait3A_69, %dma_wait3A_70] : memref<2x40x100xi32, #tpu.memory_space<vmem>> -> memref<1x1x100xi32, #tpu.memory_space<vmem>>
          %dma_wait3A_72 = tpu.memref_squeeze %dma_wait3A_71 : memref<1x1x100xi32, #tpu.memory_space<vmem>> -> memref<100xi32, #tpu.memory_space<vmem>>
          %dma_wait3A_73 = arith.constant 0 : i32
          %dma_wait3A_74 = arith.constant 0 : i32
          %dma_wait3A_75 = tpu.memref_slice %arg7[%dma_wait3A_73, %dma_wait3A_74] : memref<10240x128xf32, #tpu.memory_space<vmem_shared>> -> memref<10240x128xf32, #tpu.memory_space<vmem_shared>>
          tpu.wait_indirect_dma semaphore(%arg8 : memref<!tpu.dma_semaphore, #tpu.memory_space<semaphore_mem>>) src(%arg5 : memref<100x128xf32, #tpu.memory_space<vmem>>) dst(%dma_wait3A_75 : memref<10240x128xf32, #tpu.memory_space<vmem_shared>>)
          %scan3A_76 = arith.constant 0 : i32
          scf.yield %scan3A_76 : i32
        }
        %scan3A_66 = arith.constant 40 : i32
      } else {
      }
      %mul3A_42 = arith.constant 40 : i32
      %mul3A_43 = arith.muli %scan3A_38, %mul3A_42 : i32
      %jit3A = arith.constant 2 : i32
      %eq3A = arith.constant 0 : i32
      %eq3A_44 = arith.cmpi eq, %jit3A, %eq3A : i32
      %jit3A_45 = arith.constant 1 : i32
      %select_n3A = arith.select %eq3A_44, %jit3A_45, %jit3A : i32
      %rem3A = arith.remsi %scan3A_38, %select_n3A : i32
      %ne3A = arith.constant 0 : i32
      %ne3A_46 = arith.cmpi ne, %rem3A, %ne3A : i32
      %lt3A = arith.constant 0 : i32
      %lt3A_47 = arith.cmpi slt, %rem3A, %lt3A : i32
      %lt3A_48 = arith.constant 0 : i32
      %lt3A_49 = arith.cmpi slt, %select_n3A, %lt3A_48 : i32
      %ne3A_50 = arith.xori %lt3A_47, %lt3A_49 : i1
      %and3A = arith.andi %ne3A_50, %ne3A_46 : i1
      %add3A = arith.addi %rem3A, %select_n3A : i32
      %select_n3A_51 = arith.select %and3A, %add3A, %rem3A : i32
      "tpu.region"() ({
        %run_scoped3A = tpu.sem_alloc : memref<!tpu.dma_semaphore, #tpu.memory_space<semaphore_mem>>
        %dma_start3A = arith.constant 0 : i32
        %dma_start3A_60 = arith.constant 0 : i32
        %dma_start3A_61 = tpu.memref_slice %arg4[%select_n3A_51, %dma_start3A, %dma_start3A_60] : memref<2x40x100xi32, #tpu.memory_space<vmem>> -> memref<1x40x100xi32, #tpu.memory_space<vmem>>
        %dma_start3A_62 = tpu.memref_squeeze %dma_start3A_61 : memref<1x40x100xi32, #tpu.memory_space<vmem>> -> memref<40x100xi32, #tpu.memory_space<vmem>>
        %dma_start3A_63 = arith.constant 0 : i32
        %dma_start3A_64 = tpu.memref_slice %arg2[%arg0, %arg1, %mul3A_43, %dma_start3A_63] : memref<2x16x200x100xi32, #tpu.memory_space<hbm>> -> memref<1x1x40x100xi32, #tpu.memory_space<hbm>>
        %dma_start3A_65 = tpu.memref_squeeze %dma_start3A_64 : memref<1x1x40x100xi32, #tpu.memory_space<hbm>> -> memref<40x100xi32, #tpu.memory_space<hbm>>
        %dma_start3A_66 = arith.constant 0 : i32
        %dma_start3A_67 = arith.constant 0 : i32
        %dma_start3A_68 = tpu.memref_slice %arg4[%select_n3A_51, %dma_start3A_66, %dma_start3A_67] : memref<2x40x100xi32, #tpu.memory_space<vmem>> -> memref<1x40x100xi32, #tpu.memory_space<vmem>>
        %dma_start3A_69 = tpu.memref_squeeze %dma_start3A_68 : memref<1x40x100xi32, #tpu.memory_space<vmem>> -> memref<40x100xi32, #tpu.memory_space<vmem>>
        %dma_start3A_70 = arith.constant 0 : i32
        %dma_start3A_71 = tpu.memref_slice %arg2[%arg0, %arg1, %mul3A_43, %dma_start3A_70] : memref<2x16x200x100xi32, #tpu.memory_space<hbm>> -> memref<1x1x40x100xi32, #tpu.memory_space<hbm>>
        %dma_start3A_72 = tpu.memref_squeeze %dma_start3A_71 : memref<1x1x40x100xi32, #tpu.memory_space<hbm>> -> memref<40x100xi32, #tpu.memory_space<hbm>>
        tpu.enqueue_dma source(%dma_start3A_72 : memref<40x100xi32, #tpu.memory_space<hbm>>) target(%dma_start3A_69 : memref<40x100xi32, #tpu.memory_space<vmem>>) target_semaphore(%run_scoped3A : memref<!tpu.dma_semaphore, #tpu.memory_space<semaphore_mem>>)
        %dma_wait3A = arith.constant 0 : i32
        %dma_wait3A_73 = arith.constant 0 : i32
        %dma_wait3A_74 = tpu.memref_slice %arg4[%select_n3A_51, %dma_wait3A, %dma_wait3A_73] : memref<2x40x100xi32, #tpu.memory_space<vmem>> -> memref<1x40x100xi32, #tpu.memory_space<vmem>>
        %dma_wait3A_75 = tpu.memref_squeeze %dma_wait3A_74 : memref<1x40x100xi32, #tpu.memory_space<vmem>> -> memref<40x100xi32, #tpu.memory_space<vmem>>
        %dma_wait3A_76 = arith.constant 0 : i32
        %dma_wait3A_77 = tpu.memref_slice %arg2[%arg0, %arg1, %mul3A_43, %dma_wait3A_76] : memref<2x16x200x100xi32, #tpu.memory_space<hbm>> -> memref<1x1x40x100xi32, #tpu.memory_space<hbm>>
        %dma_wait3A_78 = tpu.memref_squeeze %dma_wait3A_77 : memref<1x1x40x100xi32, #tpu.memory_space<hbm>> -> memref<40x100xi32, #tpu.memory_space<hbm>>
        %dma_wait3A_79 = arith.constant 0 : i32
        %dma_wait3A_80 = arith.constant 0 : i32
        %dma_wait3A_81 = tpu.memref_slice %arg4[%select_n3A_51, %dma_wait3A_79, %dma_wait3A_80] : memref<2x40x100xi32, #tpu.memory_space<vmem>> -> memref<1x40x100xi32, #tpu.memory_space<vmem>>
        %dma_wait3A_82 = tpu.memref_squeeze %dma_wait3A_81 : memref<1x40x100xi32, #tpu.memory_space<vmem>> -> memref<40x100xi32, #tpu.memory_space<vmem>>
        %dma_wait3A_83 = arith.constant 0 : i32
        %dma_wait3A_84 = tpu.memref_slice %arg2[%arg0, %arg1, %mul3A_43, %dma_wait3A_83] : memref<2x16x200x100xi32, #tpu.memory_space<hbm>> -> memref<1x1x40x100xi32, #tpu.memory_space<hbm>>
        %dma_wait3A_85 = tpu.memref_squeeze %dma_wait3A_84 : memref<1x1x40x100xi32, #tpu.memory_space<hbm>> -> memref<40x100xi32, #tpu.memory_space<hbm>>
        tpu.wait_dma2 semaphore(%run_scoped3A : memref<!tpu.dma_semaphore, #tpu.memory_space<semaphore_mem>>) src(%dma_wait3A_85 : memref<40x100xi32, #tpu.memory_space<hbm>>) dst(%dma_wait3A_82 : memref<40x100xi32, #tpu.memory_space<vmem>>)
        tpu.yield
      }) : () -> ()
      %scan3A_52 = arith.constant 0 : i32
      %scan3A_53 = arith.constant 0 : i32
      %scan3A_54 = arith.constant 40 : i32
      %scan3A_55 = arith.addi %scan3A_53, %scan3A_54 : i32
      %scan3A_56 = arith.constant 1 : i32
      %scan3A_57 = scf.for %scan3A_60 = %scan3A_53 to %scan3A_55 step %scan3A_56 iter_args(%scan3A_61 = %scan3A_52) -> (i32)  : i32 {
        %jit3A_62 = arith.constant 2 : i32
        %eq3A_63 = arith.constant 0 : i32
        %eq3A_64 = arith.cmpi eq, %jit3A_62, %eq3A_63 : i32
        %jit3A_65 = arith.constant 1 : i32
        %select_n3A_66 = arith.select %eq3A_64, %jit3A_65, %jit3A_62 : i32
        %rem3A_67 = arith.remsi %scan3A_38, %select_n3A_66 : i32
        %ne3A_68 = arith.constant 0 : i32
        %ne3A_69 = arith.cmpi ne, %rem3A_67, %ne3A_68 : i32
        %lt3A_70 = arith.constant 0 : i32
        %lt3A_71 = arith.cmpi slt, %rem3A_67, %lt3A_70 : i32
        %lt3A_72 = arith.constant 0 : i32
        %lt3A_73 = arith.cmpi slt, %select_n3A_66, %lt3A_72 : i32
        %ne3A_74 = arith.xori %lt3A_71, %lt3A_73 : i1
        %and3A_75 = arith.andi %ne3A_74, %ne3A_69 : i1
        %add3A_76 = arith.addi %rem3A_67, %select_n3A_66 : i32
        %select_n3A_77 = arith.select %and3A_75, %add3A_76, %rem3A_67 : i32
        %dma_start3A = arith.constant 0 : i32
        %dma_start3A_78 = tpu.memref_slice %arg4[%select_n3A_77, %scan3A_60, %dma_start3A] : memref<2x40x100xi32, #tpu.memory_space<vmem>> -> memref<1x1x100xi32, #tpu.memory_space<vmem>>
        %dma_start3A_79 = tpu.memref_squeeze %dma_start3A_78 : memref<1x1x100xi32, #tpu.memory_space<vmem>> -> memref<100xi32, #tpu.memory_space<vmem>>
        %dma_start3A_80 = arith.constant 0 : i32
        %dma_start3A_81 = arith.constant 0 : i32
        %dma_start3A_82 = tpu.memref_slice %arg7[%dma_start3A_80, %dma_start3A_81] : memref<10240x128xf32, #tpu.memory_space<vmem_shared>> -> memref<10240x128xf32, #tpu.memory_space<vmem_shared>>
        tpu.enqueue_indirect_dma source(%arg5 : memref<100x128xf32, #tpu.memory_space<vmem>>) target(%dma_start3A_82 : memref<10240x128xf32, #tpu.memory_space<vmem_shared>>) offsets(%dma_start3A_79 : memref<100xi32, #tpu.memory_space<vmem>>) semaphore(%arg8 : memref<!tpu.dma_semaphore, #tpu.memory_space<semaphore_mem>>) {add = true}
        %scan3A_83 = arith.constant 0 : i32
        scf.yield %scan3A_83 : i32
      }
      %scan3A_58 = arith.constant 40 : i32
      %scan3A_59 = arith.constant 0 : i32
      scf.yield %scan3A_59 : i32
    }
    %scan3A_26 = arith.constant 5 : i32
    %scan3A_27 = arith.constant 0 : i32
    %scan3A_28 = arith.constant 0 : i32
    %scan3A_29 = arith.constant 80 : i32
    %scan3A_30 = arith.addi %scan3A_28, %scan3A_29 : i32
    %scan3A_31 = arith.constant 1 : i32
    %scan3A_32 = scf.for %scan3A_38 = %scan3A_28 to %scan3A_30 step %scan3A_31 iter_args(%scan3A_39 = %scan3A_27) -> (i32)  : i32 {
      %dma_wait3A = arith.constant 0 : i32
      %dma_wait3A_40 = arith.constant 0 : i32
      %dma_wait3A_41 = arith.constant 0 : i32
      %dma_wait3A_42 = tpu.memref_slice %arg4[%dma_wait3A, %dma_wait3A_40, %dma_wait3A_41] : memref<2x40x100xi32, #tpu.memory_space<vmem>> -> memref<1x1x100xi32, #tpu.memory_space<vmem>>
      %dma_wait3A_43 = tpu.memref_squeeze %dma_wait3A_42 : memref<1x1x100xi32, #tpu.memory_space<vmem>> -> memref<100xi32, #tpu.memory_space<vmem>>
      %dma_wait3A_44 = arith.constant 0 : i32
      %dma_wait3A_45 = arith.constant 0 : i32
      %dma_wait3A_46 = tpu.memref_slice %arg7[%dma_wait3A_44, %dma_wait3A_45] : memref<10240x128xf32, #tpu.memory_space<vmem_shared>> -> memref<10240x128xf32, #tpu.memory_space<vmem_shared>>
      tpu.wait_indirect_dma semaphore(%arg8 : memref<!tpu.dma_semaphore, #tpu.memory_space<semaphore_mem>>) src(%arg5 : memref<100x128xf32, #tpu.memory_space<vmem>>) dst(%dma_wait3A_46 : memref<10240x128xf32, #tpu.memory_space<vmem_shared>>)
      %scan3A_47 = arith.constant 0 : i32
      scf.yield %scan3A_47 : i32
    }
    %scan3A_33 = arith.constant 80 : i32
    %barrier3A_34 = arith.constant 0 : index
    tpu.barrier barrier_id(%barrier3A_34)
    %mul3A = arith.constant 640 : i32
    %mul3A_35 = arith.muli %arg1, %mul3A : i32
    %mul3A_36 = arith.constant 640 : i32
    %mul3A_37 = arith.muli %arg1, %mul3A_36 : i32
    "tpu.region"() ({
      %run_scoped3A = tpu.sem_alloc : memref<!tpu.dma_semaphore, #tpu.memory_space<semaphore_mem>>
      %dma_start3A = arith.constant 0 : i32
      %dma_start3A_38 = tpu.memref_slice %arg3[%arg0, %mul3A_37, %dma_start3A] : memref<2x10240x128xf32, #tpu.memory_space<hbm>> -> memref<1x640x128xf32, #tpu.memory_space<hbm>>
      %dma_start3A_39 = tpu.memref_squeeze %dma_start3A_38 : memref<1x640x128xf32, #tpu.memory_space<hbm>> -> memref<640x128xf32, #tpu.memory_space<hbm>>
      %dma_start3A_40 = arith.constant 0 : i32
      %dma_start3A_41 = tpu.memref_slice %arg7[%mul3A_35, %dma_start3A_40] : memref<10240x128xf32, #tpu.memory_space<vmem_shared>> -> memref<640x128xf32, #tpu.memory_space<vmem_shared>>
      tpu.enqueue_dma source(%dma_start3A_41 : memref<640x128xf32, #tpu.memory_space<vmem_shared>>) target(%dma_start3A_39 : memref<640x128xf32, #tpu.memory_space<hbm>>) target_semaphore(%run_scoped3A : memref<!tpu.dma_semaphore, #tpu.memory_space<semaphore_mem>>)
      %dma_wait3A = arith.constant 0 : i32
      %dma_wait3A_42 = tpu.memref_slice %arg3[%arg0, %mul3A_37, %dma_wait3A] : memref<2x10240x128xf32, #tpu.memory_space<hbm>> -> memref<1x640x128xf32, #tpu.memory_space<hbm>>
      %dma_wait3A_43 = tpu.memref_squeeze %dma_wait3A_42 : memref<1x640x128xf32, #tpu.memory_space<hbm>> -> memref<640x128xf32, #tpu.memory_space<hbm>>
      %dma_wait3A_44 = arith.constant 0 : i32
      %dma_wait3A_45 = tpu.memref_slice %arg7[%mul3A_35, %dma_wait3A_44] : memref<10240x128xf32, #tpu.memory_space<vmem_shared>> -> memref<640x128xf32, #tpu.memory_space<vmem_shared>>
      tpu.wait_dma2 semaphore(%run_scoped3A : memref<!tpu.dma_semaphore, #tpu.memory_space<semaphore_mem>>) src(%dma_wait3A_45 : memref<640x128xf32, #tpu.memory_space<vmem_shared>>) dst(%dma_wait3A_43 : memref<640x128xf32, #tpu.memory_space<hbm>>)
      tpu.yield
    }) : () -> ()
    return
  }
}

#map = affine_map<(d0, d1) -> (0, 0)>
#map1 = affine_map<(d0, d1) -> (0, 0, 0, 0)>
#map2 = affine_map<(d0, d1) -> (0, 0, 0)>
module attributes {stable_mosaic.version = 14 : i64} {
  func.func @_prop_body(%arg0: i32, %arg1: i32, %arg2: memref<20000x128xf32, #tpu.memory_space<hbm>>, %arg3: memref<2x16x200x100xi32, #tpu.memory_space<hbm>>, %arg4: memref<2x16x200x100xi32, #tpu.memory_space<hbm>>, %arg5: memref<2x10240x128xf32, #tpu.memory_space<hbm>>, %arg6: memref<8x100xi32, #tpu.memory_space<vmem>>, %arg7: memref<8x100xi32, #tpu.memory_space<vmem>>, %arg8: memref<3x100x128xf32, #tpu.memory_space<vmem>>, %arg9: memref<16x128xf32, #tpu.memory_space<vmem>>, %arg10: memref<10240x128xf32, #tpu.memory_space<vmem_shared>>, %arg11: memref<!tpu.dma_semaphore, #tpu.memory_space<semaphore_mem>>, %arg12: memref<!tpu.dma_semaphore, #tpu.memory_space<semaphore_mem>>) attributes {dimension_semantics = [#tpu.dimension_semantics<core_parallel>, #tpu.dimension_semantics<subcore_parallel>], iteration_bounds = array<i64: 2, 16>, scalar_prefetch = 0 : i64, scratch_operands = 7 : i64, tpu.core_type = #tpu.core_type<sc_vector_subcore>, window_params = [{transform_indices = #map}, {transform_indices = #map1}, {transform_indices = #map1}, {transform_indices = #map2}]} {
    %scan3A = arith.constant 0 : i32
    %scan3A_0 = arith.constant 0 : i32
    %scan3A_1 = arith.constant 128 : i32
    %scan3A_2 = arith.addi %scan3A_0, %scan3A_1 : i32
    %scan3A_3 = arith.constant 1 : i32
    %scan3A_4 = scf.for %scan3A_24 = %scan3A_0 to %scan3A_2 step %scan3A_3 iter_args(%scan3A_25 = %scan3A) -> (i32)  : i32 {
      %jit3A = arith.constant 8 : i32
      %div3A = arith.divsi %scan3A_24, %jit3A : i32
      %sign3A = arith.constant 0 : i32
      %sign3A_26 = arith.cmpi sgt, %scan3A_24, %sign3A : i32
      %sign3A_27 = arith.extui %sign3A_26 : i1 to i32
      %sign3A_28 = arith.constant 0 : i32
      %sign3A_29 = arith.cmpi slt, %scan3A_24, %sign3A_28 : i32
      %sign3A_30 = arith.extui %sign3A_29 : i1 to i32
      %sign3A_31 = arith.subi %sign3A_27, %sign3A_30 : i32
      %sign3A_32 = arith.constant 0 : i32
      %sign3A_33 = arith.cmpi sgt, %jit3A, %sign3A_32 : i32
      %sign3A_34 = arith.extui %sign3A_33 : i1 to i32
      %sign3A_35 = arith.constant 0 : i32
      %sign3A_36 = arith.cmpi slt, %jit3A, %sign3A_35 : i32
      %sign3A_37 = arith.extui %sign3A_36 : i1 to i32
      %sign3A_38 = arith.subi %sign3A_34, %sign3A_37 : i32
      %ne3A = arith.cmpi ne, %sign3A_31, %sign3A_38 : i32
      %rem3A = arith.remsi %scan3A_24, %jit3A : i32
      %ne3A_39 = arith.constant 0 : i32
      %ne3A_40 = arith.cmpi ne, %rem3A, %ne3A_39 : i32
      %and3A = arith.andi %ne3A, %ne3A_40 : i1
      %sub3A = arith.constant 1 : i32
      %sub3A_41 = arith.subi %div3A, %sub3A : i32
      %select_n3A = arith.select %and3A, %sub3A_41, %div3A : i32
      %jit3A_42 = arith.constant 8 : i32
      %eq3A = arith.constant 0 : i32
      %eq3A_43 = arith.cmpi eq, %jit3A_42, %eq3A : i32
      %jit3A_44 = arith.constant 1 : i32
      %select_n3A_45 = arith.select %eq3A_43, %jit3A_44, %jit3A_42 : i32
      %rem3A_46 = arith.remsi %scan3A_24, %select_n3A_45 : i32
      %ne3A_47 = arith.constant 0 : i32
      %ne3A_48 = arith.cmpi ne, %rem3A_46, %ne3A_47 : i32
      %lt3A = arith.constant 0 : i32
      %lt3A_49 = arith.cmpi slt, %rem3A_46, %lt3A : i32
      %lt3A_50 = arith.constant 0 : i32
      %lt3A_51 = arith.cmpi slt, %select_n3A_45, %lt3A_50 : i32
      %ne3A_52 = arith.xori %lt3A_49, %lt3A_51 : i1
      %and3A_53 = arith.andi %ne3A_52, %ne3A_48 : i1
      %add3A = arith.addi %rem3A_46, %select_n3A_45 : i32
      %select_n3A_54 = arith.select %and3A_53, %add3A, %rem3A_46 : i32
      %mul3A_55 = arith.constant 16 : i32
      %mul3A_56 = arith.muli %select_n3A_54, %mul3A_55 : i32
      %broadcast_in_dim3A = arith.constant 0.000000e+00 : f32
      %broadcast_in_dim3A_57 = vector.broadcast %broadcast_in_dim3A : f32 to vector<16xf32>
      %swap3A = arith.index_cast %select_n3A : i32 to index
      %swap3A_58 = arith.index_cast %mul3A_56 : i32 to index
      %swap3A_59 = tpu.vector_load %arg9[%swap3A, %swap3A_58] {strides = array<i32>} : memref<16x128xf32, #tpu.memory_space<vmem>>, vector<1x16xf32>,
      %swap3A_60 = vector.shape_cast %swap3A_59 : vector<1x16xf32> to vector<16xf32>
      %swap3A_61 = vector.shape_cast %broadcast_in_dim3A_57 : vector<16xf32> to vector<1x16xf32>
      tpu.vector_store %arg9[%swap3A, %swap3A_58], %swap3A_61 {strides = array<i32>} : memref<16x128xf32, #tpu.memory_space<vmem>>, vector<1x16xf32>,
      %scan3A_62 = arith.constant 0 : i32
      scf.yield %scan3A_62 : i32
    }
    %scan3A_5 = arith.constant 128 : i32
    %scan3A_6 = arith.constant 0 : i32
    %scan3A_7 = arith.constant 0 : i32
    %scan3A_8 = arith.constant 40 : i32
    %scan3A_9 = arith.addi %scan3A_7, %scan3A_8 : i32
    %scan3A_10 = arith.constant 1 : i32
    %scan3A_11 = scf.for %scan3A_24 = %scan3A_7 to %scan3A_9 step %scan3A_10 iter_args(%scan3A_25 = %scan3A_6) -> (i32)  : i32 {
      %mul3A_26 = arith.constant 640 : i32
      %mul3A_27 = arith.muli %arg1, %mul3A_26 : i32
      %mul3A_28 = arith.constant 16 : i32
      %mul3A_29 = arith.muli %scan3A_24, %mul3A_28 : i32
      %add3A = arith.addi %mul3A_27, %mul3A_29 : i32
      "tpu.region"() ({
        %run_scoped3A = tpu.sem_alloc : memref<!tpu.dma_semaphore, #tpu.memory_space<semaphore_mem>>
        %dma_start3A = arith.constant 0 : i32
        %dma_start3A_31 = tpu.memref_slice %arg10[%add3A, %dma_start3A] : memref<10240x128xf32, #tpu.memory_space<vmem_shared>> -> memref<16x128xf32, #tpu.memory_space<vmem_shared>>
        %dma_start3A_32 = arith.constant 0 : i32
        %dma_start3A_33 = tpu.memref_slice %arg10[%add3A, %dma_start3A_32] : memref<10240x128xf32, #tpu.memory_space<vmem_shared>> -> memref<16x128xf32, #tpu.memory_space<vmem_shared>>
        tpu.enqueue_dma source(%arg9 : memref<16x128xf32, #tpu.memory_space<vmem>>) target(%dma_start3A_33 : memref<16x128xf32, #tpu.memory_space<vmem_shared>>) target_semaphore(%run_scoped3A : memref<!tpu.dma_semaphore, #tpu.memory_space<semaphore_mem>>)
        %dma_wait3A = arith.constant 0 : i32
        %dma_wait3A_34 = tpu.memref_slice %arg10[%add3A, %dma_wait3A] : memref<10240x128xf32, #tpu.memory_space<vmem_shared>> -> memref<16x128xf32, #tpu.memory_space<vmem_shared>>
        %dma_wait3A_35 = arith.constant 0 : i32
        %dma_wait3A_36 = tpu.memref_slice %arg10[%add3A, %dma_wait3A_35] : memref<10240x128xf32, #tpu.memory_space<vmem_shared>> -> memref<16x128xf32, #tpu.memory_space<vmem_shared>>
        tpu.wait_dma2 semaphore(%run_scoped3A : memref<!tpu.dma_semaphore, #tpu.memory_space<semaphore_mem>>) src(%arg9 : memref<16x128xf32, #tpu.memory_space<vmem>>) dst(%dma_wait3A_36 : memref<16x128xf32, #tpu.memory_space<vmem_shared>>)
        tpu.yield
      }) : () -> ()
      %scan3A_30 = arith.constant 0 : i32
      scf.yield %scan3A_30 : i32
    }
    %scan3A_12 = arith.constant 40 : i32
    %barrier3A = arith.constant 0 : index
    tpu.barrier barrier_id(%barrier3A)
    %scan3A_13 = arith.constant 0 : i32
    %scan3A_14 = arith.constant 0 : i32
    %scan3A_15 = arith.constant 25 : i32
    %scan3A_16 = arith.addi %scan3A_14, %scan3A_15 : i32
    %scan3A_17 = arith.constant 1 : i32
    %scan3A_18 = scf.for %scan3A_24 = %scan3A_14 to %scan3A_16 step %scan3A_17 iter_args(%scan3A_25 = %scan3A_13) -> (i32)  : i32 {
      %mul3A_26 = arith.constant 8 : i32
      %mul3A_27 = arith.muli %scan3A_24, %mul3A_26 : i32
      "tpu.region"() ({
        %run_scoped3A = tpu.sem_alloc : memref<!tpu.dma_semaphore, #tpu.memory_space<semaphore_mem>>
        %dma_start3A_72 = arith.constant 0 : i32
        %dma_start3A_73 = tpu.memref_slice %arg3[%arg0, %arg1, %mul3A_27, %dma_start3A_72] : memref<2x16x200x100xi32, #tpu.memory_space<hbm>> -> memref<1x1x8x100xi32, #tpu.memory_space<hbm>>
        %dma_start3A_74 = tpu.memref_squeeze %dma_start3A_73 : memref<1x1x8x100xi32, #tpu.memory_space<hbm>> -> memref<8x100xi32, #tpu.memory_space<hbm>>
        %dma_start3A_75 = arith.constant 0 : i32
        %dma_start3A_76 = tpu.memref_slice %arg3[%arg0, %arg1, %mul3A_27, %dma_start3A_75] : memref<2x16x200x100xi32, #tpu.memory_space<hbm>> -> memref<1x1x8x100xi32, #tpu.memory_space<hbm>>
        %dma_start3A_77 = tpu.memref_squeeze %dma_start3A_76 : memref<1x1x8x100xi32, #tpu.memory_space<hbm>> -> memref<8x100xi32, #tpu.memory_space<hbm>>
        tpu.enqueue_dma source(%dma_start3A_77 : memref<8x100xi32, #tpu.memory_space<hbm>>) target(%arg6 : memref<8x100xi32, #tpu.memory_space<vmem>>) target_semaphore(%run_scoped3A : memref<!tpu.dma_semaphore, #tpu.memory_space<semaphore_mem>>)
        %dma_wait3A_78 = arith.constant 0 : i32
        %dma_wait3A_79 = tpu.memref_slice %arg3[%arg0, %arg1, %mul3A_27, %dma_wait3A_78] : memref<2x16x200x100xi32, #tpu.memory_space<hbm>> -> memref<1x1x8x100xi32, #tpu.memory_space<hbm>>
        %dma_wait3A_80 = tpu.memref_squeeze %dma_wait3A_79 : memref<1x1x8x100xi32, #tpu.memory_space<hbm>> -> memref<8x100xi32, #tpu.memory_space<hbm>>
        %dma_wait3A_81 = arith.constant 0 : i32
        %dma_wait3A_82 = tpu.memref_slice %arg3[%arg0, %arg1, %mul3A_27, %dma_wait3A_81] : memref<2x16x200x100xi32, #tpu.memory_space<hbm>> -> memref<1x1x8x100xi32, #tpu.memory_space<hbm>>
        %dma_wait3A_83 = tpu.memref_squeeze %dma_wait3A_82 : memref<1x1x8x100xi32, #tpu.memory_space<hbm>> -> memref<8x100xi32, #tpu.memory_space<hbm>>
        tpu.wait_dma2 semaphore(%run_scoped3A : memref<!tpu.dma_semaphore, #tpu.memory_space<semaphore_mem>>) src(%dma_wait3A_83 : memref<8x100xi32, #tpu.memory_space<hbm>>) dst(%arg6 : memref<8x100xi32, #tpu.memory_space<vmem>>)
        tpu.yield
      }) : () -> ()
      %mul3A_28 = arith.constant 8 : i32
      %mul3A_29 = arith.muli %scan3A_24, %mul3A_28 : i32
      "tpu.region"() ({
        %run_scoped3A = tpu.sem_alloc : memref<!tpu.dma_semaphore, #tpu.memory_space<semaphore_mem>>
        %dma_start3A_72 = arith.constant 0 : i32
        %dma_start3A_73 = tpu.memref_slice %arg4[%arg0, %arg1, %mul3A_29, %dma_start3A_72] : memref<2x16x200x100xi32, #tpu.memory_space<hbm>> -> memref<1x1x8x100xi32, #tpu.memory_space<hbm>>
        %dma_start3A_74 = tpu.memref_squeeze %dma_start3A_73 : memref<1x1x8x100xi32, #tpu.memory_space<hbm>> -> memref<8x100xi32, #tpu.memory_space<hbm>>
        %dma_start3A_75 = arith.constant 0 : i32
        %dma_start3A_76 = tpu.memref_slice %arg4[%arg0, %arg1, %mul3A_29, %dma_start3A_75] : memref<2x16x200x100xi32, #tpu.memory_space<hbm>> -> memref<1x1x8x100xi32, #tpu.memory_space<hbm>>
        %dma_start3A_77 = tpu.memref_squeeze %dma_start3A_76 : memref<1x1x8x100xi32, #tpu.memory_space<hbm>> -> memref<8x100xi32, #tpu.memory_space<hbm>>
        tpu.enqueue_dma source(%dma_start3A_77 : memref<8x100xi32, #tpu.memory_space<hbm>>) target(%arg7 : memref<8x100xi32, #tpu.memory_space<vmem>>) target_semaphore(%run_scoped3A : memref<!tpu.dma_semaphore, #tpu.memory_space<semaphore_mem>>)
        %dma_wait3A_78 = arith.constant 0 : i32
        %dma_wait3A_79 = tpu.memref_slice %arg4[%arg0, %arg1, %mul3A_29, %dma_wait3A_78] : memref<2x16x200x100xi32, #tpu.memory_space<hbm>> -> memref<1x1x8x100xi32, #tpu.memory_space<hbm>>
        %dma_wait3A_80 = tpu.memref_squeeze %dma_wait3A_79 : memref<1x1x8x100xi32, #tpu.memory_space<hbm>> -> memref<8x100xi32, #tpu.memory_space<hbm>>
        %dma_wait3A_81 = arith.constant 0 : i32
        %dma_wait3A_82 = tpu.memref_slice %arg4[%arg0, %arg1, %mul3A_29, %dma_wait3A_81] : memref<2x16x200x100xi32, #tpu.memory_space<hbm>> -> memref<1x1x8x100xi32, #tpu.memory_space<hbm>>
        %dma_wait3A_83 = tpu.memref_squeeze %dma_wait3A_82 : memref<1x1x8x100xi32, #tpu.memory_space<hbm>> -> memref<8x100xi32, #tpu.memory_space<hbm>>
        tpu.wait_dma2 semaphore(%run_scoped3A : memref<!tpu.dma_semaphore, #tpu.memory_space<semaphore_mem>>) src(%dma_wait3A_83 : memref<8x100xi32, #tpu.memory_space<hbm>>) dst(%arg7 : memref<8x100xi32, #tpu.memory_space<vmem>>)
        tpu.yield
      }) : () -> ()
      %dma_start3A = arith.constant 0 : i32
      %dma_start3A_30 = arith.constant 0 : i32
      %dma_start3A_31 = arith.constant 0 : i32
      %dma_start3A_32 = arith.constant 0 : i32
      %dma_start3A_33 = tpu.memref_slice %arg8[%dma_start3A_30, %dma_start3A_31, %dma_start3A_32] : memref<3x100x128xf32, #tpu.memory_space<vmem>> -> memref<1x100x128xf32, #tpu.memory_space<vmem>>
      %dma_start3A_34 = tpu.memref_squeeze %dma_start3A_33 : memref<1x100x128xf32, #tpu.memory_space<vmem>> -> memref<100x128xf32, #tpu.memory_space<vmem>>
      %dma_start3A_35 = arith.constant 0 : i32
      %dma_start3A_36 = tpu.memref_slice %arg6[%dma_start3A, %dma_start3A_35] : memref<8x100xi32, #tpu.memory_space<vmem>> -> memref<1x100xi32, #tpu.memory_space<vmem>>
      %dma_start3A_37 = tpu.memref_squeeze %dma_start3A_36 : memref<1x100xi32, #tpu.memory_space<vmem>> -> memref<100xi32, #tpu.memory_space<vmem>>
      %dma_start3A_38 = arith.constant 0 : i32
      %dma_start3A_39 = arith.constant 0 : i32
      %dma_start3A_40 = tpu.memref_slice %arg2[%dma_start3A_38, %dma_start3A_39] : memref<20000x128xf32, #tpu.memory_space<hbm>> -> memref<20000x128xf32, #tpu.memory_space<hbm>>
      tpu.enqueue_indirect_dma source(%dma_start3A_40 : memref<20000x128xf32, #tpu.memory_space<hbm>>) target(%dma_start3A_34 : memref<100x128xf32, #tpu.memory_space<vmem>>) offsets(%dma_start3A_37 : memref<100xi32, #tpu.memory_space<vmem>>) semaphore(%arg11 : memref<!tpu.dma_semaphore, #tpu.memory_space<semaphore_mem>>)
      %scan3A_41 = arith.constant 0 : i32
      %scan3A_42 = arith.constant 0 : i32
      %scan3A_43 = arith.constant 8 : i32
      %scan3A_44 = arith.addi %scan3A_42, %scan3A_43 : i32
      %scan3A_45 = arith.constant 1 : i32
      %scan3A_46 = scf.for %scan3A_72 = %scan3A_42 to %scan3A_44 step %scan3A_45 iter_args(%scan3A_73 = %scan3A_41) -> (i32)  : i32 {
        %ge3A = arith.constant 2 : i32
        %ge3A_74 = arith.cmpi sge, %scan3A_72, %ge3A : i32
        %convert_element_type3A = arith.extui %ge3A_74 : i1 to i32
        %cond3A = arith.constant 0 : i32
        %cond3A_75 = arith.cmpi ne, %convert_element_type3A, %cond3A : i32
        scf.if %cond3A_75 {
          %dma_wait3A_128 = arith.constant 0 : i32
          %dma_wait3A_129 = arith.constant 0 : i32
          %dma_wait3A_130 = arith.constant 0 : i32
          %dma_wait3A_131 = arith.constant 0 : i32
          %dma_wait3A_132 = tpu.memref_slice %arg8[%dma_wait3A_128, %dma_wait3A_130, %dma_wait3A_131] : memref<3x100x128xf32, #tpu.memory_space<vmem>> -> memref<1x100x128xf32, #tpu.memory_space<vmem>>
          %dma_wait3A_133 = tpu.memref_squeeze %dma_wait3A_132 : memref<1x100x128xf32, #tpu.memory_space<vmem>> -> memref<100x128xf32, #tpu.memory_space<vmem>>
          %dma_wait3A_134 = arith.constant 0 : i32
          %dma_wait3A_135 = tpu.memref_slice %arg7[%dma_wait3A_129, %dma_wait3A_134] : memref<8x100xi32, #tpu.memory_space<vmem>> -> memref<1x100xi32, #tpu.memory_space<vmem>>
          %dma_wait3A_136 = tpu.memref_squeeze %dma_wait3A_135 : memref<1x100xi32, #tpu.memory_space<vmem>> -> memref<100xi32, #tpu.memory_space<vmem>>
          %dma_wait3A_137 = arith.constant 0 : i32
          %dma_wait3A_138 = arith.constant 0 : i32
          %dma_wait3A_139 = tpu.memref_slice %arg10[%dma_wait3A_137, %dma_wait3A_138] : memref<10240x128xf32, #tpu.memory_space<vmem_shared>> -> memref<10240x128xf32, #tpu.memory_space<vmem_shared>>
          tpu.wait_indirect_dma semaphore(%arg12 : memref<!tpu.dma_semaphore, #tpu.memory_space<semaphore_mem>>) src(%dma_wait3A_133 : memref<100x128xf32, #tpu.memory_space<vmem>>) dst(%dma_wait3A_139 : memref<10240x128xf32, #tpu.memory_space<vmem_shared>>)
        } else {
        }
        %add3A = arith.constant 1 : i32
        %add3A_76 = arith.addi %scan3A_72, %add3A : i32
        %lt3A = arith.constant 8 : i32
        %lt3A_77 = arith.cmpi slt, %add3A_76, %lt3A : i32
        %convert_element_type3A_78 = arith.extui %lt3A_77 : i1 to i32
        %cond3A_79 = arith.constant 0 : i32
        %cond3A_80 = arith.cmpi ne, %convert_element_type3A_78, %cond3A_79 : i32
        scf.if %cond3A_80 {
          %add3A_128 = arith.constant 1 : i32
          %add3A_129 = arith.addi %scan3A_72, %add3A_128 : i32
          %add3A_130 = arith.constant 1 : i32
          %add3A_131 = arith.addi %scan3A_72, %add3A_130 : i32
          %jit3A_132 = arith.constant 3 : i32
          %eq3A_133 = arith.constant 0 : i32
          %eq3A_134 = arith.cmpi eq, %jit3A_132, %eq3A_133 : i32
          %jit3A_135 = arith.constant 1 : i32
          %select_n3A_136 = arith.select %eq3A_134, %jit3A_135, %jit3A_132 : i32
          %rem3A_137 = arith.remsi %add3A_131, %select_n3A_136 : i32
          %ne3A_138 = arith.constant 0 : i32
          %ne3A_139 = arith.cmpi ne, %rem3A_137, %ne3A_138 : i32
          %lt3A_140 = arith.constant 0 : i32
          %lt3A_141 = arith.cmpi slt, %rem3A_137, %lt3A_140 : i32
          %lt3A_142 = arith.constant 0 : i32
          %lt3A_143 = arith.cmpi slt, %select_n3A_136, %lt3A_142 : i32
          %ne3A_144 = arith.xori %lt3A_141, %lt3A_143 : i1
          %and3A_145 = arith.andi %ne3A_144, %ne3A_139 : i1
          %add3A_146 = arith.addi %rem3A_137, %select_n3A_136 : i32
          %select_n3A_147 = arith.select %and3A_145, %add3A_146, %rem3A_137 : i32
          %dma_start3A_148 = arith.constant 0 : i32
          %dma_start3A_149 = arith.constant 0 : i32
          %dma_start3A_150 = tpu.memref_slice %arg8[%select_n3A_147, %dma_start3A_148, %dma_start3A_149] : memref<3x100x128xf32, #tpu.memory_space<vmem>> -> memref<1x100x128xf32, #tpu.memory_space<vmem>>
          %dma_start3A_151 = tpu.memref_squeeze %dma_start3A_150 : memref<1x100x128xf32, #tpu.memory_space<vmem>> -> memref<100x128xf32, #tpu.memory_space<vmem>>
          %dma_start3A_152 = arith.constant 0 : i32
          %dma_start3A_153 = tpu.memref_slice %arg6[%add3A_129, %dma_start3A_152] : memref<8x100xi32, #tpu.memory_space<vmem>> -> memref<1x100xi32, #tpu.memory_space<vmem>>
          %dma_start3A_154 = tpu.memref_squeeze %dma_start3A_153 : memref<1x100xi32, #tpu.memory_space<vmem>> -> memref<100xi32, #tpu.memory_space<vmem>>
          %dma_start3A_155 = arith.constant 0 : i32
          %dma_start3A_156 = arith.constant 0 : i32
          %dma_start3A_157 = tpu.memref_slice %arg2[%dma_start3A_155, %dma_start3A_156] : memref<20000x128xf32, #tpu.memory_space<hbm>> -> memref<20000x128xf32, #tpu.memory_space<hbm>>
          tpu.enqueue_indirect_dma source(%dma_start3A_157 : memref<20000x128xf32, #tpu.memory_space<hbm>>) target(%dma_start3A_151 : memref<100x128xf32, #tpu.memory_space<vmem>>) offsets(%dma_start3A_154 : memref<100xi32, #tpu.memory_space<vmem>>) semaphore(%arg11 : memref<!tpu.dma_semaphore, #tpu.memory_space<semaphore_mem>>)
        } else {
        }
        %jit3A = arith.constant 3 : i32
        %eq3A = arith.constant 0 : i32
        %eq3A_81 = arith.cmpi eq, %jit3A, %eq3A : i32
        %jit3A_82 = arith.constant 1 : i32
        %select_n3A = arith.select %eq3A_81, %jit3A_82, %jit3A : i32
        %rem3A = arith.remsi %scan3A_72, %select_n3A : i32
        %ne3A = arith.constant 0 : i32
        %ne3A_83 = arith.cmpi ne, %rem3A, %ne3A : i32
        %lt3A_84 = arith.constant 0 : i32
        %lt3A_85 = arith.cmpi slt, %rem3A, %lt3A_84 : i32
        %lt3A_86 = arith.constant 0 : i32
        %lt3A_87 = arith.cmpi slt, %select_n3A, %lt3A_86 : i32
        %ne3A_88 = arith.xori %lt3A_85, %lt3A_87 : i1
        %and3A = arith.andi %ne3A_88, %ne3A_83 : i1
        %add3A_89 = arith.addi %rem3A, %select_n3A : i32
        %select_n3A_90 = arith.select %and3A, %add3A_89, %rem3A : i32
        %dma_wait3A_91 = arith.constant 0 : i32
        %dma_wait3A_92 = arith.constant 0 : i32
        %dma_wait3A_93 = tpu.memref_slice %arg8[%select_n3A_90, %dma_wait3A_91, %dma_wait3A_92] : memref<3x100x128xf32, #tpu.memory_space<vmem>> -> memref<1x100x128xf32, #tpu.memory_space<vmem>>
        %dma_wait3A_94 = tpu.memref_squeeze %dma_wait3A_93 : memref<1x100x128xf32, #tpu.memory_space<vmem>> -> memref<100x128xf32, #tpu.memory_space<vmem>>
        %dma_wait3A_95 = arith.constant 0 : i32
        %dma_wait3A_96 = tpu.memref_slice %arg6[%scan3A_72, %dma_wait3A_95] : memref<8x100xi32, #tpu.memory_space<vmem>> -> memref<1x100xi32, #tpu.memory_space<vmem>>
        %dma_wait3A_97 = tpu.memref_squeeze %dma_wait3A_96 : memref<1x100xi32, #tpu.memory_space<vmem>> -> memref<100xi32, #tpu.memory_space<vmem>>
        %dma_wait3A_98 = arith.constant 0 : i32
        %dma_wait3A_99 = arith.constant 0 : i32
        %dma_wait3A_100 = tpu.memref_slice %arg2[%dma_wait3A_98, %dma_wait3A_99] : memref<20000x128xf32, #tpu.memory_space<hbm>> -> memref<20000x128xf32, #tpu.memory_space<hbm>>
        tpu.wait_indirect_dma semaphore(%arg11 : memref<!tpu.dma_semaphore, #tpu.memory_space<semaphore_mem>>) src(%dma_wait3A_100 : memref<20000x128xf32, #tpu.memory_space<hbm>>) dst(%dma_wait3A_94 : memref<100x128xf32, #tpu.memory_space<vmem>>)
        %jit3A_101 = arith.constant 3 : i32
        %eq3A_102 = arith.constant 0 : i32
        %eq3A_103 = arith.cmpi eq, %jit3A_101, %eq3A_102 : i32
        %jit3A_104 = arith.constant 1 : i32
        %select_n3A_105 = arith.select %eq3A_103, %jit3A_104, %jit3A_101 : i32
        %rem3A_106 = arith.remsi %scan3A_72, %select_n3A_105 : i32
        %ne3A_107 = arith.constant 0 : i32
        %ne3A_108 = arith.cmpi ne, %rem3A_106, %ne3A_107 : i32
        %lt3A_109 = arith.constant 0 : i32
        %lt3A_110 = arith.cmpi slt, %rem3A_106, %lt3A_109 : i32
        %lt3A_111 = arith.constant 0 : i32
        %lt3A_112 = arith.cmpi slt, %select_n3A_105, %lt3A_111 : i32
        %ne3A_113 = arith.xori %lt3A_110, %lt3A_112 : i1
        %and3A_114 = arith.andi %ne3A_113, %ne3A_108 : i1
        %add3A_115 = arith.addi %rem3A_106, %select_n3A_105 : i32
        %select_n3A_116 = arith.select %and3A_114, %add3A_115, %rem3A_106 : i32
        %dma_start3A_117 = arith.constant 0 : i32
        %dma_start3A_118 = arith.constant 0 : i32
        %dma_start3A_119 = tpu.memref_slice %arg8[%select_n3A_116, %dma_start3A_117, %dma_start3A_118] : memref<3x100x128xf32, #tpu.memory_space<vmem>> -> memref<1x100x128xf32, #tpu.memory_space<vmem>>
        %dma_start3A_120 = tpu.memref_squeeze %dma_start3A_119 : memref<1x100x128xf32, #tpu.memory_space<vmem>> -> memref<100x128xf32, #tpu.memory_space<vmem>>
        %dma_start3A_121 = arith.constant 0 : i32
        %dma_start3A_122 = tpu.memref_slice %arg7[%scan3A_72, %dma_start3A_121] : memref<8x100xi32, #tpu.memory_space<vmem>> -> memref<1x100xi32, #tpu.memory_space<vmem>>
        %dma_start3A_123 = tpu.memref_squeeze %dma_start3A_122 : memref<1x100xi32, #tpu.memory_space<vmem>> -> memref<100xi32, #tpu.memory_space<vmem>>
        %dma_start3A_124 = arith.constant 0 : i32
        %dma_start3A_125 = arith.constant 0 : i32
        %dma_start3A_126 = tpu.memref_slice %arg10[%dma_start3A_124, %dma_start3A_125] : memref<10240x128xf32, #tpu.memory_space<vmem_shared>> -> memref<10240x128xf32, #tpu.memory_space<vmem_shared>>
        tpu.enqueue_indirect_dma source(%dma_start3A_120 : memref<100x128xf32, #tpu.memory_space<vmem>>) target(%dma_start3A_126 : memref<10240x128xf32, #tpu.memory_space<vmem_shared>>) offsets(%dma_start3A_123 : memref<100xi32, #tpu.memory_space<vmem>>) semaphore(%arg12 : memref<!tpu.dma_semaphore, #tpu.memory_space<semaphore_mem>>) {add = true}
        %scan3A_127 = arith.constant 0 : i32
        scf.yield %scan3A_127 : i32
      }
      %scan3A_47 = arith.constant 8 : i32
      %dma_wait3A = arith.constant 0 : i32
      %dma_wait3A_48 = arith.constant 0 : i32
      %dma_wait3A_49 = arith.constant 0 : i32
      %dma_wait3A_50 = arith.constant 0 : i32
      %dma_wait3A_51 = tpu.memref_slice %arg8[%dma_wait3A, %dma_wait3A_49, %dma_wait3A_50] : memref<3x100x128xf32, #tpu.memory_space<vmem>> -> memref<1x100x128xf32, #tpu.memory_space<vmem>>
      %dma_wait3A_52 = tpu.memref_squeeze %dma_wait3A_51 : memref<1x100x128xf32, #tpu.memory_space<vmem>> -> memref<100x128xf32, #tpu.memory_space<vmem>>
      %dma_wait3A_53 = arith.constant 0 : i32
      %dma_wait3A_54 = tpu.memref_slice %arg7[%dma_wait3A_48, %dma_wait3A_53] : memref<8x100xi32, #tpu.memory_space<vmem>> -> memref<1x100xi32, #tpu.memory_space<vmem>>
      %dma_wait3A_55 = tpu.memref_squeeze %dma_wait3A_54 : memref<1x100xi32, #tpu.memory_space<vmem>> -> memref<100xi32, #tpu.memory_space<vmem>>
      %dma_wait3A_56 = arith.constant 0 : i32
      %dma_wait3A_57 = arith.constant 0 : i32
      %dma_wait3A_58 = tpu.memref_slice %arg10[%dma_wait3A_56, %dma_wait3A_57] : memref<10240x128xf32, #tpu.memory_space<vmem_shared>> -> memref<10240x128xf32, #tpu.memory_space<vmem_shared>>
      tpu.wait_indirect_dma semaphore(%arg12 : memref<!tpu.dma_semaphore, #tpu.memory_space<semaphore_mem>>) src(%dma_wait3A_52 : memref<100x128xf32, #tpu.memory_space<vmem>>) dst(%dma_wait3A_58 : memref<10240x128xf32, #tpu.memory_space<vmem_shared>>)
      %dma_wait3A_59 = arith.constant 0 : i32
      %dma_wait3A_60 = arith.constant 0 : i32
      %dma_wait3A_61 = arith.constant 0 : i32
      %dma_wait3A_62 = arith.constant 0 : i32
      %dma_wait3A_63 = tpu.memref_slice %arg8[%dma_wait3A_59, %dma_wait3A_61, %dma_wait3A_62] : memref<3x100x128xf32, #tpu.memory_space<vmem>> -> memref<1x100x128xf32, #tpu.memory_space<vmem>>
      %dma_wait3A_64 = tpu.memref_squeeze %dma_wait3A_63 : memref<1x100x128xf32, #tpu.memory_space<vmem>> -> memref<100x128xf32, #tpu.memory_space<vmem>>
      %dma_wait3A_65 = arith.constant 0 : i32
      %dma_wait3A_66 = tpu.memref_slice %arg7[%dma_wait3A_60, %dma_wait3A_65] : memref<8x100xi32, #tpu.memory_space<vmem>> -> memref<1x100xi32, #tpu.memory_space<vmem>>
      %dma_wait3A_67 = tpu.memref_squeeze %dma_wait3A_66 : memref<1x100xi32, #tpu.memory_space<vmem>> -> memref<100xi32, #tpu.memory_space<vmem>>
      %dma_wait3A_68 = arith.constant 0 : i32
      %dma_wait3A_69 = arith.constant 0 : i32
      %dma_wait3A_70 = tpu.memref_slice %arg10[%dma_wait3A_68, %dma_wait3A_69] : memref<10240x128xf32, #tpu.memory_space<vmem_shared>> -> memref<10240x128xf32, #tpu.memory_space<vmem_shared>>
      tpu.wait_indirect_dma semaphore(%arg12 : memref<!tpu.dma_semaphore, #tpu.memory_space<semaphore_mem>>) src(%dma_wait3A_64 : memref<100x128xf32, #tpu.memory_space<vmem>>) dst(%dma_wait3A_70 : memref<10240x128xf32, #tpu.memory_space<vmem_shared>>)
      %scan3A_71 = arith.constant 0 : i32
      scf.yield %scan3A_71 : i32
    }
    %scan3A_19 = arith.constant 25 : i32
    %barrier3A_20 = arith.constant 0 : index
    tpu.barrier barrier_id(%barrier3A_20)
    %mul3A = arith.constant 640 : i32
    %mul3A_21 = arith.muli %arg1, %mul3A : i32
    %mul3A_22 = arith.constant 640 : i32
    %mul3A_23 = arith.muli %arg1, %mul3A_22 : i32
    "tpu.region"() ({
      %run_scoped3A = tpu.sem_alloc : memref<!tpu.dma_semaphore, #tpu.memory_space<semaphore_mem>>
      %dma_start3A = arith.constant 0 : i32
      %dma_start3A_24 = tpu.memref_slice %arg5[%arg0, %mul3A_23, %dma_start3A] : memref<2x10240x128xf32, #tpu.memory_space<hbm>> -> memref<1x640x128xf32, #tpu.memory_space<hbm>>
      %dma_start3A_25 = tpu.memref_squeeze %dma_start3A_24 : memref<1x640x128xf32, #tpu.memory_space<hbm>> -> memref<640x128xf32, #tpu.memory_space<hbm>>
      %dma_start3A_26 = arith.constant 0 : i32
      %dma_start3A_27 = tpu.memref_slice %arg10[%mul3A_21, %dma_start3A_26] : memref<10240x128xf32, #tpu.memory_space<vmem_shared>> -> memref<640x128xf32, #tpu.memory_space<vmem_shared>>
      tpu.enqueue_dma source(%dma_start3A_27 : memref<640x128xf32, #tpu.memory_space<vmem_shared>>) target(%dma_start3A_25 : memref<640x128xf32, #tpu.memory_space<hbm>>) target_semaphore(%run_scoped3A : memref<!tpu.dma_semaphore, #tpu.memory_space<semaphore_mem>>)
      %dma_wait3A = arith.constant 0 : i32
      %dma_wait3A_28 = tpu.memref_slice %arg5[%arg0, %mul3A_23, %dma_wait3A] : memref<2x10240x128xf32, #tpu.memory_space<hbm>> -> memref<1x640x128xf32, #tpu.memory_space<hbm>>
      %dma_wait3A_29 = tpu.memref_squeeze %dma_wait3A_28 : memref<1x640x128xf32, #tpu.memory_space<hbm>> -> memref<640x128xf32, #tpu.memory_space<hbm>>
      %dma_wait3A_30 = arith.constant 0 : i32
      %dma_wait3A_31 = tpu.memref_slice %arg10[%mul3A_21, %dma_wait3A_30] : memref<10240x128xf32, #tpu.memory_space<vmem_shared>> -> memref<640x128xf32, #tpu.memory_space<vmem_shared>>
      tpu.wait_dma2 semaphore(%run_scoped3A : memref<!tpu.dma_semaphore, #tpu.memory_space<semaphore_mem>>) src(%dma_wait3A_31 : memref<640x128xf32, #tpu.memory_space<vmem_shared>>) dst(%dma_wait3A_29 : memref<640x128xf32, #tpu.memory_space<hbm>>)
      tpu.yield
    }) : () -> ()
    return
  }
}

#map = affine_map<(d0, d1) -> (0, 0)>
#map1 = affine_map<(d0, d1) -> (0, 0, 0, 0)>
#map2 = affine_map<(d0, d1) -> (0, 0, 0)>
module attributes {stable_mosaic.version = 14 : i64} {
  func.func @_prop_body(%arg0: i32, %arg1: i32, %arg2: memref<20000x128xf32, #tpu.memory_space<hbm>>, %arg3: memref<2x16x200x100xi32, #tpu.memory_space<hbm>>, %arg4: memref<2x16x200x100xi32, #tpu.memory_space<hbm>>, %arg5: memref<2x10240x128xf32, #tpu.memory_space<hbm>>, %arg6: memref<8x100xi32, #tpu.memory_space<vmem>>, %arg7: memref<8x100xi32, #tpu.memory_space<vmem>>, %arg8: memref<3x100x128xf32, #tpu.memory_space<vmem>>, %arg9: memref<16x128xf32, #tpu.memory_space<vmem>>, %arg10: memref<10240x128xf32, #tpu.memory_space<vmem_shared>>, %arg11: memref<!tpu.dma_semaphore, #tpu.memory_space<semaphore_mem>>, %arg12: memref<!tpu.dma_semaphore, #tpu.memory_space<semaphore_mem>>) attributes {dimension_semantics = [#tpu.dimension_semantics<core_parallel>, #tpu.dimension_semantics<subcore_parallel>], iteration_bounds = array<i64: 2, 16>, scalar_prefetch = 0 : i64, scratch_operands = 7 : i64, tpu.core_type = #tpu.core_type<sc_vector_subcore>, window_params = [{transform_indices = #map}, {transform_indices = #map1}, {transform_indices = #map1}, {transform_indices = #map2}]} {
    %scan3A = arith.constant 0 : i32
    %scan3A_0 = arith.constant 0 : i32
    %scan3A_1 = arith.constant 128 : i32
    %scan3A_2 = arith.addi %scan3A_0, %scan3A_1 : i32
    %scan3A_3 = arith.constant 1 : i32
    %scan3A_4 = scf.for %scan3A_24 = %scan3A_0 to %scan3A_2 step %scan3A_3 iter_args(%scan3A_25 = %scan3A) -> (i32)  : i32 {
      %jit3A = arith.constant 8 : i32
      %div3A = arith.divsi %scan3A_24, %jit3A : i32
      %sign3A = arith.constant 0 : i32
      %sign3A_26 = arith.cmpi sgt, %scan3A_24, %sign3A : i32
      %sign3A_27 = arith.extui %sign3A_26 : i1 to i32
      %sign3A_28 = arith.constant 0 : i32
      %sign3A_29 = arith.cmpi slt, %scan3A_24, %sign3A_28 : i32
      %sign3A_30 = arith.extui %sign3A_29 : i1 to i32
      %sign3A_31 = arith.subi %sign3A_27, %sign3A_30 : i32
      %sign3A_32 = arith.constant 0 : i32
      %sign3A_33 = arith.cmpi sgt, %jit3A, %sign3A_32 : i32
      %sign3A_34 = arith.extui %sign3A_33 : i1 to i32
      %sign3A_35 = arith.constant 0 : i32
      %sign3A_36 = arith.cmpi slt, %jit3A, %sign3A_35 : i32
      %sign3A_37 = arith.extui %sign3A_36 : i1 to i32
      %sign3A_38 = arith.subi %sign3A_34, %sign3A_37 : i32
      %ne3A = arith.cmpi ne, %sign3A_31, %sign3A_38 : i32
      %rem3A = arith.remsi %scan3A_24, %jit3A : i32
      %ne3A_39 = arith.constant 0 : i32
      %ne3A_40 = arith.cmpi ne, %rem3A, %ne3A_39 : i32
      %and3A = arith.andi %ne3A, %ne3A_40 : i1
      %sub3A = arith.constant 1 : i32
      %sub3A_41 = arith.subi %div3A, %sub3A : i32
      %select_n3A = arith.select %and3A, %sub3A_41, %div3A : i32
      %jit3A_42 = arith.constant 8 : i32
      %eq3A = arith.constant 0 : i32
      %eq3A_43 = arith.cmpi eq, %jit3A_42, %eq3A : i32
      %jit3A_44 = arith.constant 1 : i32
      %select_n3A_45 = arith.select %eq3A_43, %jit3A_44, %jit3A_42 : i32
      %rem3A_46 = arith.remsi %scan3A_24, %select_n3A_45 : i32
      %ne3A_47 = arith.constant 0 : i32
      %ne3A_48 = arith.cmpi ne, %rem3A_46, %ne3A_47 : i32
      %lt3A = arith.constant 0 : i32
      %lt3A_49 = arith.cmpi slt, %rem3A_46, %lt3A : i32
      %lt3A_50 = arith.constant 0 : i32
      %lt3A_51 = arith.cmpi slt, %select_n3A_45, %lt3A_50 : i32
      %ne3A_52 = arith.xori %lt3A_49, %lt3A_51 : i1
      %and3A_53 = arith.andi %ne3A_52, %ne3A_48 : i1
      %add3A = arith.addi %rem3A_46, %select_n3A_45 : i32
      %select_n3A_54 = arith.select %and3A_53, %add3A, %rem3A_46 : i32
      %mul3A_55 = arith.constant 16 : i32
      %mul3A_56 = arith.muli %select_n3A_54, %mul3A_55 : i32
      %broadcast_in_dim3A = arith.constant 0.000000e+00 : f32
      %broadcast_in_dim3A_57 = vector.broadcast %broadcast_in_dim3A : f32 to vector<16xf32>
      %swap3A = arith.index_cast %select_n3A : i32 to index
      %swap3A_58 = arith.index_cast %mul3A_56 : i32 to index
      %swap3A_59 = tpu.vector_load %arg9[%swap3A, %swap3A_58] {strides = array<i32>} : memref<16x128xf32, #tpu.memory_space<vmem>>, vector<1x16xf32>,
      %swap3A_60 = vector.shape_cast %swap3A_59 : vector<1x16xf32> to vector<16xf32>
      %swap3A_61 = vector.shape_cast %broadcast_in_dim3A_57 : vector<16xf32> to vector<1x16xf32>
      tpu.vector_store %arg9[%swap3A, %swap3A_58], %swap3A_61 {strides = array<i32>} : memref<16x128xf32, #tpu.memory_space<vmem>>, vector<1x16xf32>,
      %scan3A_62 = arith.constant 0 : i32
      scf.yield %scan3A_62 : i32
    }
    %scan3A_5 = arith.constant 128 : i32
    %scan3A_6 = arith.constant 0 : i32
    %scan3A_7 = arith.constant 0 : i32
    %scan3A_8 = arith.constant 40 : i32
    %scan3A_9 = arith.addi %scan3A_7, %scan3A_8 : i32
    %scan3A_10 = arith.constant 1 : i32
    %scan3A_11 = scf.for %scan3A_24 = %scan3A_7 to %scan3A_9 step %scan3A_10 iter_args(%scan3A_25 = %scan3A_6) -> (i32)  : i32 {
      %mul3A_26 = arith.constant 640 : i32
      %mul3A_27 = arith.muli %arg1, %mul3A_26 : i32
      %mul3A_28 = arith.constant 16 : i32
      %mul3A_29 = arith.muli %scan3A_24, %mul3A_28 : i32
      %add3A = arith.addi %mul3A_27, %mul3A_29 : i32
      "tpu.region"() ({
        %run_scoped3A = tpu.sem_alloc : memref<!tpu.dma_semaphore, #tpu.memory_space<semaphore_mem>>
        %dma_start3A = arith.constant 0 : i32
        %dma_start3A_31 = tpu.memref_slice %arg10[%add3A, %dma_start3A] : memref<10240x128xf32, #tpu.memory_space<vmem_shared>> -> memref<16x128xf32, #tpu.memory_space<vmem_shared>>
        %dma_start3A_32 = arith.constant 0 : i32
        %dma_start3A_33 = tpu.memref_slice %arg10[%add3A, %dma_start3A_32] : memref<10240x128xf32, #tpu.memory_space<vmem_shared>> -> memref<16x128xf32, #tpu.memory_space<vmem_shared>>
        tpu.enqueue_dma source(%arg9 : memref<16x128xf32, #tpu.memory_space<vmem>>) target(%dma_start3A_33 : memref<16x128xf32, #tpu.memory_space<vmem_shared>>) target_semaphore(%run_scoped3A : memref<!tpu.dma_semaphore, #tpu.memory_space<semaphore_mem>>)
        %dma_wait3A = arith.constant 0 : i32
        %dma_wait3A_34 = tpu.memref_slice %arg10[%add3A, %dma_wait3A] : memref<10240x128xf32, #tpu.memory_space<vmem_shared>> -> memref<16x128xf32, #tpu.memory_space<vmem_shared>>
        %dma_wait3A_35 = arith.constant 0 : i32
        %dma_wait3A_36 = tpu.memref_slice %arg10[%add3A, %dma_wait3A_35] : memref<10240x128xf32, #tpu.memory_space<vmem_shared>> -> memref<16x128xf32, #tpu.memory_space<vmem_shared>>
        tpu.wait_dma2 semaphore(%run_scoped3A : memref<!tpu.dma_semaphore, #tpu.memory_space<semaphore_mem>>) src(%arg9 : memref<16x128xf32, #tpu.memory_space<vmem>>) dst(%dma_wait3A_36 : memref<16x128xf32, #tpu.memory_space<vmem_shared>>)
        tpu.yield
      }) : () -> ()
      %scan3A_30 = arith.constant 0 : i32
      scf.yield %scan3A_30 : i32
    }
    %scan3A_12 = arith.constant 40 : i32
    %barrier3A = arith.constant 0 : index
    tpu.barrier barrier_id(%barrier3A)
    %scan3A_13 = arith.constant 0 : i32
    %scan3A_14 = arith.constant 0 : i32
    %scan3A_15 = arith.constant 25 : i32
    %scan3A_16 = arith.addi %scan3A_14, %scan3A_15 : i32
    %scan3A_17 = arith.constant 1 : i32
    %scan3A_18 = scf.for %scan3A_24 = %scan3A_14 to %scan3A_16 step %scan3A_17 iter_args(%scan3A_25 = %scan3A_13) -> (i32)  : i32 {
      %mul3A_26 = arith.constant 8 : i32
      %mul3A_27 = arith.muli %scan3A_24, %mul3A_26 : i32
      "tpu.region"() ({
        %run_scoped3A = tpu.sem_alloc : memref<!tpu.dma_semaphore, #tpu.memory_space<semaphore_mem>>
        %dma_start3A_72 = arith.constant 0 : i32
        %dma_start3A_73 = tpu.memref_slice %arg3[%arg0, %arg1, %mul3A_27, %dma_start3A_72] : memref<2x16x200x100xi32, #tpu.memory_space<hbm>> -> memref<1x1x8x100xi32, #tpu.memory_space<hbm>>
        %dma_start3A_74 = tpu.memref_squeeze %dma_start3A_73 : memref<1x1x8x100xi32, #tpu.memory_space<hbm>> -> memref<8x100xi32, #tpu.memory_space<hbm>>
        %dma_start3A_75 = arith.constant 0 : i32
        %dma_start3A_76 = tpu.memref_slice %arg3[%arg0, %arg1, %mul3A_27, %dma_start3A_75] : memref<2x16x200x100xi32, #tpu.memory_space<hbm>> -> memref<1x1x8x100xi32, #tpu.memory_space<hbm>>
        %dma_start3A_77 = tpu.memref_squeeze %dma_start3A_76 : memref<1x1x8x100xi32, #tpu.memory_space<hbm>> -> memref<8x100xi32, #tpu.memory_space<hbm>>
        tpu.enqueue_dma source(%dma_start3A_77 : memref<8x100xi32, #tpu.memory_space<hbm>>) target(%arg6 : memref<8x100xi32, #tpu.memory_space<vmem>>) target_semaphore(%run_scoped3A : memref<!tpu.dma_semaphore, #tpu.memory_space<semaphore_mem>>)
        %dma_wait3A_78 = arith.constant 0 : i32
        %dma_wait3A_79 = tpu.memref_slice %arg3[%arg0, %arg1, %mul3A_27, %dma_wait3A_78] : memref<2x16x200x100xi32, #tpu.memory_space<hbm>> -> memref<1x1x8x100xi32, #tpu.memory_space<hbm>>
        %dma_wait3A_80 = tpu.memref_squeeze %dma_wait3A_79 : memref<1x1x8x100xi32, #tpu.memory_space<hbm>> -> memref<8x100xi32, #tpu.memory_space<hbm>>
        %dma_wait3A_81 = arith.constant 0 : i32
        %dma_wait3A_82 = tpu.memref_slice %arg3[%arg0, %arg1, %mul3A_27, %dma_wait3A_81] : memref<2x16x200x100xi32, #tpu.memory_space<hbm>> -> memref<1x1x8x100xi32, #tpu.memory_space<hbm>>
        %dma_wait3A_83 = tpu.memref_squeeze %dma_wait3A_82 : memref<1x1x8x100xi32, #tpu.memory_space<hbm>> -> memref<8x100xi32, #tpu.memory_space<hbm>>
        tpu.wait_dma2 semaphore(%run_scoped3A : memref<!tpu.dma_semaphore, #tpu.memory_space<semaphore_mem>>) src(%dma_wait3A_83 : memref<8x100xi32, #tpu.memory_space<hbm>>) dst(%arg6 : memref<8x100xi32, #tpu.memory_space<vmem>>)
        tpu.yield
      }) : () -> ()
      %mul3A_28 = arith.constant 8 : i32
      %mul3A_29 = arith.muli %scan3A_24, %mul3A_28 : i32
      "tpu.region"() ({
        %run_scoped3A = tpu.sem_alloc : memref<!tpu.dma_semaphore, #tpu.memory_space<semaphore_mem>>
        %dma_start3A_72 = arith.constant 0 : i32
        %dma_start3A_73 = tpu.memref_slice %arg4[%arg0, %arg1, %mul3A_29, %dma_start3A_72] : memref<2x16x200x100xi32, #tpu.memory_space<hbm>> -> memref<1x1x8x100xi32, #tpu.memory_space<hbm>>
        %dma_start3A_74 = tpu.memref_squeeze %dma_start3A_73 : memref<1x1x8x100xi32, #tpu.memory_space<hbm>> -> memref<8x100xi32, #tpu.memory_space<hbm>>
        %dma_start3A_75 = arith.constant 0 : i32
        %dma_start3A_76 = tpu.memref_slice %arg4[%arg0, %arg1, %mul3A_29, %dma_start3A_75] : memref<2x16x200x100xi32, #tpu.memory_space<hbm>> -> memref<1x1x8x100xi32, #tpu.memory_space<hbm>>
        %dma_start3A_77 = tpu.memref_squeeze %dma_start3A_76 : memref<1x1x8x100xi32, #tpu.memory_space<hbm>> -> memref<8x100xi32, #tpu.memory_space<hbm>>
        tpu.enqueue_dma source(%dma_start3A_77 : memref<8x100xi32, #tpu.memory_space<hbm>>) target(%arg7 : memref<8x100xi32, #tpu.memory_space<vmem>>) target_semaphore(%run_scoped3A : memref<!tpu.dma_semaphore, #tpu.memory_space<semaphore_mem>>)
        %dma_wait3A_78 = arith.constant 0 : i32
        %dma_wait3A_79 = tpu.memref_slice %arg4[%arg0, %arg1, %mul3A_29, %dma_wait3A_78] : memref<2x16x200x100xi32, #tpu.memory_space<hbm>> -> memref<1x1x8x100xi32, #tpu.memory_space<hbm>>
        %dma_wait3A_80 = tpu.memref_squeeze %dma_wait3A_79 : memref<1x1x8x100xi32, #tpu.memory_space<hbm>> -> memref<8x100xi32, #tpu.memory_space<hbm>>
        %dma_wait3A_81 = arith.constant 0 : i32
        %dma_wait3A_82 = tpu.memref_slice %arg4[%arg0, %arg1, %mul3A_29, %dma_wait3A_81] : memref<2x16x200x100xi32, #tpu.memory_space<hbm>> -> memref<1x1x8x100xi32, #tpu.memory_space<hbm>>
        %dma_wait3A_83 = tpu.memref_squeeze %dma_wait3A_82 : memref<1x1x8x100xi32, #tpu.memory_space<hbm>> -> memref<8x100xi32, #tpu.memory_space<hbm>>
        tpu.wait_dma2 semaphore(%run_scoped3A : memref<!tpu.dma_semaphore, #tpu.memory_space<semaphore_mem>>) src(%dma_wait3A_83 : memref<8x100xi32, #tpu.memory_space<hbm>>) dst(%arg7 : memref<8x100xi32, #tpu.memory_space<vmem>>)
        tpu.yield
      }) : () -> ()
      %dma_start3A = arith.constant 0 : i32
      %dma_start3A_30 = arith.constant 0 : i32
      %dma_start3A_31 = arith.constant 0 : i32
      %dma_start3A_32 = arith.constant 0 : i32
      %dma_start3A_33 = tpu.memref_slice %arg8[%dma_start3A_30, %dma_start3A_31, %dma_start3A_32] : memref<3x100x128xf32, #tpu.memory_space<vmem>> -> memref<1x100x128xf32, #tpu.memory_space<vmem>>
      %dma_start3A_34 = tpu.memref_squeeze %dma_start3A_33 : memref<1x100x128xf32, #tpu.memory_space<vmem>> -> memref<100x128xf32, #tpu.memory_space<vmem>>
      %dma_start3A_35 = arith.constant 0 : i32
      %dma_start3A_36 = tpu.memref_slice %arg6[%dma_start3A, %dma_start3A_35] : memref<8x100xi32, #tpu.memory_space<vmem>> -> memref<1x100xi32, #tpu.memory_space<vmem>>
      %dma_start3A_37 = tpu.memref_squeeze %dma_start3A_36 : memref<1x100xi32, #tpu.memory_space<vmem>> -> memref<100xi32, #tpu.memory_space<vmem>>
      %dma_start3A_38 = arith.constant 0 : i32
      %dma_start3A_39 = arith.constant 0 : i32
      %dma_start3A_40 = tpu.memref_slice %arg2[%dma_start3A_38, %dma_start3A_39] : memref<20000x128xf32, #tpu.memory_space<hbm>> -> memref<20000x128xf32, #tpu.memory_space<hbm>>
      tpu.enqueue_indirect_dma source(%dma_start3A_40 : memref<20000x128xf32, #tpu.memory_space<hbm>>) target(%dma_start3A_34 : memref<100x128xf32, #tpu.memory_space<vmem>>) offsets(%dma_start3A_37 : memref<100xi32, #tpu.memory_space<vmem>>) semaphore(%arg11 : memref<!tpu.dma_semaphore, #tpu.memory_space<semaphore_mem>>)
      %scan3A_41 = arith.constant 0 : i32
      %scan3A_42 = arith.constant 0 : i32
      %scan3A_43 = arith.constant 8 : i32
      %scan3A_44 = arith.addi %scan3A_42, %scan3A_43 : i32
      %scan3A_45 = arith.constant 1 : i32
      %scan3A_46 = scf.for %scan3A_72 = %scan3A_42 to %scan3A_44 step %scan3A_45 iter_args(%scan3A_73 = %scan3A_41) -> (i32)  : i32 {
        %ge3A = arith.constant 2 : i32
        %ge3A_74 = arith.cmpi sge, %scan3A_72, %ge3A : i32
        %convert_element_type3A = arith.extui %ge3A_74 : i1 to i32
        %cond3A = arith.constant 0 : i32
        %cond3A_75 = arith.cmpi ne, %convert_element_type3A, %cond3A : i32
        scf.if %cond3A_75 {
          %dma_wait3A_128 = arith.constant 0 : i32
          %dma_wait3A_129 = arith.constant 0 : i32
          %dma_wait3A_130 = arith.constant 0 : i32
          %dma_wait3A_131 = arith.constant 0 : i32
          %dma_wait3A_132 = tpu.memref_slice %arg8[%dma_wait3A_128, %dma_wait3A_130, %dma_wait3A_131] : memref<3x100x128xf32, #tpu.memory_space<vmem>> -> memref<1x100x128xf32, #tpu.memory_space<vmem>>
          %dma_wait3A_133 = tpu.memref_squeeze %dma_wait3A_132 : memref<1x100x128xf32, #tpu.memory_space<vmem>> -> memref<100x128xf32, #tpu.memory_space<vmem>>
          %dma_wait3A_134 = arith.constant 0 : i32
          %dma_wait3A_135 = tpu.memref_slice %arg7[%dma_wait3A_129, %dma_wait3A_134] : memref<8x100xi32, #tpu.memory_space<vmem>> -> memref<1x100xi32, #tpu.memory_space<vmem>>
          %dma_wait3A_136 = tpu.memref_squeeze %dma_wait3A_135 : memref<1x100xi32, #tpu.memory_space<vmem>> -> memref<100xi32, #tpu.memory_space<vmem>>
          %dma_wait3A_137 = arith.constant 0 : i32
          %dma_wait3A_138 = arith.constant 0 : i32
          %dma_wait3A_139 = tpu.memref_slice %arg10[%dma_wait3A_137, %dma_wait3A_138] : memref<10240x128xf32, #tpu.memory_space<vmem_shared>> -> memref<10240x128xf32, #tpu.memory_space<vmem_shared>>
          tpu.wait_indirect_dma semaphore(%arg12 : memref<!tpu.dma_semaphore, #tpu.memory_space<semaphore_mem>>) src(%dma_wait3A_133 : memref<100x128xf32, #tpu.memory_space<vmem>>) dst(%dma_wait3A_139 : memref<10240x128xf32, #tpu.memory_space<vmem_shared>>)
        } else {
        }
        %add3A = arith.constant 1 : i32
        %add3A_76 = arith.addi %scan3A_72, %add3A : i32
        %lt3A = arith.constant 8 : i32
        %lt3A_77 = arith.cmpi slt, %add3A_76, %lt3A : i32
        %convert_element_type3A_78 = arith.extui %lt3A_77 : i1 to i32
        %cond3A_79 = arith.constant 0 : i32
        %cond3A_80 = arith.cmpi ne, %convert_element_type3A_78, %cond3A_79 : i32
        scf.if %cond3A_80 {
          %add3A_128 = arith.constant 1 : i32
          %add3A_129 = arith.addi %scan3A_72, %add3A_128 : i32
          %add3A_130 = arith.constant 1 : i32
          %add3A_131 = arith.addi %scan3A_72, %add3A_130 : i32
          %jit3A_132 = arith.constant 3 : i32
          %eq3A_133 = arith.constant 0 : i32
          %eq3A_134 = arith.cmpi eq, %jit3A_132, %eq3A_133 : i32
          %jit3A_135 = arith.constant 1 : i32
          %select_n3A_136 = arith.select %eq3A_134, %jit3A_135, %jit3A_132 : i32
          %rem3A_137 = arith.remsi %add3A_131, %select_n3A_136 : i32
          %ne3A_138 = arith.constant 0 : i32
          %ne3A_139 = arith.cmpi ne, %rem3A_137, %ne3A_138 : i32
          %lt3A_140 = arith.constant 0 : i32
          %lt3A_141 = arith.cmpi slt, %rem3A_137, %lt3A_140 : i32
          %lt3A_142 = arith.constant 0 : i32
          %lt3A_143 = arith.cmpi slt, %select_n3A_136, %lt3A_142 : i32
          %ne3A_144 = arith.xori %lt3A_141, %lt3A_143 : i1
          %and3A_145 = arith.andi %ne3A_144, %ne3A_139 : i1
          %add3A_146 = arith.addi %rem3A_137, %select_n3A_136 : i32
          %select_n3A_147 = arith.select %and3A_145, %add3A_146, %rem3A_137 : i32
          %dma_start3A_148 = arith.constant 0 : i32
          %dma_start3A_149 = arith.constant 0 : i32
          %dma_start3A_150 = tpu.memref_slice %arg8[%select_n3A_147, %dma_start3A_148, %dma_start3A_149] : memref<3x100x128xf32, #tpu.memory_space<vmem>> -> memref<1x100x128xf32, #tpu.memory_space<vmem>>
          %dma_start3A_151 = tpu.memref_squeeze %dma_start3A_150 : memref<1x100x128xf32, #tpu.memory_space<vmem>> -> memref<100x128xf32, #tpu.memory_space<vmem>>
          %dma_start3A_152 = arith.constant 0 : i32
          %dma_start3A_153 = tpu.memref_slice %arg6[%add3A_129, %dma_start3A_152] : memref<8x100xi32, #tpu.memory_space<vmem>> -> memref<1x100xi32, #tpu.memory_space<vmem>>
          %dma_start3A_154 = tpu.memref_squeeze %dma_start3A_153 : memref<1x100xi32, #tpu.memory_space<vmem>> -> memref<100xi32, #tpu.memory_space<vmem>>
          %dma_start3A_155 = arith.constant 0 : i32
          %dma_start3A_156 = arith.constant 0 : i32
          %dma_start3A_157 = tpu.memref_slice %arg2[%dma_start3A_155, %dma_start3A_156] : memref<20000x128xf32, #tpu.memory_space<hbm>> -> memref<20000x128xf32, #tpu.memory_space<hbm>>
          tpu.enqueue_indirect_dma source(%dma_start3A_157 : memref<20000x128xf32, #tpu.memory_space<hbm>>) target(%dma_start3A_151 : memref<100x128xf32, #tpu.memory_space<vmem>>) offsets(%dma_start3A_154 : memref<100xi32, #tpu.memory_space<vmem>>) semaphore(%arg11 : memref<!tpu.dma_semaphore, #tpu.memory_space<semaphore_mem>>)
        } else {
        }
        %jit3A = arith.constant 3 : i32
        %eq3A = arith.constant 0 : i32
        %eq3A_81 = arith.cmpi eq, %jit3A, %eq3A : i32
        %jit3A_82 = arith.constant 1 : i32
        %select_n3A = arith.select %eq3A_81, %jit3A_82, %jit3A : i32
        %rem3A = arith.remsi %scan3A_72, %select_n3A : i32
        %ne3A = arith.constant 0 : i32
        %ne3A_83 = arith.cmpi ne, %rem3A, %ne3A : i32
        %lt3A_84 = arith.constant 0 : i32
        %lt3A_85 = arith.cmpi slt, %rem3A, %lt3A_84 : i32
        %lt3A_86 = arith.constant 0 : i32
        %lt3A_87 = arith.cmpi slt, %select_n3A, %lt3A_86 : i32
        %ne3A_88 = arith.xori %lt3A_85, %lt3A_87 : i1
        %and3A = arith.andi %ne3A_88, %ne3A_83 : i1
        %add3A_89 = arith.addi %rem3A, %select_n3A : i32
        %select_n3A_90 = arith.select %and3A, %add3A_89, %rem3A : i32
        %dma_wait3A_91 = arith.constant 0 : i32
        %dma_wait3A_92 = arith.constant 0 : i32
        %dma_wait3A_93 = tpu.memref_slice %arg8[%select_n3A_90, %dma_wait3A_91, %dma_wait3A_92] : memref<3x100x128xf32, #tpu.memory_space<vmem>> -> memref<1x100x128xf32, #tpu.memory_space<vmem>>
        %dma_wait3A_94 = tpu.memref_squeeze %dma_wait3A_93 : memref<1x100x128xf32, #tpu.memory_space<vmem>> -> memref<100x128xf32, #tpu.memory_space<vmem>>
        %dma_wait3A_95 = arith.constant 0 : i32
        %dma_wait3A_96 = tpu.memref_slice %arg6[%scan3A_72, %dma_wait3A_95] : memref<8x100xi32, #tpu.memory_space<vmem>> -> memref<1x100xi32, #tpu.memory_space<vmem>>
        %dma_wait3A_97 = tpu.memref_squeeze %dma_wait3A_96 : memref<1x100xi32, #tpu.memory_space<vmem>> -> memref<100xi32, #tpu.memory_space<vmem>>
        %dma_wait3A_98 = arith.constant 0 : i32
        %dma_wait3A_99 = arith.constant 0 : i32
        %dma_wait3A_100 = tpu.memref_slice %arg2[%dma_wait3A_98, %dma_wait3A_99] : memref<20000x128xf32, #tpu.memory_space<hbm>> -> memref<20000x128xf32, #tpu.memory_space<hbm>>
        tpu.wait_indirect_dma semaphore(%arg11 : memref<!tpu.dma_semaphore, #tpu.memory_space<semaphore_mem>>) src(%dma_wait3A_100 : memref<20000x128xf32, #tpu.memory_space<hbm>>) dst(%dma_wait3A_94 : memref<100x128xf32, #tpu.memory_space<vmem>>)
        %jit3A_101 = arith.constant 3 : i32
        %eq3A_102 = arith.constant 0 : i32
        %eq3A_103 = arith.cmpi eq, %jit3A_101, %eq3A_102 : i32
        %jit3A_104 = arith.constant 1 : i32
        %select_n3A_105 = arith.select %eq3A_103, %jit3A_104, %jit3A_101 : i32
        %rem3A_106 = arith.remsi %scan3A_72, %select_n3A_105 : i32
        %ne3A_107 = arith.constant 0 : i32
        %ne3A_108 = arith.cmpi ne, %rem3A_106, %ne3A_107 : i32
        %lt3A_109 = arith.constant 0 : i32
        %lt3A_110 = arith.cmpi slt, %rem3A_106, %lt3A_109 : i32
        %lt3A_111 = arith.constant 0 : i32
        %lt3A_112 = arith.cmpi slt, %select_n3A_105, %lt3A_111 : i32
        %ne3A_113 = arith.xori %lt3A_110, %lt3A_112 : i1
        %and3A_114 = arith.andi %ne3A_113, %ne3A_108 : i1
        %add3A_115 = arith.addi %rem3A_106, %select_n3A_105 : i32
        %select_n3A_116 = arith.select %and3A_114, %add3A_115, %rem3A_106 : i32
        %dma_start3A_117 = arith.constant 0 : i32
        %dma_start3A_118 = arith.constant 0 : i32
        %dma_start3A_119 = tpu.memref_slice %arg8[%select_n3A_116, %dma_start3A_117, %dma_start3A_118] : memref<3x100x128xf32, #tpu.memory_space<vmem>> -> memref<1x100x128xf32, #tpu.memory_space<vmem>>
        %dma_start3A_120 = tpu.memref_squeeze %dma_start3A_119 : memref<1x100x128xf32, #tpu.memory_space<vmem>> -> memref<100x128xf32, #tpu.memory_space<vmem>>
        %dma_start3A_121 = arith.constant 0 : i32
        %dma_start3A_122 = tpu.memref_slice %arg7[%scan3A_72, %dma_start3A_121] : memref<8x100xi32, #tpu.memory_space<vmem>> -> memref<1x100xi32, #tpu.memory_space<vmem>>
        %dma_start3A_123 = tpu.memref_squeeze %dma_start3A_122 : memref<1x100xi32, #tpu.memory_space<vmem>> -> memref<100xi32, #tpu.memory_space<vmem>>
        %dma_start3A_124 = arith.constant 0 : i32
        %dma_start3A_125 = arith.constant 0 : i32
        %dma_start3A_126 = tpu.memref_slice %arg10[%dma_start3A_124, %dma_start3A_125] : memref<10240x128xf32, #tpu.memory_space<vmem_shared>> -> memref<10240x128xf32, #tpu.memory_space<vmem_shared>>
        tpu.enqueue_indirect_dma source(%dma_start3A_120 : memref<100x128xf32, #tpu.memory_space<vmem>>) target(%dma_start3A_126 : memref<10240x128xf32, #tpu.memory_space<vmem_shared>>) offsets(%dma_start3A_123 : memref<100xi32, #tpu.memory_space<vmem>>) semaphore(%arg12 : memref<!tpu.dma_semaphore, #tpu.memory_space<semaphore_mem>>) {add = true}
        %scan3A_127 = arith.constant 0 : i32
        scf.yield %scan3A_127 : i32
      }
      %scan3A_47 = arith.constant 8 : i32
      %dma_wait3A = arith.constant 0 : i32
      %dma_wait3A_48 = arith.constant 0 : i32
      %dma_wait3A_49 = arith.constant 0 : i32
      %dma_wait3A_50 = arith.constant 0 : i32
      %dma_wait3A_51 = tpu.memref_slice %arg8[%dma_wait3A, %dma_wait3A_49, %dma_wait3A_50] : memref<3x100x128xf32, #tpu.memory_space<vmem>> -> memref<1x100x128xf32, #tpu.memory_space<vmem>>
      %dma_wait3A_52 = tpu.memref_squeeze %dma_wait3A_51 : memref<1x100x128xf32, #tpu.memory_space<vmem>> -> memref<100x128xf32, #tpu.memory_space<vmem>>
      %dma_wait3A_53 = arith.constant 0 : i32
      %dma_wait3A_54 = tpu.memref_slice %arg7[%dma_wait3A_48, %dma_wait3A_53] : memref<8x100xi32, #tpu.memory_space<vmem>> -> memref<1x100xi32, #tpu.memory_space<vmem>>
      %dma_wait3A_55 = tpu.memref_squeeze %dma_wait3A_54 : memref<1x100xi32, #tpu.memory_space<vmem>> -> memref<100xi32, #tpu.memory_space<vmem>>
      %dma_wait3A_56 = arith.constant 0 : i32
      %dma_wait3A_57 = arith.constant 0 : i32
      %dma_wait3A_58 = tpu.memref_slice %arg10[%dma_wait3A_56, %dma_wait3A_57] : memref<10240x128xf32, #tpu.memory_space<vmem_shared>> -> memref<10240x128xf32, #tpu.memory_space<vmem_shared>>
      tpu.wait_indirect_dma semaphore(%arg12 : memref<!tpu.dma_semaphore, #tpu.memory_space<semaphore_mem>>) src(%dma_wait3A_52 : memref<100x128xf32, #tpu.memory_space<vmem>>) dst(%dma_wait3A_58 : memref<10240x128xf32, #tpu.memory_space<vmem_shared>>)
      %dma_wait3A_59 = arith.constant 0 : i32
      %dma_wait3A_60 = arith.constant 0 : i32
      %dma_wait3A_61 = arith.constant 0 : i32
      %dma_wait3A_62 = arith.constant 0 : i32
      %dma_wait3A_63 = tpu.memref_slice %arg8[%dma_wait3A_59, %dma_wait3A_61, %dma_wait3A_62] : memref<3x100x128xf32, #tpu.memory_space<vmem>> -> memref<1x100x128xf32, #tpu.memory_space<vmem>>
      %dma_wait3A_64 = tpu.memref_squeeze %dma_wait3A_63 : memref<1x100x128xf32, #tpu.memory_space<vmem>> -> memref<100x128xf32, #tpu.memory_space<vmem>>
      %dma_wait3A_65 = arith.constant 0 : i32
      %dma_wait3A_66 = tpu.memref_slice %arg7[%dma_wait3A_60, %dma_wait3A_65] : memref<8x100xi32, #tpu.memory_space<vmem>> -> memref<1x100xi32, #tpu.memory_space<vmem>>
      %dma_wait3A_67 = tpu.memref_squeeze %dma_wait3A_66 : memref<1x100xi32, #tpu.memory_space<vmem>> -> memref<100xi32, #tpu.memory_space<vmem>>
      %dma_wait3A_68 = arith.constant 0 : i32
      %dma_wait3A_69 = arith.constant 0 : i32
      %dma_wait3A_70 = tpu.memref_slice %arg10[%dma_wait3A_68, %dma_wait3A_69] : memref<10240x128xf32, #tpu.memory_space<vmem_shared>> -> memref<10240x128xf32, #tpu.memory_space<vmem_shared>>
      tpu.wait_indirect_dma semaphore(%arg12 : memref<!tpu.dma_semaphore, #tpu.memory_space<semaphore_mem>>) src(%dma_wait3A_64 : memref<100x128xf32, #tpu.memory_space<vmem>>) dst(%dma_wait3A_70 : memref<10240x128xf32, #tpu.memory_space<vmem_shared>>)
      %scan3A_71 = arith.constant 0 : i32
      scf.yield %scan3A_71 : i32
    }
    %scan3A_19 = arith.constant 25 : i32
    %barrier3A_20 = arith.constant 0 : index
    tpu.barrier barrier_id(%barrier3A_20)
    %mul3A = arith.constant 640 : i32
    %mul3A_21 = arith.muli %arg1, %mul3A : i32
    %mul3A_22 = arith.constant 640 : i32
    %mul3A_23 = arith.muli %arg1, %mul3A_22 : i32
    "tpu.region"() ({
      %run_scoped3A = tpu.sem_alloc : memref<!tpu.dma_semaphore, #tpu.memory_space<semaphore_mem>>
      %dma_start3A = arith.constant 0 : i32
      %dma_start3A_24 = tpu.memref_slice %arg5[%arg0, %mul3A_23, %dma_start3A] : memref<2x10240x128xf32, #tpu.memory_space<hbm>> -> memref<1x640x128xf32, #tpu.memory_space<hbm>>
      %dma_start3A_25 = tpu.memref_squeeze %dma_start3A_24 : memref<1x640x128xf32, #tpu.memory_space<hbm>> -> memref<640x128xf32, #tpu.memory_space<hbm>>
      %dma_start3A_26 = arith.constant 0 : i32
      %dma_start3A_27 = tpu.memref_slice %arg10[%mul3A_21, %dma_start3A_26] : memref<10240x128xf32, #tpu.memory_space<vmem_shared>> -> memref<640x128xf32, #tpu.memory_space<vmem_shared>>
      tpu.enqueue_dma source(%dma_start3A_27 : memref<640x128xf32, #tpu.memory_space<vmem_shared>>) target(%dma_start3A_25 : memref<640x128xf32, #tpu.memory_space<hbm>>) target_semaphore(%run_scoped3A : memref<!tpu.dma_semaphore, #tpu.memory_space<semaphore_mem>>)
      %dma_wait3A = arith.constant 0 : i32
      %dma_wait3A_28 = tpu.memref_slice %arg5[%arg0, %mul3A_23, %dma_wait3A] : memref<2x10240x128xf32, #tpu.memory_space<hbm>> -> memref<1x640x128xf32, #tpu.memory_space<hbm>>
      %dma_wait3A_29 = tpu.memref_squeeze %dma_wait3A_28 : memref<1x640x128xf32, #tpu.memory_space<hbm>> -> memref<640x128xf32, #tpu.memory_space<hbm>>
      %dma_wait3A_30 = arith.constant 0 : i32
      %dma_wait3A_31 = tpu.memref_slice %arg10[%mul3A_21, %dma_wait3A_30] : memref<10240x128xf32, #tpu.memory_space<vmem_shared>> -> memref<640x128xf32, #tpu.memory_space<vmem_shared>>
      tpu.wait_dma2 semaphore(%run_scoped3A : memref<!tpu.dma_semaphore, #tpu.memory_space<semaphore_mem>>) src(%dma_wait3A_31 : memref<640x128xf32, #tpu.memory_space<vmem_shared>>) dst(%dma_wait3A_29 : memref<640x128xf32, #tpu.memory_space<hbm>>)
      tpu.yield
    }) : () -> ()
    return
  }
}

module attributes {stable_mosaic.version = 14 : i64} {
  func.func @_tc1_body(%arg0: i32, %arg1: memref<1000x128xf32, #tpu.memory_space<vmem>>, %arg2: memref<128x128xf32, #tpu.memory_space<vmem>>, %arg3: memref<1x128xf32, #tpu.memory_space<vmem>>, %arg4: memref<128x128xf32, #tpu.memory_space<vmem>>, %arg5: memref<128x128xf32, #tpu.memory_space<vmem>>, %arg6: memref<128x1xf32, #tpu.memory_space<vmem>>, %arg7: memref<1x1xf32, #tpu.memory_space<vmem>>, %arg8: memref<1x1xf32, #tpu.memory_space<vmem>>, %arg9: memref<2x1000x128xf32, #tpu.memory_space<vmem>>, %arg10: memref<2x1000x128xf32, #tpu.memory_space<vmem>>, %arg11: memref<1000x2xf32, #tpu.memory_space<vmem>>, %arg12: memref<1000x1xf32, #tpu.memory_space<vmem>>) attributes {dimension_semantics = [#tpu.dimension_semantics<arbitrary>], iteration_bounds = array<i64: 10>, scalar_prefetch = 0 : i64, scratch_operands = 0 : i64, tpu.core_type = #tpu.core_type<tc>, window_params = [{transform_indices = @transform_0, window_bounds = array<i64: 1000, 128>}, {pipeline_mode = #tpu.pipeline_mode<synchronous>, transform_indices = @transform_1, window_bounds = array<i64: 128, 128>}, {pipeline_mode = #tpu.pipeline_mode<synchronous>, transform_indices = @transform_2, window_bounds = array<i64: 1, 128>}, {pipeline_mode = #tpu.pipeline_mode<synchronous>, transform_indices = @transform_3, window_bounds = array<i64: 128, 128>}, {pipeline_mode = #tpu.pipeline_mode<synchronous>, transform_indices = @transform_4, window_bounds = array<i64: 128, 128>}, {pipeline_mode = #tpu.pipeline_mode<synchronous>, transform_indices = @transform_5, window_bounds = array<i64: 128, 1>}, {pipeline_mode = #tpu.pipeline_mode<synchronous>, transform_indices = @transform_6, window_bounds = array<i64: 1, 1>}, {pipeline_mode = #tpu.pipeline_mode<synchronous>, transform_indices = @transform_7, window_bounds = array<i64: 1, 1>}, {transform_indices = @transform_8, window_bounds = array<i64: 2, 1000, 128>}, {transform_indices = @transform_9, window_bounds = array<i64: 2, 1000, 128>}, {transform_indices = @transform_10, window_bounds = array<i64: 1000, 2>}, {transform_indices = @transform_11, window_bounds = array<i64: 1000, 1>}]} {
    %get3A = arith.constant 0 : index
    %get3A_0 = arith.constant 0 : index
    %get3A_1 = vector.load %arg1[%get3A, %get3A_0] : memref<1000x128xf32, #tpu.memory_space<vmem>>, vector<1000x128xf32>
    %get3A_2 = arith.constant 0 : index
    %get3A_3 = arith.constant 0 : index
    %get3A_4 = vector.load %arg2[%get3A_2, %get3A_3] : memref<128x128xf32, #tpu.memory_space<vmem>>, vector<128x128xf32>
    %dot_general3A = arith.constant dense<0.000000e+00> : vector<1000x128xf32>
    %dot_general3A_5 = tpu.matmul %get3A_1, %get3A_4, %dot_general3A {dimension_numbers = #tpu.dot_dimension_numbers<[1], [0], [0], [1], [0, 0, 1, 1], [], []>, transpose_lhs_hint = false} : vector<1000x128xf32>, vector<128x128xf32>, vector<1000x128xf32> -> vector<1000x128xf32>
    %get3A_6 = arith.constant 0 : index
    %get3A_7 = arith.constant 0 : index
    %get3A_8 = vector.load %arg3[%get3A_6, %get3A_7] : memref<1x128xf32, #tpu.memory_space<vmem>>, vector<1x128xf32>
    %add3A = vector.broadcast %get3A_8 : vector<1x128xf32> to vector<1000x128xf32>
    %add3A_9 = arith.addf %dot_general3A_5, %add3A : vector<1000x128xf32>
    %max3A = arith.constant 0.000000e+00 : f32
    %max3A_10 = vector.broadcast %max3A : f32 to vector<1000x128xf32>
    %max3A_11 = arith.maximumf %add3A_9, %max3A_10 : vector<1000x128xf32>
    %get3A_12 = arith.constant 0 : index
    %get3A_13 = arith.constant 0 : index
    %get3A_14 = arith.constant 0 : index
    %get3A_15 = vector.load %arg9[%get3A_12, %get3A_13, %get3A_14] : memref<2x1000x128xf32, #tpu.memory_space<vmem>>, vector<1x1000x1xf32>
    %get3A_16 = vector.shape_cast %get3A_15 : vector<1x1000x1xf32> to vector<1000x1xf32>
    %get3A_17 = arith.constant 1 : index
    %get3A_18 = arith.constant 0 : index
    %get3A_19 = arith.constant 0 : index
    %get3A_20 = vector.load %arg9[%get3A_17, %get3A_18, %get3A_19] : memref<2x1000x128xf32, #tpu.memory_space<vmem>>, vector<1x1000x1xf32>
    %get3A_21 = vector.shape_cast %get3A_20 : vector<1x1000x1xf32> to vector<1000x1xf32>
    %concatenate3A = tpu.concatenate %get3A_16, %get3A_21 in 1 : vector<1000x1xf32>, vector<1000x1xf32> -> vector<1000x2xf32>
    %gt3A = arith.constant 0.000000e+00 : f32
    %gt3A_22 = vector.broadcast %gt3A : f32 to vector<1000x2xf32>
    %gt3A_23 = arith.cmpf ogt, %concatenate3A, %gt3A_22 : vector<1000x2xf32>
    %sqrt3A = math.sqrt %concatenate3A : vector<1000x2xf32>
    %div3A = arith.constant 1.000000e+00 : f32
    %div3A_24 = vector.broadcast %div3A : f32 to vector<1000x2xf32>
    %div3A_25 = arith.divf %div3A_24, %sqrt3A : vector<1000x2xf32>
    %jit3A = arith.constant 0.000000e+00 : f32
    %broadcast_in_dim3A = vector.broadcast %jit3A : f32 to vector<1000x2xf32>
    %select_n3A = arith.select %gt3A_23, %div3A_25, %broadcast_in_dim3A : vector<1000x2xi1>, vector<1000x2xf32>
    %swap3A = arith.constant 0 : index
    %swap3A_26 = arith.constant 0 : index
    %swap3A_27 = vector.load %arg11[%swap3A, %swap3A_26] : memref<1000x2xf32, #tpu.memory_space<vmem>>, vector<1000x2xf32>
    tpu.vector_store %arg11[%swap3A, %swap3A_26], %select_n3A {strides = array<i32>} : memref<1000x2xf32, #tpu.memory_space<vmem>>, vector<1000x2xf32>,
    %slice3A = vector.extract_strided_slice %select_n3A {offsets = [0, 0], sizes = [1000, 1], strides = [1, 1]} : vector<1000x2xf32> to vector<1000x1xf32>
    %get3A_28 = arith.constant 0 : index
    %get3A_29 = arith.constant 0 : index
    %get3A_30 = vector.load %arg4[%get3A_28, %get3A_29] : memref<128x128xf32, #tpu.memory_space<vmem>>, vector<128x128xf32>
    %dot_general3A_31 = arith.constant dense<0.000000e+00> : vector<1000x128xf32>
    %dot_general3A_32 = tpu.matmul %max3A_11, %get3A_30, %dot_general3A_31 {dimension_numbers = #tpu.dot_dimension_numbers<[1], [0], [0], [1], [0, 0, 1, 1], [], []>, transpose_lhs_hint = false} : vector<1000x128xf32>, vector<128x128xf32>, vector<1000x128xf32> -> vector<1000x128xf32>
    %mul3A = vector.broadcast %slice3A : vector<1000x1xf32> to vector<1000x128xf32>
    %mul3A_33 = arith.mulf %mul3A, %dot_general3A_32 : vector<1000x128xf32>
    %swap3A_34 = arith.constant 0 : index
    %swap3A_35 = arith.constant 0 : index
    %swap3A_36 = arith.constant 0 : index
    %swap3A_37 = vector.load %arg10[%swap3A_34, %swap3A_35, %swap3A_36] : memref<2x1000x128xf32, #tpu.memory_space<vmem>>, vector<1x1000x128xf32>
    %swap3A_38 = vector.shape_cast %swap3A_37 : vector<1x1000x128xf32> to vector<1000x128xf32>
    %swap3A_39 = vector.shape_cast %mul3A_33 : vector<1000x128xf32> to vector<1x1000x128xf32>
    tpu.vector_store %arg10[%swap3A_34, %swap3A_35, %swap3A_36], %swap3A_39 {strides = array<i32>} : memref<2x1000x128xf32, #tpu.memory_space<vmem>>, vector<1x1000x128xf32>,
    %slice3A_40 = vector.extract_strided_slice %select_n3A {offsets = [0, 1], sizes = [1000, 1], strides = [1, 1]} : vector<1000x2xf32> to vector<1000x1xf32>
    %get3A_41 = arith.constant 0 : index
    %get3A_42 = arith.constant 0 : index
    %get3A_43 = vector.load %arg5[%get3A_41, %get3A_42] : memref<128x128xf32, #tpu.memory_space<vmem>>, vector<128x128xf32>
    %dot_general3A_44 = arith.constant dense<0.000000e+00> : vector<1000x128xf32>
    %dot_general3A_45 = tpu.matmul %max3A_11, %get3A_43, %dot_general3A_44 {dimension_numbers = #tpu.dot_dimension_numbers<[1], [0], [0], [1], [0, 0, 1, 1], [], []>, transpose_lhs_hint = false} : vector<1000x128xf32>, vector<128x128xf32>, vector<1000x128xf32> -> vector<1000x128xf32>
    %mul3A_46 = vector.broadcast %slice3A_40 : vector<1000x1xf32> to vector<1000x128xf32>
    %mul3A_47 = arith.mulf %mul3A_46, %dot_general3A_45 : vector<1000x128xf32>
    %swap3A_48 = arith.constant 1 : index
    %swap3A_49 = arith.constant 0 : index
    %swap3A_50 = arith.constant 0 : index
    %swap3A_51 = vector.load %arg10[%swap3A_48, %swap3A_49, %swap3A_50] : memref<2x1000x128xf32, #tpu.memory_space<vmem>>, vector<1x1000x128xf32>
    %swap3A_52 = vector.shape_cast %swap3A_51 : vector<1x1000x128xf32> to vector<1000x128xf32>
    %swap3A_53 = vector.shape_cast %mul3A_47 : vector<1000x128xf32> to vector<1x1000x128xf32>
    tpu.vector_store %arg10[%swap3A_48, %swap3A_49, %swap3A_50], %swap3A_53 {strides = array<i32>} : memref<2x1000x128xf32, #tpu.memory_space<vmem>>, vector<1x1000x128xf32>,
    %get3A_54 = arith.constant 0 : index
    %get3A_55 = arith.constant 0 : index
    %get3A_56 = vector.load %arg8[%get3A_54, %get3A_55] : memref<1x1xf32, #tpu.memory_space<vmem>>, vector<1x1xf32>
    %get3A_57 = vector.extract %get3A_56[0, 0] : f32 from vector<1x1xf32>
    %get3A_58 = arith.constant 0 : index
    %get3A_59 = arith.constant 0 : index
    %get3A_60 = vector.load %arg6[%get3A_58, %get3A_59] : memref<128x1xf32, #tpu.memory_space<vmem>>, vector<128x1xf32>
    %dot_general3A_61 = arith.constant dense<0.000000e+00> : vector<1000x1xf32>
    %dot_general3A_62 = tpu.matmul %max3A_11, %get3A_60, %dot_general3A_61 {dimension_numbers = #tpu.dot_dimension_numbers<[1], [0], [0], [1], [0, 0, 1, 1], [], []>, transpose_lhs_hint = false} : vector<1000x128xf32>, vector<128x1xf32>, vector<1000x1xf32> -> vector<1000x1xf32>
    %get3A_63 = arith.constant 0 : index
    %get3A_64 = arith.constant 0 : index
    %get3A_65 = vector.load %arg7[%get3A_63, %get3A_64] : memref<1x1xf32, #tpu.memory_space<vmem>>, vector<1x1xf32>
    %get3A_66 = vector.extract %get3A_65[0, 0] : f32 from vector<1x1xf32>
    %add3A_67 = vector.broadcast %get3A_66 : f32 to vector<1000x1xf32>
    %add3A_68 = arith.addf %dot_general3A_62, %add3A_67 : vector<1000x1xf32>
    %mul3A_69 = vector.broadcast %get3A_57 : f32 to vector<1000x1xf32>
    %mul3A_70 = arith.mulf %mul3A_69, %add3A_68 : vector<1000x1xf32>
    %swap3A_71 = arith.constant 0 : index
    %swap3A_72 = arith.constant 0 : index
    %swap3A_73 = vector.load %arg12[%swap3A_71, %swap3A_72] : memref<1000x1xf32, #tpu.memory_space<vmem>>, vector<1000x1xf32>
    tpu.vector_store %arg12[%swap3A_71, %swap3A_72], %mul3A_70 {strides = array<i32>} : memref<1000x1xf32, #tpu.memory_space<vmem>>, vector<1000x1xf32>,
    return
  }
  func.func @transform_0(%arg0: i32) -> (i32, i32) {
    %c0_i32 = arith.constant 0 : i32
    %c0_i32_0 = arith.constant 0 : i32
    return %arg0, %c0_i32 : i32, i32
  }
  func.func @transform_1(%arg0: i32) -> (i32, i32) {
    %c0_i32 = arith.constant 0 : i32
    %c0_i32_0 = arith.constant 0 : i32
    %c0_i32_1 = arith.constant 0 : i32
    return %c0_i32, %c0_i32_0 : i32, i32
  }
  func.func @transform_2(%arg0: i32) -> (i32, i32) {
    %c0_i32 = arith.constant 0 : i32
    %c0_i32_0 = arith.constant 0 : i32
    %c0_i32_1 = arith.constant 0 : i32
    return %c0_i32, %c0_i32_0 : i32, i32
  }
  func.func @transform_3(%arg0: i32) -> (i32, i32) {
    %c0_i32 = arith.constant 0 : i32
    %c0_i32_0 = arith.constant 0 : i32
    %c0_i32_1 = arith.constant 0 : i32
    return %c0_i32, %c0_i32_0 : i32, i32
  }
  func.func @transform_4(%arg0: i32) -> (i32, i32) {
    %c0_i32 = arith.constant 0 : i32
    %c0_i32_0 = arith.constant 0 : i32
    %c0_i32_1 = arith.constant 0 : i32
    return %c0_i32, %c0_i32_0 : i32, i32
  }
  func.func @transform_5(%arg0: i32) -> (i32, i32) {
    %c0_i32 = arith.constant 0 : i32
    %c0_i32_0 = arith.constant 0 : i32
    %c0_i32_1 = arith.constant 0 : i32
    return %c0_i32, %c0_i32_0 : i32, i32
  }
  func.func @transform_6(%arg0: i32) -> (i32, i32) {
    %c0_i32 = arith.constant 0 : i32
    %c0_i32_0 = arith.constant 0 : i32
    %c0_i32_1 = arith.constant 0 : i32
    return %c0_i32, %c0_i32_0 : i32, i32
  }
  func.func @transform_7(%arg0: i32) -> (i32, i32) {
    %c0_i32 = arith.constant 0 : i32
    %c0_i32_0 = arith.constant 0 : i32
    %c0_i32_1 = arith.constant 0 : i32
    return %c0_i32, %c0_i32_0 : i32, i32
  }
  func.func @transform_8(%arg0: i32) -> (i32, i32, i32) {
    %c0_i32 = arith.constant 0 : i32
    %c0_i32_0 = arith.constant 0 : i32
    %c0_i32_1 = arith.constant 0 : i32
    return %c0_i32, %arg0, %c0_i32_0 : i32, i32, i32
  }
  func.func @transform_9(%arg0: i32) -> (i32, i32, i32) {
    %c0_i32 = arith.constant 0 : i32
    %c0_i32_0 = arith.constant 0 : i32
    %c0_i32_1 = arith.constant 0 : i32
    return %c0_i32, %arg0, %c0_i32_0 : i32, i32, i32
  }
  func.func @transform_10(%arg0: i32) -> (i32, i32) {
    %c0_i32 = arith.constant 0 : i32
    %c0_i32_0 = arith.constant 0 : i32
    return %arg0, %c0_i32 : i32, i32
  }
  func.func @transform_11(%arg0: i32) -> (i32, i32) {
    %c0_i32 = arith.constant 0 : i32
    %c0_i32_0 = arith.constant 0 : i32
    return %arg0, %c0_i32 : i32, i32
  }
}

module attributes {stable_mosaic.version = 14 : i64} {
  func.func @_mid_body(%arg0: i32, %arg1: memref<2x1000x128xf32, #tpu.memory_space<vmem>>, %arg2: memref<1000x2xf32, #tpu.memory_space<vmem>>, %arg3: memref<1x128xf32, #tpu.memory_space<vmem>>, %arg4: memref<1x128xf32, #tpu.memory_space<vmem>>, %arg5: memref<256x128xf32, #tpu.memory_space<vmem>>, %arg6: memref<256x128xf32, #tpu.memory_space<vmem>>, %arg7: memref<256x1xf32, #tpu.memory_space<vmem>>, %arg8: memref<1x1xf32, #tpu.memory_space<vmem>>, %arg9: memref<1x1xf32, #tpu.memory_space<vmem>>, %arg10: memref<1000x1xf32, #tpu.memory_space<vmem>>, %arg11: memref<2x1000x128xf32, #tpu.memory_space<vmem>>, %arg12: memref<1000x1xf32, #tpu.memory_space<vmem>>) attributes {dimension_semantics = [#tpu.dimension_semantics<arbitrary>], iteration_bounds = array<i64: 10>, scalar_prefetch = 0 : i64, scratch_operands = 0 : i64, tpu.core_type = #tpu.core_type<tc>, window_params = [{transform_indices = @transform_0, window_bounds = array<i64: 2, 1000, 128>}, {transform_indices = @transform_1, window_bounds = array<i64: 1000, 2>}, {pipeline_mode = #tpu.pipeline_mode<synchronous>, transform_indices = @transform_2, window_bounds = array<i64: 1, 128>}, {pipeline_mode = #tpu.pipeline_mode<synchronous>, transform_indices = @transform_3, window_bounds = array<i64: 1, 128>}, {pipeline_mode = #tpu.pipeline_mode<synchronous>, transform_indices = @transform_4, window_bounds = array<i64: 256, 128>}, {pipeline_mode = #tpu.pipeline_mode<synchronous>, transform_indices = @transform_5, window_bounds = array<i64: 256, 128>}, {pipeline_mode = #tpu.pipeline_mode<synchronous>, transform_indices = @transform_6, window_bounds = array<i64: 256, 1>}, {pipeline_mode = #tpu.pipeline_mode<synchronous>, transform_indices = @transform_7, window_bounds = array<i64: 1, 1>}, {pipeline_mode = #tpu.pipeline_mode<synchronous>, transform_indices = @transform_8, window_bounds = array<i64: 1, 1>}, {transform_indices = @transform_9, window_bounds = array<i64: 1000, 1>}, {transform_indices = @transform_10, window_bounds = array<i64: 2, 1000, 128>}, {transform_indices = @transform_11, window_bounds = array<i64: 1000, 1>}]} {
    %get3A = arith.constant 0 : index
    %get3A_0 = arith.constant 0 : index
    %get3A_1 = vector.load %arg2[%get3A, %get3A_0] : memref<1000x2xf32, #tpu.memory_space<vmem>>, vector<1000x2xf32>
    %slice3A = vector.extract_strided_slice %get3A_1 {offsets = [0, 0], sizes = [1000, 1], strides = [1, 1]} : vector<1000x2xf32> to vector<1000x1xf32>
    %get3A_2 = arith.constant 0 : index
    %get3A_3 = arith.constant 0 : index
    %get3A_4 = arith.constant 0 : index
    %get3A_5 = vector.load %arg1[%get3A_2, %get3A_3, %get3A_4] : memref<2x1000x128xf32, #tpu.memory_space<vmem>>, vector<1x1000x128xf32>
    %get3A_6 = vector.shape_cast %get3A_5 : vector<1x1000x128xf32> to vector<1000x128xf32>
    %mul3A = vector.broadcast %slice3A : vector<1000x1xf32> to vector<1000x128xf32>
    %mul3A_7 = arith.mulf %mul3A, %get3A_6 : vector<1000x128xf32>
    %get3A_8 = arith.constant 0 : index
    %get3A_9 = arith.constant 0 : index
    %get3A_10 = vector.load %arg3[%get3A_8, %get3A_9] : memref<1x128xf32, #tpu.memory_space<vmem>>, vector<1x128xf32>
    %add3A = vector.broadcast %get3A_10 : vector<1x128xf32> to vector<1000x128xf32>
    %add3A_11 = arith.addf %mul3A_7, %add3A : vector<1000x128xf32>
    %slice3A_12 = vector.extract_strided_slice %get3A_1 {offsets = [0, 1], sizes = [1000, 1], strides = [1, 1]} : vector<1000x2xf32> to vector<1000x1xf32>
    %get3A_13 = arith.constant 1 : index
    %get3A_14 = arith.constant 0 : index
    %get3A_15 = arith.constant 0 : index
    %get3A_16 = vector.load %arg1[%get3A_13, %get3A_14, %get3A_15] : memref<2x1000x128xf32, #tpu.memory_space<vmem>>, vector<1x1000x128xf32>
    %get3A_17 = vector.shape_cast %get3A_16 : vector<1x1000x128xf32> to vector<1000x128xf32>
    %mul3A_18 = vector.broadcast %slice3A_12 : vector<1000x1xf32> to vector<1000x128xf32>
    %mul3A_19 = arith.mulf %mul3A_18, %get3A_17 : vector<1000x128xf32>
    %get3A_20 = arith.constant 0 : index
    %get3A_21 = arith.constant 0 : index
    %get3A_22 = vector.load %arg4[%get3A_20, %get3A_21] : memref<1x128xf32, #tpu.memory_space<vmem>>, vector<1x128xf32>
    %add3A_23 = vector.broadcast %get3A_22 : vector<1x128xf32> to vector<1000x128xf32>
    %add3A_24 = arith.addf %mul3A_19, %add3A_23 : vector<1000x128xf32>
    %concatenate3A = tpu.concatenate %add3A_11, %add3A_24 in 1 : vector<1000x128xf32>, vector<1000x128xf32> -> vector<1000x256xf32>
    %slice3A_25 = vector.extract_strided_slice %get3A_1 {offsets = [0, 0], sizes = [1000, 1], strides = [1, 1]} : vector<1000x2xf32> to vector<1000x1xf32>
    %get3A_26 = arith.constant 0 : index
    %get3A_27 = arith.constant 0 : index
    %get3A_28 = vector.load %arg5[%get3A_26, %get3A_27] : memref<256x128xf32, #tpu.memory_space<vmem>>, vector<256x128xf32>
    %dot_general3A = arith.constant dense<0.000000e+00> : vector<1000x128xf32>
    %dot_general3A_29 = tpu.matmul %concatenate3A, %get3A_28, %dot_general3A {dimension_numbers = #tpu.dot_dimension_numbers<[1], [0], [0], [1], [0, 0, 1, 1], [], []>, transpose_lhs_hint = false} : vector<1000x256xf32>, vector<256x128xf32>, vector<1000x128xf32> -> vector<1000x128xf32>
    %mul3A_30 = vector.broadcast %slice3A_25 : vector<1000x1xf32> to vector<1000x128xf32>
    %mul3A_31 = arith.mulf %mul3A_30, %dot_general3A_29 : vector<1000x128xf32>
    %swap3A = arith.constant 0 : index
    %swap3A_32 = arith.constant 0 : index
    %swap3A_33 = arith.constant 0 : index
    %swap3A_34 = vector.load %arg11[%swap3A, %swap3A_32, %swap3A_33] : memref<2x1000x128xf32, #tpu.memory_space<vmem>>, vector<1x1000x128xf32>
    %swap3A_35 = vector.shape_cast %swap3A_34 : vector<1x1000x128xf32> to vector<1000x128xf32>
    %swap3A_36 = vector.shape_cast %mul3A_31 : vector<1000x128xf32> to vector<1x1000x128xf32>
    tpu.vector_store %arg11[%swap3A, %swap3A_32, %swap3A_33], %swap3A_36 {strides = array<i32>} : memref<2x1000x128xf32, #tpu.memory_space<vmem>>, vector<1x1000x128xf32>,
    %slice3A_37 = vector.extract_strided_slice %get3A_1 {offsets = [0, 1], sizes = [1000, 1], strides = [1, 1]} : vector<1000x2xf32> to vector<1000x1xf32>
    %get3A_38 = arith.constant 0 : index
    %get3A_39 = arith.constant 0 : index
    %get3A_40 = vector.load %arg6[%get3A_38, %get3A_39] : memref<256x128xf32, #tpu.memory_space<vmem>>, vector<256x128xf32>
    %dot_general3A_41 = arith.constant dense<0.000000e+00> : vector<1000x128xf32>
    %dot_general3A_42 = tpu.matmul %concatenate3A, %get3A_40, %dot_general3A_41 {dimension_numbers = #tpu.dot_dimension_numbers<[1], [0], [0], [1], [0, 0, 1, 1], [], []>, transpose_lhs_hint = false} : vector<1000x256xf32>, vector<256x128xf32>, vector<1000x128xf32> -> vector<1000x128xf32>
    %mul3A_43 = vector.broadcast %slice3A_37 : vector<1000x1xf32> to vector<1000x128xf32>
    %mul3A_44 = arith.mulf %mul3A_43, %dot_general3A_42 : vector<1000x128xf32>
    %swap3A_45 = arith.constant 1 : index
    %swap3A_46 = arith.constant 0 : index
    %swap3A_47 = arith.constant 0 : index
    %swap3A_48 = vector.load %arg11[%swap3A_45, %swap3A_46, %swap3A_47] : memref<2x1000x128xf32, #tpu.memory_space<vmem>>, vector<1x1000x128xf32>
    %swap3A_49 = vector.shape_cast %swap3A_48 : vector<1x1000x128xf32> to vector<1000x128xf32>
    %swap3A_50 = vector.shape_cast %mul3A_44 : vector<1000x128xf32> to vector<1x1000x128xf32>
    tpu.vector_store %arg11[%swap3A_45, %swap3A_46, %swap3A_47], %swap3A_50 {strides = array<i32>} : memref<2x1000x128xf32, #tpu.memory_space<vmem>>, vector<1x1000x128xf32>,
    %get3A_51 = arith.constant 0 : index
    %get3A_52 = arith.constant 0 : index
    %get3A_53 = vector.load %arg10[%get3A_51, %get3A_52] : memref<1000x1xf32, #tpu.memory_space<vmem>>, vector<1000x1xf32>
    %get3A_54 = arith.constant 0 : index
    %get3A_55 = arith.constant 0 : index
    %get3A_56 = vector.load %arg9[%get3A_54, %get3A_55] : memref<1x1xf32, #tpu.memory_space<vmem>>, vector<1x1xf32>
    %get3A_57 = vector.extract %get3A_56[0, 0] : f32 from vector<1x1xf32>
    %get3A_58 = arith.constant 0 : index
    %get3A_59 = arith.constant 0 : index
    %get3A_60 = vector.load %arg7[%get3A_58, %get3A_59] : memref<256x1xf32, #tpu.memory_space<vmem>>, vector<256x1xf32>
    %dot_general3A_61 = arith.constant dense<0.000000e+00> : vector<1000x1xf32>
    %dot_general3A_62 = tpu.matmul %concatenate3A, %get3A_60, %dot_general3A_61 {dimension_numbers = #tpu.dot_dimension_numbers<[1], [0], [0], [1], [0, 0, 1, 1], [], []>, transpose_lhs_hint = false} : vector<1000x256xf32>, vector<256x1xf32>, vector<1000x1xf32> -> vector<1000x1xf32>
    %get3A_63 = arith.constant 0 : index
    %get3A_64 = arith.constant 0 : index
    %get3A_65 = vector.load %arg8[%get3A_63, %get3A_64] : memref<1x1xf32, #tpu.memory_space<vmem>>, vector<1x1xf32>
    %get3A_66 = vector.extract %get3A_65[0, 0] : f32 from vector<1x1xf32>
    %add3A_67 = vector.broadcast %get3A_66 : f32 to vector<1000x1xf32>
    %add3A_68 = arith.addf %dot_general3A_62, %add3A_67 : vector<1000x1xf32>
    %mul3A_69 = vector.broadcast %get3A_57 : f32 to vector<1000x1xf32>
    %mul3A_70 = arith.mulf %mul3A_69, %add3A_68 : vector<1000x1xf32>
    %add3A_71 = arith.addf %get3A_53, %mul3A_70 : vector<1000x1xf32>
    %swap3A_72 = arith.constant 0 : index
    %swap3A_73 = arith.constant 0 : index
    %swap3A_74 = vector.load %arg12[%swap3A_72, %swap3A_73] : memref<1000x1xf32, #tpu.memory_space<vmem>>, vector<1000x1xf32>
    tpu.vector_store %arg12[%swap3A_72, %swap3A_73], %add3A_71 {strides = array<i32>} : memref<1000x1xf32, #tpu.memory_space<vmem>>, vector<1000x1xf32>,
    return
  }
  func.func @transform_0(%arg0: i32) -> (i32, i32, i32) {
    %c0_i32 = arith.constant 0 : i32
    %c0_i32_0 = arith.constant 0 : i32
    %c0_i32_1 = arith.constant 0 : i32
    return %c0_i32, %arg0, %c0_i32_0 : i32, i32, i32
  }
  func.func @transform_1(%arg0: i32) -> (i32, i32) {
    %c0_i32 = arith.constant 0 : i32
    %c0_i32_0 = arith.constant 0 : i32
    return %arg0, %c0_i32 : i32, i32
  }
  func.func @transform_2(%arg0: i32) -> (i32, i32) {
    %c0_i32 = arith.constant 0 : i32
    %c0_i32_0 = arith.constant 0 : i32
    %c0_i32_1 = arith.constant 0 : i32
    return %c0_i32, %c0_i32_0 : i32, i32
  }
  func.func @transform_3(%arg0: i32) -> (i32, i32) {
    %c0_i32 = arith.constant 0 : i32
    %c0_i32_0 = arith.constant 0 : i32
    %c0_i32_1 = arith.constant 0 : i32
    return %c0_i32, %c0_i32_0 : i32, i32
  }
  func.func @transform_4(%arg0: i32) -> (i32, i32) {
    %c0_i32 = arith.constant 0 : i32
    %c0_i32_0 = arith.constant 0 : i32
    %c0_i32_1 = arith.constant 0 : i32
    return %c0_i32, %c0_i32_0 : i32, i32
  }
  func.func @transform_5(%arg0: i32) -> (i32, i32) {
    %c0_i32 = arith.constant 0 : i32
    %c0_i32_0 = arith.constant 0 : i32
    %c0_i32_1 = arith.constant 0 : i32
    return %c0_i32, %c0_i32_0 : i32, i32
  }
  func.func @transform_6(%arg0: i32) -> (i32, i32) {
    %c0_i32 = arith.constant 0 : i32
    %c0_i32_0 = arith.constant 0 : i32
    %c0_i32_1 = arith.constant 0 : i32
    return %c0_i32, %c0_i32_0 : i32, i32
  }
  func.func @transform_7(%arg0: i32) -> (i32, i32) {
    %c0_i32 = arith.constant 0 : i32
    %c0_i32_0 = arith.constant 0 : i32
    %c0_i32_1 = arith.constant 0 : i32
    return %c0_i32, %c0_i32_0 : i32, i32
  }
  func.func @transform_8(%arg0: i32) -> (i32, i32) {
    %c0_i32 = arith.constant 0 : i32
    %c0_i32_0 = arith.constant 0 : i32
    %c0_i32_1 = arith.constant 0 : i32
    return %c0_i32, %c0_i32_0 : i32, i32
  }
  func.func @transform_9(%arg0: i32) -> (i32, i32) {
    %c0_i32 = arith.constant 0 : i32
    %c0_i32_0 = arith.constant 0 : i32
    return %arg0, %c0_i32 : i32, i32
  }
  func.func @transform_10(%arg0: i32) -> (i32, i32, i32) {
    %c0_i32 = arith.constant 0 : i32
    %c0_i32_0 = arith.constant 0 : i32
    %c0_i32_1 = arith.constant 0 : i32
    return %c0_i32, %arg0, %c0_i32_0 : i32, i32, i32
  }
  func.func @transform_11(%arg0: i32) -> (i32, i32) {
    %c0_i32 = arith.constant 0 : i32
    %c0_i32_0 = arith.constant 0 : i32
    return %arg0, %c0_i32 : i32, i32
  }
}

module attributes {stable_mosaic.version = 14 : i64} {
  func.func @_tc4_body(%arg0: i32, %arg1: memref<2x1000x128xf32, #tpu.memory_space<vmem>>, %arg2: memref<1000x2xf32, #tpu.memory_space<vmem>>, %arg3: memref<1x128xf32, #tpu.memory_space<vmem>>, %arg4: memref<1x128xf32, #tpu.memory_space<vmem>>, %arg5: memref<256x1xf32, #tpu.memory_space<vmem>>, %arg6: memref<1x1xf32, #tpu.memory_space<vmem>>, %arg7: memref<1x1xf32, #tpu.memory_space<vmem>>, %arg8: memref<1000x1xf32, #tpu.memory_space<vmem>>, %arg9: memref<1000x1xf32, #tpu.memory_space<vmem>>) attributes {dimension_semantics = [#tpu.dimension_semantics<arbitrary>], iteration_bounds = array<i64: 10>, scalar_prefetch = 0 : i64, scratch_operands = 0 : i64, tpu.core_type = #tpu.core_type<tc>, window_params = [{transform_indices = @transform_0, window_bounds = array<i64: 2, 1000, 128>}, {transform_indices = @transform_1, window_bounds = array<i64: 1000, 2>}, {pipeline_mode = #tpu.pipeline_mode<synchronous>, transform_indices = @transform_2, window_bounds = array<i64: 1, 128>}, {pipeline_mode = #tpu.pipeline_mode<synchronous>, transform_indices = @transform_3, window_bounds = array<i64: 1, 128>}, {pipeline_mode = #tpu.pipeline_mode<synchronous>, transform_indices = @transform_4, window_bounds = array<i64: 256, 1>}, {pipeline_mode = #tpu.pipeline_mode<synchronous>, transform_indices = @transform_5, window_bounds = array<i64: 1, 1>}, {pipeline_mode = #tpu.pipeline_mode<synchronous>, transform_indices = @transform_6, window_bounds = array<i64: 1, 1>}, {transform_indices = @transform_7, window_bounds = array<i64: 1000, 1>}, {transform_indices = @transform_8, window_bounds = array<i64: 1000, 1>}]} {
    %get3A = arith.constant 0 : index
    %get3A_0 = arith.constant 0 : index
    %get3A_1 = vector.load %arg2[%get3A, %get3A_0] : memref<1000x2xf32, #tpu.memory_space<vmem>>, vector<1000x2xf32>
    %slice3A = vector.extract_strided_slice %get3A_1 {offsets = [0, 0], sizes = [1000, 1], strides = [1, 1]} : vector<1000x2xf32> to vector<1000x1xf32>
    %get3A_2 = arith.constant 0 : index
    %get3A_3 = arith.constant 0 : index
    %get3A_4 = arith.constant 0 : index
    %get3A_5 = vector.load %arg1[%get3A_2, %get3A_3, %get3A_4] : memref<2x1000x128xf32, #tpu.memory_space<vmem>>, vector<1x1000x128xf32>
    %get3A_6 = vector.shape_cast %get3A_5 : vector<1x1000x128xf32> to vector<1000x128xf32>
    %mul3A = vector.broadcast %slice3A : vector<1000x1xf32> to vector<1000x128xf32>
    %mul3A_7 = arith.mulf %mul3A, %get3A_6 : vector<1000x128xf32>
    %get3A_8 = arith.constant 0 : index
    %get3A_9 = arith.constant 0 : index
    %get3A_10 = vector.load %arg3[%get3A_8, %get3A_9] : memref<1x128xf32, #tpu.memory_space<vmem>>, vector<1x128xf32>
    %add3A = vector.broadcast %get3A_10 : vector<1x128xf32> to vector<1000x128xf32>
    %add3A_11 = arith.addf %mul3A_7, %add3A : vector<1000x128xf32>
    %slice3A_12 = vector.extract_strided_slice %get3A_1 {offsets = [0, 1], sizes = [1000, 1], strides = [1, 1]} : vector<1000x2xf32> to vector<1000x1xf32>
    %get3A_13 = arith.constant 1 : index
    %get3A_14 = arith.constant 0 : index
    %get3A_15 = arith.constant 0 : index
    %get3A_16 = vector.load %arg1[%get3A_13, %get3A_14, %get3A_15] : memref<2x1000x128xf32, #tpu.memory_space<vmem>>, vector<1x1000x128xf32>
    %get3A_17 = vector.shape_cast %get3A_16 : vector<1x1000x128xf32> to vector<1000x128xf32>
    %mul3A_18 = vector.broadcast %slice3A_12 : vector<1000x1xf32> to vector<1000x128xf32>
    %mul3A_19 = arith.mulf %mul3A_18, %get3A_17 : vector<1000x128xf32>
    %get3A_20 = arith.constant 0 : index
    %get3A_21 = arith.constant 0 : index
    %get3A_22 = vector.load %arg4[%get3A_20, %get3A_21] : memref<1x128xf32, #tpu.memory_space<vmem>>, vector<1x128xf32>
    %add3A_23 = vector.broadcast %get3A_22 : vector<1x128xf32> to vector<1000x128xf32>
    %add3A_24 = arith.addf %mul3A_19, %add3A_23 : vector<1000x128xf32>
    %concatenate3A = tpu.concatenate %add3A_11, %add3A_24 in 1 : vector<1000x128xf32>, vector<1000x128xf32> -> vector<1000x256xf32>
    %get3A_25 = arith.constant 0 : index
    %get3A_26 = arith.constant 0 : index
    %get3A_27 = vector.load %arg8[%get3A_25, %get3A_26] : memref<1000x1xf32, #tpu.memory_space<vmem>>, vector<1000x1xf32>
    %get3A_28 = arith.constant 0 : index
    %get3A_29 = arith.constant 0 : index
    %get3A_30 = vector.load %arg7[%get3A_28, %get3A_29] : memref<1x1xf32, #tpu.memory_space<vmem>>, vector<1x1xf32>
    %get3A_31 = vector.extract %get3A_30[0, 0] : f32 from vector<1x1xf32>
    %get3A_32 = arith.constant 0 : index
    %get3A_33 = arith.constant 0 : index
    %get3A_34 = vector.load %arg5[%get3A_32, %get3A_33] : memref<256x1xf32, #tpu.memory_space<vmem>>, vector<256x1xf32>
    %dot_general3A = arith.constant dense<0.000000e+00> : vector<1000x1xf32>
    %dot_general3A_35 = tpu.matmul %concatenate3A, %get3A_34, %dot_general3A {dimension_numbers = #tpu.dot_dimension_numbers<[1], [0], [0], [1], [0, 0, 1, 1], [], []>, transpose_lhs_hint = false} : vector<1000x256xf32>, vector<256x1xf32>, vector<1000x1xf32> -> vector<1000x1xf32>
    %get3A_36 = arith.constant 0 : index
    %get3A_37 = arith.constant 0 : index
    %get3A_38 = vector.load %arg6[%get3A_36, %get3A_37] : memref<1x1xf32, #tpu.memory_space<vmem>>, vector<1x1xf32>
    %get3A_39 = vector.extract %get3A_38[0, 0] : f32 from vector<1x1xf32>
    %add3A_40 = vector.broadcast %get3A_39 : f32 to vector<1000x1xf32>
    %add3A_41 = arith.addf %dot_general3A_35, %add3A_40 : vector<1000x1xf32>
    %mul3A_42 = vector.broadcast %get3A_31 : f32 to vector<1000x1xf32>
    %mul3A_43 = arith.mulf %mul3A_42, %add3A_41 : vector<1000x1xf32>
    %add3A_44 = arith.addf %get3A_27, %mul3A_43 : vector<1000x1xf32>
    %swap3A = arith.constant 0 : index
    %swap3A_45 = arith.constant 0 : index
    %swap3A_46 = vector.load %arg9[%swap3A, %swap3A_45] : memref<1000x1xf32, #tpu.memory_space<vmem>>, vector<1000x1xf32>
    tpu.vector_store %arg9[%swap3A, %swap3A_45], %add3A_44 {strides = array<i32>} : memref<1000x1xf32, #tpu.memory_space<vmem>>, vector<1000x1xf32>,
    return
  }
  func.func @transform_0(%arg0: i32) -> (i32, i32, i32) {
    %c0_i32 = arith.constant 0 : i32
    %c0_i32_0 = arith.constant 0 : i32
    %c0_i32_1 = arith.constant 0 : i32
    return %c0_i32, %arg0, %c0_i32_0 : i32, i32, i32
  }
  func.func @transform_1(%arg0: i32) -> (i32, i32) {
    %c0_i32 = arith.constant 0 : i32
    %c0_i32_0 = arith.constant 0 : i32
    return %arg0, %c0_i32 : i32, i32
  }
  func.func @transform_2(%arg0: i32) -> (i32, i32) {
    %c0_i32 = arith.constant 0 : i32
    %c0_i32_0 = arith.constant 0 : i32
    %c0_i32_1 = arith.constant 0 : i32
    return %c0_i32, %c0_i32_0 : i32, i32
  }
  func.func @transform_3(%arg0: i32) -> (i32, i32) {
    %c0_i32 = arith.constant 0 : i32
    %c0_i32_0 = arith.constant 0 : i32
    %c0_i32_1 = arith.constant 0 : i32
    return %c0_i32, %c0_i32_0 : i32, i32
  }
  func.func @transform_4(%arg0: i32) -> (i32, i32) {
    %c0_i32 = arith.constant 0 : i32
    %c0_i32_0 = arith.constant 0 : i32
    %c0_i32_1 = arith.constant 0 : i32
    return %c0_i32, %c0_i32_0 : i32, i32
  }
  func.func @transform_5(%arg0: i32) -> (i32, i32) {
    %c0_i32 = arith.constant 0 : i32
    %c0_i32_0 = arith.constant 0 : i32
    %c0_i32_1 = arith.constant 0 : i32
    return %c0_i32, %c0_i32_0 : i32, i32
  }
  func.func @transform_6(%arg0: i32) -> (i32, i32) {
    %c0_i32 = arith.constant 0 : i32
    %c0_i32_0 = arith.constant 0 : i32
    %c0_i32_1 = arith.constant 0 : i32
    return %c0_i32, %c0_i32_0 : i32, i32
  }
  func.func @transform_7(%arg0: i32) -> (i32, i32) {
    %c0_i32 = arith.constant 0 : i32
    %c0_i32_0 = arith.constant 0 : i32
    return %arg0, %c0_i32 : i32, i32
  }
  func.func @transform_8(%arg0: i32) -> (i32, i32) {
    %c0_i32 = arith.constant 0 : i32
    %c0_i32_0 = arith.constant 0 : i32
    return %arg0, %c0_i32 : i32, i32
  }
}

</mosaic_0001>

<sc_bundles>
// kernel: kernel.10.cloned.1.call-start
scs
__scs_entry_jumppad:
0x0: {  	(pc) =	sbr.rel $0x88, $3  }
0x1: {  	(tag) =	ssettag $0x0;
	lr =	simm.s32 $0x1  }
0x2: {  	[smem:$0x3F84] =	sst lr;
	_ =	strace $0xD0000000  }
0x3: {  	_ = 	snop  }
0x4: {  	_ = 	snop  }
0x5: {  	_ = 	snop  }
0x6: {  	_ = 	snop  }
0x7: {  	_ = 	snop  }
__scs_overlays_trampoline_lowered:
0x8: {  	[smem:$0x3F93] =	sst s0  }
0x9: {  	[smem:$0x3F94] =	sst s1  }
0xa: {  	[smem:$0x3F95] =	sst s2  }
0xb: {  	[smem:$0x3F96] =	sst s3  }
0xc: {  	[smem:$0x3F97] =	sst s4  }
0xd: {  	[smem:$0x3F98] =	sst s5  }
0xe: {  	[smem:$0x3F99] =	sst s6  }
0xf: {  	[smem:$0x3F9A] =	sst s7  }
0x10: {  	[smem:$0x3F9B] =	sst s8  }
0x11: {  	[smem:$0x3F9C] =	sst s9;
	s0 =	simm.s32 @!p0 $0x0  }
0x12: {  	s1 =	sld [smem:$0x3F82];
	s0 =	simm.s32 @p0 $0x1  }
0x13: {  	[smem:$0x3F9D] =	sst s0;
	s0 =	simm.s32 @!p1 $0x0  }
0x14: {  	s2 =	sld [smem:$0x3F81];
	s0 =	simm.s32 @p1 $0x1  }
0x15: {  	[smem:$0x3F9E] =	sst s0;
	s0 =	simm.s32 @!p2 $0x0  }
0x16: {  	s3 =	sld [smem:$0x3FDB];
	s0 =	simm.s32 @p2 $0x1  }
0x17: {  	s4 =	simm.s32 $0x1BF5;
	[smem:$0x3FA0] =	sst s0  }
0x18: {  	s0 =	sld [smem:$0x3F83];
	_ =	swait.ge [sflag:s4], $0x0  }
0x19: {  	s7 =	sld [smem:$0x3F84]  }
0x1a: {  	s8 =	sadd.s32 $0xFFFFE003, lr  }
0x1b: {  	s9 =	sadd.s32 $0xFFFFFEF7, lr;
	s5 =	simm.s32 $0xFFFFFFFF;
	p2 =	slt.u32 s8, $0xFFFFF086  }
0x1c: {  	p1 =	slt.u32 s9, $0xF7A;
	s5 =	simm.s32 @!p2 $0x0  }
0x1d: {  	s5 =	simm.s32 @p1 $0x1;
	p0 =	seq.s32 s7, s2  }
0x1e: {  	s7 =	smul.u32 @!p0 $0xF7A, s2;
	p2 =	seq.s32 @!p0 s5, $0x0  }
0x1f: {  	s9 =	smul.u32 $0xF7A, s1;
	s8 =	simm.s32 @!p0 $0x1BF5;
	p2 =	por !p2, p0  }
0x20: {  	[sflag:s8] =	ssyncset.s32 @!p0 $0xFFFFF086;
	s6 =	sadd.s32 @!p0 s3, s7;
	s7 =	simm.s32 @!p0 $0x108  }
0x21: {  	s3 =	sadd.s32 s3, s9;
	s6 =	sadd.s32 @!p0 $0x88, s6;
	s7 =	simm.s32 @p2 $0x1082  }
0x22: {  	[simem:s7], [sflag:s8] =	dma.local @!p0 [hbm:s6], $0xF7A  }
0x23: {  	s9 =	sor.u32 $0xD0000000, s2;
	s6 =	simm.s32 $0x108;
	_ =	swait.ge @!p0 [sflag:s8], $0x0  }
0x24: {  	s3 =	sadd.s32 $0x88, s3;
	s6 =	simm.s32 @!p1 $0x1082;
	[sflag:s4] =	ssyncset.s32 $0xFFFFF086  }
0x25: {  	[simem:s6], [sflag:s4] =	dma.local [hbm:s3], $0xF7A  }
0x26: {  	[smem:$0x3F84] =	sst s1;
	(tag) =	ssettag s2;
	_ =	strace s9  }
0x27: {  	s1 =	sld [smem:$0x3F94]  }
0x28: {  	s2 =	sld [smem:$0x3F95]  }
0x29: {  	s4 =	sld [smem:$0x3F97]  }
0x2a: {  	p0 =	seq.s32 s5, $0x0;
	s5 =	sld [smem:$0x3F98]  }
0x2b: {  	s6 =	sld [smem:$0x3F99]  }
0x2c: {  	s7 =	sld [smem:$0x3F9A]  }
0x2d: {  	s3 =	simm.s32 $0x108;
	s8 =	sld [smem:$0x3F9B]  }
0x2e: {  	s3 =	simm.s32 @!p0 $0x1082;
	s9 =	sld [smem:$0x3F9C]  }
0x2f: {  	lr =	sadd.s32 s0, s3;
	s0 =	sld [smem:$0x3F93]  }
0x30: {  	s3 =	sld [smem:$0x3F96]  }
0x31: {  	[smem:$0x3F9F] =	sst s10  }
0x32: {  	s10 =	sld [smem:$0x3F9D];
	_ =	sdelay $0x3  }
0x33: {  	p0 =	seq.s32 s10, $0x1;
	s10 =	sld [smem:$0x3F9F];
	_ =	sdelay $0x3  }
0x34: {  	[smem:$0x3F9F] =	sst s10  }
0x35: {  	s10 =	sld [smem:$0x3F9E];
	_ =	sdelay $0x3  }
0x36: {  	p1 =	seq.s32 s10, $0x1;
	s10 =	sld [smem:$0x3F9F];
	_ =	sdelay $0x3  }
0x37: {  	[smem:$0x3F9F] =	sst s10  }
0x38: {  	s10 =	sld [smem:$0x3FA0]  }
0x39: {  	_ = 	snop;
	(pc) =	sbr.ind lr, $3  }
0x3a: {  	_ = 	snop  }
0x3b: {  	_ = 	snop  }
0x3c: {  	p2 =	seq.s32 s10, $0x1;
	s10 =	sld [smem:$0x3F9F]  }
0x3d: {  	_ =	shalt  }
0x3e: {  	_ =	shalt  }
0x3f: {  	_ =	shalt  }
0x40: {  	_ =	shalt  }
0x41: {  	_ =	shalt  }
0x42: {  	_ =	shalt  }
0x43: {  	_ =	shalt  }
0x44: {  	_ =	shalt  }
0x45: {  	_ =	shalt  }
0x46: {  	_ =	shalt  }
0x47: {  	_ =	shalt  }
0x48: {  	_ =	shalt  }
0x49: {  	_ =	shalt  }
0x4a: {  	_ =	shalt  }
0x4b: {  	_ =	shalt  }
0x4c: {  	_ =	shalt  }
0x4d: {  	_ =	shalt  }
0x4e: {  	_ =	shalt  }
0x4f: {  	_ =	shalt  }
0x50: {  	_ =	shalt  }
0x51: {  	_ =	shalt  }
0x52: {  	_ =	shalt  }
0x53: {  	_ =	shalt  }
0x54: {  	_ =	shalt  }
0x55: {  	_ =	shalt  }
0x56: {  	_ =	shalt  }
0x57: {  	_ =	shalt  }
0x58: {  	_ =	shalt  }
0x59: {  	_ =	shalt  }
0x5a: {  	_ =	shalt  }
0x5b: {  	_ =	shalt  }
0x5c: {  	_ =	shalt  }
0x5d: {  	_ =	shalt  }
0x5e: {  	_ =	shalt  }
0x5f: {  	_ =	shalt  }
0x60: {  	_ =	shalt  }
0x61: {  	_ =	shalt  }
0x62: {  	_ =	shalt  }
0x63: {  	_ =	shalt  }
0x64: {  	_ =	shalt  }
0x65: {  	_ =	shalt  }
0x66: {  	_ =	shalt  }
0x67: {  	_ =	shalt  }
0x68: {  	_ =	shalt  }
0x69: {  	_ =	shalt  }
0x6a: {  	_ =	shalt  }
0x6b: {  	_ =	shalt  }
0x6c: {  	_ =	shalt  }
0x6d: {  	_ =	shalt  }
0x6e: {  	_ =	shalt  }
0x6f: {  	_ =	shalt  }
0x70: {  	_ =	shalt  }
0x71: {  	_ =	shalt  }
0x72: {  	_ =	shalt  }
0x73: {  	_ =	shalt  }
0x74: {  	_ =	shalt  }
0x75: {  	_ =	shalt  }
0x76: {  	_ =	shalt  }
0x77: {  	_ =	shalt  }
0x78: {  	_ =	shalt  }
0x79: {  	_ =	shalt  }
0x7a: {  	_ =	shalt  }
0x7b: {  	_ =	shalt  }
0x7c: {  	_ =	shalt  }
0x7d: {  	_ =	shalt  }
0x7e: {  	_ =	shalt  }
0x7f: {  	_ =	shalt  }
0x80: {  	_ =	shalt  }
0x81: {  	_ =	shalt  }
0x82: {  	_ =	shalt  }
0x83: {  	_ =	shalt  }
0x84: {  	_ =	shalt  }
0x85: {  	_ =	shalt  }
0x86: {  	_ =	shalt  }
0x87: {  	_ =	shalt  }
.Lfunc_end0:
.L_simem_size_0:
called_computation_lowered:
.L_overlay_start_0:
0x88: {  	s2 =	sld [smem:$0x3FD9]  }
0x89: {  	s3 =	sld [smem:$0x3FFE];
	_ =	sdelay $0x1  }
0x8a: {  	s1 =	srdreg.scid  }
0x8b: {  	s0 =	sand.u32 $0x1, s1  }
0x8c: {  	s16 =	sshll.u32 s0, $0xA;
	s2 =	sadd.s32 s3, s2  }
0x8d: {  	s2 =	sadd.s32 s2, s16  }
0x8e: {  	[smem:$0x3FAB] =	sst s2  }
0x8f: {  	_ = 	snop  }
0x90: {  	(tm) =	ssettm $0x1  }
0x91: {  	s17 =	sld [smem:$0x3FFB];
	_ =	sdelay $0x3  }
0x92: {  	_ =	strace s17  }
0x93: {  	s2 =	sld [smem:$0x3FFC];
	_ =	sdelay $0x3  }
0x94: {  	_ =	strace s2  }
0x95: {  	s2 =	sld [smem:$0x3FFD];
	_ =	sdelay $0x3  }
0x96: {  	_ =	strace s2  }
0x97: {  	_ =	strace $0x8FFFFFFF  }
0x98: {  	s18 =	sld [smem:$0x3FDB];
	_ =	sdelay $0x1  }
0x99: {  	s19 =	simm.s32 $_scs_section_size  }
0x9a: {  	s4 =	simm.s32 $_size__tile_overlayer_lowered;
	s5 =	simm.s32 $_tile_overlayer_lowered  }
0x9b: {  	s22 =	simm.s32 $0x1BFF;
	s21 =	sshll.u32 s5, $0x1;
	s2 =	sadd.s32 s19, s18  }
0x9c: {  	s6 =	simm.s32 $0x0;
	s20 =	sshll.u32 s4, $0x1;
	s4 =	sadd.s32 s21, s2  }
0x9d: {  	[timem:s6], [sflag:s22] =	dma.local [hbm:s4], s20  }
0x9e: {  	_ =	swait.ge [sflag:s22], s20  }
0x9f: {  	s3 =	ssub.s32 $0x0, s20;
	[sflag:s22] =	ssyncset.done $0x0  }
0xa0: {  	[sflag:s22] =	ssyncadd.s32 s3;
	_ =	sdelay $0x1  }
0xa1: {  	s23 =	simm.s32 $0x1B8B  }
0xa2: {  	_ =	swait.ge [sflag:s23], $0x1  }
0xa3: {  	[sflag:s23] =	ssyncset.done $0x0  }
0xa4: {  	s25 =	simm.s32 $0x1B8E;
	s24 =	sld [smem:$0x3FFE];
	[sflag:s23] =	ssyncadd.s32 $0xFFFFFFFF  }
0xa5: {  	s26 =	simm.s32 $execute0_lowered;
	[smem:$0x3FD2] =	sst s25  }
0xa6: {  	s4 =	sshll.u32 s26, $0x1;
	_ =	strace $0x80000046;
	[dreg:$0x1] =	wrdreg $0xFFFFFFFF  }
0xa7: {  	s28 =	simm.s32 $_size_execute0_lowered;
	s2 =	sadd.s32 s2, s4;
	[dreg:$0x0] =	wrdreg $0x0  }
0xa8: {  	s4 =	sshll.u32 s28, $0x1;
	[dreg:$0x2] =	wrdreg s2  }
0xa9: {  	[dreg:$0x3] =	wrdreg s4  }
0xaa: {  	[dreg:$0x4] =	wrdreg $0xC0  }
0xab: {  	_ =	task [dreg:s6], $0x5FFFF  }
0xac: {  	[dreg:$0x1] =	wrdreg $0xFFFFFFFF  }
0xad: {  	[dreg:$0x0] =	wrdreg $0x60  }
0xae: {  	[dreg:$0x2] =	wrdreg s24  }
0xaf: {  	[dreg:$0x3] =	wrdreg $0x64000  }
0xb0: {  	[dreg:$0x4] =	wrdreg $0x9  }
0xb1: {  	_ =	task.clear_ibuf [dreg:s6], $0x5FFFF;
	_ =	strace $0x90000046  }
0xb2: {  	s29 =	simm.s32 $0x9;
	_ =	strace $0x80000048  }
0xb3: {  	_ =	swait.ge [sflag:s29], $0x1  }
0xb4: {  	[sflag:s29] =	ssyncadd.s32 $0xFFFFFFFF  }
0xb5: {  	_ =	strace $0x90000048  }
0xb6: {  	_ =	sfence  }
0xb7: {  	s30 =	sld [smem:$0x0];
	_ =	sdelay $0x2  }
0xb8: {  	s31 =	sshll.u32 s1, $0xD;
	s1 =	sshrl.u32 s1, $0x2  }
0xb9: {  	s3 =	sand.u32 $0x4000, s31;
	s1 =	sadd.s32 s1, s30  }
0xba: {  	s0 =	sor.u32 s3, s0;
	s1 =	sshll.u32 s1, $0x11  }
0xbb: {  	s0 =	sor.u32 s1, s0  }
0xbc: {  	s0 =	sadd.s32 $0x8F2B, s0  }
0xbd: {  	[sflag:s0] =	ssyncadd.remote.s32 $0x1  }
0xbe: {  	_ =	sfence.sel $0xFFFF  }
0xbf: {  	[dreg:$0x0] =	wrdreg $0xFFFFFFFF;
	(pc) =	sbr.abs _section_cstart, $3  }
0xc0: {  	[dreg:$0x1] =	wrdreg $0xFFFFFFFF  }
0xc1: {  	_ =	task.clear_ibuf [dreg:s6], $0x2FFFF;
	_ =	strace $0x9FFFFFFF  }
0xc2: {  	(tm) =	ssettm $0x7FFFFFFF  }
0xc3: {  	_ =	shalt  }
tec
execute0_lowered:
.L_overlay_start_1:
0x0: {  	(tag) =	ssettag $0x1  }
0x1: {  	s5 =	rddreg [dreg:$0x0]  }
0x2: {  	s1 =	rddreg [dreg:$0x1];
	s2 =	srdreg.scid  }
0x3: {  	s0 =	rddreg [dreg:$0x2];
	s6 =	sand.u32 $0x1, s2  }
0x4: {  	s3 =	simm.s32 $0x0;
	s2 =	stileid.u32;
	s7 =	smul.u32 $0x140000, s6  }
0x5: {  	s12 =	simm.s32 $0x64;
	s13 =	simm.s32 $0x2800;
	s8 =	smul.u32 $0x14000, s2  }
0x6: {  	s14 =	simm.s32 $0x0;
	[smem:$0x7FF] =	sst s3;
	s31 =	smul.u32 $0x50000, s2  }
0x7: {  	s4 =	sadd.s32 $0x3C00, s5;
	s9 =	ssub.s32 $0x2, s6;
	s6 =	smul.u32 $0x64000, s6  }
0x8: {  	_ =	strace $0x80000047;
	s11 =	smul.u32 $0x6400, s2;
	s10 =	sshrl.u32 s9, $0x1  }
0x9: {  	s7 =	sadd.s32 s8, s7;
	s8 =	sshrl.u32 s31, $0x2;
	s9 =	ssub.s32 s9, s10  }
0xa: {  	s6 =	sadd.s32 s11, s6;
	s10 =	simm.s32 $0x2;
	s7 =	sshrl.u32 s7, $0x3  }
0xb: {  	s11 =	simm.s32 $0x1;
	s7 =	sadd.s32 s7, s5;
	s5 =	sadd.s32 s8, s1  }
0xc: {  	v0 =	vimm.f32 $1.000000000e+00;
	v1 =	vimm.f32 $0.0e+00;
	s8 =	smax.u32 s9, $0x1;
	s9 =	simm.s32 $0x5C00;
	s7 =	sadd.s32 $0x1CC00, s7  }
.LBB2_1:
0xd: {  	s15 =	sand.u32 $0xFE00, s3  }
0xe: {  	s17 =	sand.u32 $0x70, s3;
	s15 =	sshrl.u32 s15, $0x2  }
0xf: {  	s16 =	simm.s32 $0x40;
	s18 =	sor.u32 s17, s15;
	s17 =	simm.s32 $0x0  }
.LBB2_2:
0x10: {  	p0 =	sne.s32 s16, $0xC7C0  }
0x11: {  	[tilespmem:s18+$0x2800] =	vst v0;
	s17 =	sadd.s32 $0x10, s17;
	s15 =	smov.u32 s16;
	s16 =	sadd.s32 $0x40, s16  }
.Ltmp0:
0x12: {  	(pc) =	sbr.rel @p0 .LBB2_2-.Ltmp0, $4  }
0x13: {  	_ = 	snop  }
0x14: {  	s15 =	sand.u32 $0xFE00, s15  }
0x15: {  	s18 =	sand.u32 $0x70, s17;
	s15 =	sshrl.u32 s15, $0x2  }
0x16: {  	s18 =	sor.u32 s18, s15;
	s15 =	simm.s32 $0x0  }
0x17: {  	s16 =	sand.u32 $0x1E00, s15  }
0x18: {  	s17 =	sand.u32 $0x70, s15;
	s19 =	sshrl.u32 s16, $0x2  }
0x19: {  	[tilespmem:s18+$0x2800] =	vst v0;
	s16 =	simm.s32 $0x40;
	s17 =	sor.u32 s17, s19  }
.LBB2_4:
0x1a: {  	p0 =	sne.s32 s16, $0x1FC0  }
0x1b: {  	[tilespmem:s17+$0x5C00] =	vst v1;
	s15 =	sadd.s32 $0x10, s15;
	s17 =	smov.u32 s16;
	s16 =	sadd.s32 $0x40, s16  }
.Ltmp1:
0x1c: {  	(pc) =	sbr.rel @p0 .LBB2_4-.Ltmp1, $4  }
0x1d: {  	_ = 	snop  }
0x1e: {  	s17 =	sand.u32 $0x1E00, s17  }
0x1f: {  	s18 =	sand.u32 $0x70, s15;
	s17 =	sshrl.u32 s17, $0x2  }
0x20: {  	s17 =	sor.u32 s18, s17  }
0x21: {  	[tilespmem:s17+$0x5C00] =	vst v1;
	s15 =	sadd.s32 $0x0, s5  }
0x22: {  	[spmem:s15] =	stream.linear.scatter [tilespmem:s9], [sflag:$0x2], $0x800, $0x38;
	[tilespmem:$0x1A400] =	vst v63  }
0x23: {  	s15 =	simm.s32 $0x2000;
	_ =	swait.ge [sflag:s10], $0x800  }
.LBB2_6:
0x24: {  	s16 =	sshra.s32 s15, $0x2;
	[sflag:s10] =	ssyncset.done $0x0;
	p0 =	sne.s32 s15, $0x4E000  }
.Ltmp2:
0x25: {  	s16 =	sadd.s32 s16, s5;
	[sflag:s10] =	ssyncadd.s32 $0xFFFFF800;
	(pc) =	sbr.rel @p0 .LBB2_6-.Ltmp2, $3  }
0x26: {  	[spmem:s16] =	stream.linear.scatter [tilespmem:s9], [sflag:$0x2], $0x800, $0x38;
	[tilespmem:$0x1A400] =	vst v63  }
0x27: {  	s15 =	sadd.s32 $0x2000, s15;
	_ =	sdelay $0x1  }
0x28: {  	_ =	swait.ge [sflag:s10], $0x800  }
.Ltmp3:
0x29: {  	(pc) =	sbr.rel .LBB2_8-.Ltmp3, $4  }
0x2a: {  	[sflag:s10] =	ssyncset.done $0x0  }
0x2b: {  	[sflag:s10] =	ssyncadd.s32 $0xFFFFF800  }
0x2c: {  	[bflag:$0x0] =	sbarrier.arrive $0xFFFF  }
0x2d: {  	s15 =	simm.s32 $0x0  }
.LBB2_12:
0x2e: {  	s16 =	smul.u32 $0x1400, s15;
	_ =	sdelay $0x1  }
0x2f: {  	s17 =	sand.u32 $0x1, s15;
	s18 =	sadd.s32 s16, s6  }
0x30: {  	p0 =	seq.s32 s17, $0x1;
	s16 =	simm.s32 $0x1400;
	s18 =	sshrl.u32 s18, $0x3  }
0x31: {  	s16 =	simm.s32 @!p0 $0x0;
	s17 =	sadd.s32 s4, s18  }
0x32: {  	[tilespmem:s16], [sflag:$0x2] =	stream.linear.gather [hbm4b:s17+s3], $0x1400, $0x38;
	[tilespmem:$0x1A400] =	vst v63  }
0x33: {  	_ =	swait.ge [sflag:s10], $0x1400  }
0x34: {  	[sflag:s10] =	ssyncset.done $0x0  }
0x35: {  	[sflag:s10] =	ssyncadd.s32 $0xFFFFEC00  }
0x36: {  	[spmem:s1] =	stream.indirect.scatter.add.f32 [tilespmem:s13], [sflag:$0x1], $0x80, s16, s12, $0xb8;
	[tilespmem:$0x1A400] =	vst v63  }
0x37: {  	s19 =	sor.u32 $0x80, s16  }
0x38: {  	[spmem:s1] =	stream.indirect.scatter.add.f32 [tilespmem:s13], [sflag:$0x1], $0x80, s19, s12, $0xb8;
	[tilespmem:$0x1A400] =	vst v63  }
0x39: {  	s20 =	sor.u32 $0x100, s16  }
0x3a: {  	[spmem:s1] =	stream.indirect.scatter.add.f32 [tilespmem:s13], [sflag:$0x1], $0x80, s20, s12, $0xb8;
	[tilespmem:$0x1A400] =	vst v63  }
0x3b: {  	s21 =	sor.u32 $0x180, s16  }
0x3c: {  	[spmem:s1] =	stream.indirect.scatter.add.f32 [tilespmem:s13], [sflag:$0x1], $0x80, s21, s12, $0xb8;
	[tilespmem:$0x1A400] =	vst v63  }
0x3d: {  	s22 =	sor.u32 $0x200, s16  }
0x3e: {  	[spmem:s1] =	stream.indirect.scatter.add.f32 [tilespmem:s13], [sflag:$0x1], $0x80, s22, s12, $0xb8;
	[tilespmem:$0x1A400] =	vst v63  }
0x3f: {  	s23 =	sor.u32 $0x280, s16  }
0x40: {  	[spmem:s1] =	stream.indirect.scatter.add.f32 [tilespmem:s13], [sflag:$0x1], $0x80, s23, s12, $0xb8;
	[tilespmem:$0x1A400] =	vst v63  }
0x41: {  	s24 =	sor.u32 $0x300, s16  }
0x42: {  	[spmem:s1] =	stream.indirect.scatter.add.f32 [tilespmem:s13], [sflag:$0x1], $0x80, s24, s12, $0xb8;
	[tilespmem:$0x1A400] =	vst v63  }
0x43: {  	s25 =	sor.u32 $0x380, s16  }
0x44: {  	[spmem:s1] =	stream.indirect.scatter.add.f32 [tilespmem:s13], [sflag:$0x1], $0x80, s25, s12, $0xb8;
	[tilespmem:$0x1A400] =	vst v63  }
0x45: {  	s26 =	sadd.s32 $0x400, s16  }
0x46: {  	[spmem:s1] =	stream.indirect.scatter.add.f32 [tilespmem:s13], [sflag:$0x1], $0x80, s26, s12, $0xb8;
	[tilespmem:$0x1A400] =	vst v63  }
0x47: {  	s28 =	sadd.s32 $0x480, s16  }
0x48: {  	[spmem:s1] =	stream.indirect.scatter.add.f32 [tilespmem:s13], [sflag:$0x1], $0x80, s28, s12, $0xb8;
	[tilespmem:$0x1A400] =	vst v63  }
0x49: {  	s29 =	sadd.s32 $0x500, s16  }
0x4a: {  	[spmem:s1] =	stream.indirect.scatter.add.f32 [tilespmem:s13], [sflag:$0x1], $0x80, s29, s12, $0xb8;
	[tilespmem:$0x1A400] =	vst v63  }
0x4b: {  	s30 =	sadd.s32 $0x580, s16  }
0x4c: {  	[spmem:s1] =	stream.indirect.scatter.add.f32 [tilespmem:s13], [sflag:$0x1], $0x80, s30, s12, $0xb8;
	[tilespmem:$0x1A400] =	vst v63  }
0x4d: {  	s31 =	sadd.s32 $0x600, s16  }
0x4e: {  	[spmem:s1] =	stream.indirect.scatter.add.f32 [tilespmem:s13], [sflag:$0x1], $0x80, s31, s12, $0xb8;
	[tilespmem:$0x1A400] =	vst v63  }
0x4f: {  	s18 =	sadd.s32 $0x680, s16  }
0x50: {  	[spmem:s1] =	stream.indirect.scatter.add.f32 [tilespmem:s13], [sflag:$0x1], $0x80, s18, s12, $0xb8;
	[tilespmem:$0x1A400] =	vst v63  }
0x51: {  	s19 =	sadd.s32 $0x700, s16  }
0x52: {  	[spmem:s1] =	stream.indirect.scatter.add.f32 [tilespmem:s13], [sflag:$0x1], $0x80, s19, s12, $0xb8;
	[tilespmem:$0x1A400] =	vst v63  }
0x53: {  	s20 =	sadd.s32 $0x780, s16  }
0x54: {  	[spmem:s1] =	stream.indirect.scatter.add.f32 [tilespmem:s13], [sflag:$0x1], $0x80, s20, s12, $0xb8;
	[tilespmem:$0x1A400] =	vst v63  }
0x55: {  	s21 =	sor.u32 $0x800, s16  }
0x56: {  	[spmem:s1] =	stream.indirect.scatter.add.f32 [tilespmem:s13], [sflag:$0x1], $0x80, s21, s12, $0xb8;
	[tilespmem:$0x1A400] =	vst v63  }
0x57: {  	s22 =	sor.u32 $0x880, s16  }
0x58: {  	[spmem:s1] =	stream.indirect.scatter.add.f32 [tilespmem:s13], [sflag:$0x1], $0x80, s22, s12, $0xb8;
	[tilespmem:$0x1A400] =	vst v63  }
0x59: {  	s23 =	sor.u32 $0x900, s16  }
0x5a: {  	[spmem:s1] =	stream.indirect.scatter.add.f32 [tilespmem:s13], [sflag:$0x1], $0x80, s23, s12, $0xb8;
	[tilespmem:$0x1A400] =	vst v63  }
0x5b: {  	s24 =	sor.u32 $0x980, s16  }
0x5c: {  	[spmem:s1] =	stream.indirect.scatter.add.f32 [tilespmem:s13], [sflag:$0x1], $0x80, s24, s12, $0xb8;
	[tilespmem:$0x1A400] =	vst v63  }
0x5d: {  	s25 =	sor.u32 $0xA00, s16  }
0x5e: {  	[spmem:s1] =	stream.indirect.scatter.add.f32 [tilespmem:s13], [sflag:$0x1], $0x80, s25, s12, $0xb8;
	[tilespmem:$0x1A400] =	vst v63  }
0x5f: {  	s26 =	sor.u32 $0xA80, s16  }
0x60: {  	[spmem:s1] =	stream.indirect.scatter.add.f32 [tilespmem:s13], [sflag:$0x1], $0x80, s26, s12, $0xb8;
	[tilespmem:$0x1A400] =	vst v63  }
0x61: {  	s28 =	sor.u32 $0xB00, s16  }
0x62: {  	[spmem:s1] =	stream.indirect.scatter.add.f32 [tilespmem:s13], [sflag:$0x1], $0x80, s28, s12, $0xb8;
	[tilespmem:$0x1A400] =	vst v63  }
0x63: {  	s29 =	sor.u32 $0xB80, s16  }
0x64: {  	[spmem:s1] =	stream.indirect.scatter.add.f32 [tilespmem:s13], [sflag:$0x1], $0x80, s29, s12, $0xb8;
	[tilespmem:$0x1A400] =	vst v63  }
0x65: {  	s30 =	sadd.s32 $0xC00, s16  }
0x66: {  	[spmem:s1] =	stream.indirect.scatter.add.f32 [tilespmem:s13], [sflag:$0x1], $0x80, s30, s12, $0xb8;
	[tilespmem:$0x1A400] =	vst v63  }
0x67: {  	s31 =	sadd.s32 $0xC80, s16  }
0x68: {  	[spmem:s1] =	stream.indirect.scatter.add.f32 [tilespmem:s13], [sflag:$0x1], $0x80, s31, s12, $0xb8;
	[tilespmem:$0x1A400] =	vst v63  }
0x69: {  	s18 =	sadd.s32 $0xD00, s16  }
0x6a: {  	[spmem:s1] =	stream.indirect.scatter.add.f32 [tilespmem:s13], [sflag:$0x1], $0x80, s18, s12, $0xb8;
	[tilespmem:$0x1A400] =	vst v63  }
0x6b: {  	s19 =	sadd.s32 $0xD80, s16  }
0x6c: {  	[spmem:s1] =	stream.indirect.scatter.add.f32 [tilespmem:s13], [sflag:$0x1], $0x80, s19, s12, $0xb8;
	[tilespmem:$0x1A400] =	vst v63  }
0x6d: {  	s20 =	sadd.s32 $0xE00, s16  }
0x6e: {  	[spmem:s1] =	stream.indirect.scatter.add.f32 [tilespmem:s13], [sflag:$0x1], $0x80, s20, s12, $0xb8;
	[tilespmem:$0x1A400] =	vst v63  }
0x6f: {  	s21 =	sadd.s32 $0xE80, s16  }
0x70: {  	[spmem:s1] =	stream.indirect.scatter.add.f32 [tilespmem:s13], [sflag:$0x1], $0x80, s21, s12, $0xb8;
	[tilespmem:$0x1A400] =	vst v63  }
0x71: {  	s22 =	sadd.s32 $0xF00, s16  }
0x72: {  	[spmem:s1] =	stream.indirect.scatter.add.f32 [tilespmem:s13], [sflag:$0x1], $0x80, s22, s12, $0xb8;
	[tilespmem:$0x1A400] =	vst v63  }
0x73: {  	s23 =	sadd.s32 $0xF80, s16  }
0x74: {  	[spmem:s1] =	stream.indirect.scatter.add.f32 [tilespmem:s13], [sflag:$0x1], $0x80, s23, s12, $0xb8;
	[tilespmem:$0x1A400] =	vst v63  }
0x75: {  	s24 =	sadd.s32 $0x1000, s16  }
0x76: {  	[spmem:s1] =	stream.indirect.scatter.add.f32 [tilespmem:s13], [sflag:$0x1], $0x80, s24, s12, $0xb8;
	[tilespmem:$0x1A400] =	vst v63  }
0x77: {  	s25 =	sadd.s32 $0x1080, s16  }
0x78: {  	[spmem:s1] =	stream.indirect.scatter.add.f32 [tilespmem:s13], [sflag:$0x1], $0x80, s25, s12, $0xb8;
	[tilespmem:$0x1A400] =	vst v63  }
0x79: {  	s26 =	sadd.s32 $0x1100, s16  }
0x7a: {  	[spmem:s1] =	stream.indirect.scatter.add.f32 [tilespmem:s13], [sflag:$0x1], $0x80, s26, s12, $0xb8;
	[tilespmem:$0x1A400] =	vst v63  }
0x7b: {  	s28 =	sadd.s32 $0x1180, s16  }
0x7c: {  	[spmem:s1] =	stream.indirect.scatter.add.f32 [tilespmem:s13], [sflag:$0x1], $0x80, s28, s12, $0xb8;
	[tilespmem:$0x1A400] =	vst v63  }
0x7d: {  	s15 =	sadd.s32 $0x1, s15;
	s29 =	sadd.s32 $0x1200, s16  }
0x7e: {  	[spmem:s1] =	stream.indirect.scatter.add.f32 [tilespmem:s13], [sflag:$0x1], $0x80, s29, s12, $0xb8;
	[tilespmem:$0x1A400] =	vst v63  }
0x7f: {  	p0 =	sne.s32 s15, $0x5;
	s30 =	sadd.s32 $0x1280, s16  }
0x80: {  	[spmem:s1] =	stream.indirect.scatter.add.f32 [tilespmem:s13], [sflag:$0x1], $0x80, s30, s12, $0xb8;
	[tilespmem:$0x1A400] =	vst v63  }
.Ltmp4:
0x81: {  	_ = 	snop;
	(pc) =	sbr.rel @!p0 .LBB2_13-.Ltmp4, $4  }
0x82: {  	s31 =	sadd.s32 $0x1300, s16  }
0x83: {  	[spmem:s1] =	stream.indirect.scatter.add.f32 [tilespmem:s13], [sflag:$0x1], $0x80, s31, s12, $0xb8;
	[tilespmem:$0x1A400] =	vst v63  }
0x84: {  	s16 =	sadd.s32 $0x1380, s16  }
0x85: {  	[spmem:s1] =	stream.indirect.scatter.add.f32 [tilespmem:s13], [sflag:$0x1], $0x80, s16, s12, $0xb8;
	[tilespmem:$0x1A400] =	vst v63  }
.LBB2_8:
0x86: {  	p0 =	slt.u32 s15, $0x2  }
.Ltmp5:
0x87: {  	_ = 	snop;
	(pc) =	sbr.rel @p0 .LBB2_12-.Ltmp5, $2  }
0x88: {  	_ =	sdelay $0x2  }
0x89: {  	s16 =	simm.s32 $0x28  }
0x8a: {  	_ =	swait.ge [sflag:s11], $0x3200  }
0x8b: {  	s16 =	sadd.s32 $0xFFFFFFFF, s16;
	[sflag:s11] =	ssyncset.done $0x0  }
.LBB2_10:
0x8c: {  	p0 =	sne.s32 s16, $0x1;
	s16 =	sadd.s32 $0xFFFFFFFF, s16;
	[sflag:s11] =	ssyncadd.s32 $0xFFFFCE00  }
.Ltmp6:
0x8d: {  	(pc) =	sbr.rel @p0 .LBB2_10-.Ltmp6, $3  }
0x8e: {  	_ =	sdelay $0x1  }
0x8f: {  	_ =	swait.ge [sflag:s11], $0x3200  }
0x90: {  	[sflag:s11] =	ssyncset.done $0x0  }
.Ltmp7:
0x91: {  	(pc) =	sbr.rel .LBB2_12-.Ltmp7, $2  }
0x92: {  	_ =	sdelay $0x2  }
0x93: {  	[sflag:s11] =	ssyncadd.s32 $0xFFFFCE00  }
.LBB2_13:
0x94: {  	_ =	swait.ge [sflag:s11], $0x3200  }
0x95: {  	s15 =	simm.s32 $0x4F;
	[sflag:s11] =	ssyncset.done $0x0  }
.LBB2_14:
0x96: {  	p0 =	sne.s32 s15, $0x1;
	s15 =	sadd.s32 $0xFFFFFFFF, s15;
	[sflag:s11] =	ssyncadd.s32 $0xFFFFCE00  }
.Ltmp8:
0x97: {  	(pc) =	sbr.rel @p0 .LBB2_14-.Ltmp8, $3  }
0x98: {  	_ =	sdelay $0x1  }
0x99: {  	_ =	swait.ge [sflag:s11], $0x3200  }
0x9a: {  	[sflag:s11] =	ssyncset.done $0x0  }
0x9b: {  	[sflag:s11] =	ssyncadd.s32 $0xFFFFCE00;
	s14 =	sadd.s32 $0x1, s14  }
0x9c: {  	s15 =	sshll.u32 s2, $0x6;
	s16 =	sshrl.u32 s5, $0x3;
	p0 =	sne.s32 s14, s8  }
.Ltmp9:
0x9d: {  	[bflag:$0x0] =	sbarrier.arrive $0xFFFF;
	s15 =	sor.u32 $0x1C02, s15;
	(pc) =	sbr.rel @p0 .LBB2_1-.Ltmp9, $4  }
0x9e: {  	[hbm:s7], [sflag:s15] =	dma.local [spmem:s16], $0x2800  }
0x9f: {  	_ =	swait.ge [sflag:s10], $0x2800  }
0xa0: {  	[sflag:s10] =	ssyncset.done $0x0  }
0xa1: {  	[sflag:s10] =	ssyncadd.s32 $0xFFFFD800  }
0xa2: {  	_ =	sfence.sel $0x180000  }
0xa3: {  	[bflag:$0x0] =	sbarrier.arrive $0xFFFF  }
0xa4: {  	p0 =	sne.s32 s2, $0x0;
	_ =	strace $0x90000047  }
0xa5: {  	s0 =	sadd.s32 @!p0 $0x100000, s0;
	[bflag:$0x2] =	sbarrier.arrive $0xFFFF  }
0xa6: {  	[sflag:s0] =	ssyncadd.tile.s32 @!p0 $0x1;
	_ =	shalt  }
.Lfunc_end2:
_tile_overlayer_lowered:
.L_overlay_start_2:
0xa7: {  	(tag) =	ssettag $0x2  }
0xa8: {  	s0 =	rddreg [dreg:$0x0];
	s2 =	stileid.u32  }
0xa9: {  	s1 =	rddreg [dreg:$0x1];
	p0 =	sne.s32 s2, $0x0  }
0xaa: {  	s3 =	rddreg [dreg:$0x2];
	[bflag:$0x3] =	sbarrier.arrive $0xFFFF;
	s2 =	simm.s32 @!p0 $0x1C02  }
0xab: {  	[timem:s3], [sflag:s2] =	dma.local @!p0 [hbm:s0], s1  }
0xac: {  	s0 =	simm.s32 @!p0 $0x2  }
0xad: {  	_ =	swait.ge @!p0 [sflag:s0], s1  }
0xae: {  	s1 =	ssub.s32 @!p0 $0x0, s1;
	[sflag:s0] =	ssyncset.done @!p0 $0x0  }
0xaf: {  	[sflag:s0] =	ssyncadd.s32 @!p0 s1  }
0xb0: {  	[bflag:$0x3] =	sbarrier.arrive $0xFFFF  }
0xb1: {  	_ =	shalt  }

// kernel: kernel.13.cloned.1.call-start
scs
__scs_entry_jumppad:
0x0: {  	(pc) =	sbr.rel $0x88, $3  }
0x1: {  	(tag) =	ssettag $0x0;
	lr =	simm.s32 $0x1  }
0x2: {  	[smem:$0x3F84] =	sst lr;
	_ =	strace $0xD0000000  }
0x3: {  	_ = 	snop  }
0x4: {  	_ = 	snop  }
0x5: {  	_ = 	snop  }
0x6: {  	_ = 	snop  }
0x7: {  	_ = 	snop  }
__scs_overlays_trampoline_lowered:
0x8: {  	[smem:$0x3F93] =	sst s0  }
0x9: {  	[smem:$0x3F94] =	sst s1  }
0xa: {  	[smem:$0x3F95] =	sst s2  }
0xb: {  	[smem:$0x3F96] =	sst s3  }
0xc: {  	[smem:$0x3F97] =	sst s4  }
0xd: {  	[smem:$0x3F98] =	sst s5  }
0xe: {  	[smem:$0x3F99] =	sst s6  }
0xf: {  	[smem:$0x3F9A] =	sst s7  }
0x10: {  	[smem:$0x3F9B] =	sst s8  }
0x11: {  	[smem:$0x3F9C] =	sst s9;
	s0 =	simm.s32 @!p0 $0x0  }
0x12: {  	s1 =	sld [smem:$0x3F82];
	s0 =	simm.s32 @p0 $0x1  }
0x13: {  	[smem:$0x3F9D] =	sst s0;
	s0 =	simm.s32 @!p1 $0x0  }
0x14: {  	s2 =	sld [smem:$0x3F81];
	s0 =	simm.s32 @p1 $0x1  }
0x15: {  	[smem:$0x3F9E] =	sst s0;
	s0 =	simm.s32 @!p2 $0x0  }
0x16: {  	s3 =	sld [smem:$0x3FDB];
	s0 =	simm.s32 @p2 $0x1  }
0x17: {  	s4 =	simm.s32 $0x1BF5;
	[smem:$0x3FA0] =	sst s0  }
0x18: {  	s0 =	sld [smem:$0x3F83];
	_ =	swait.ge [sflag:s4], $0x0  }
0x19: {  	s7 =	sld [smem:$0x3F84]  }
0x1a: {  	s8 =	sadd.s32 $0xFFFFE003, lr  }
0x1b: {  	s9 =	sadd.s32 $0xFFFFFEF7, lr;
	s5 =	simm.s32 $0xFFFFFFFF;
	p2 =	slt.u32 s8, $0xFFFFF086  }
0x1c: {  	p1 =	slt.u32 s9, $0xF7A;
	s5 =	simm.s32 @!p2 $0x0  }
0x1d: {  	s5 =	simm.s32 @p1 $0x1;
	p0 =	seq.s32 s7, s2  }
0x1e: {  	s7 =	smul.u32 @!p0 $0xF7A, s2;
	p2 =	seq.s32 @!p0 s5, $0x0  }
0x1f: {  	s9 =	smul.u32 $0xF7A, s1;
	s8 =	simm.s32 @!p0 $0x1BF5;
	p2 =	por !p2, p0  }
0x20: {  	[sflag:s8] =	ssyncset.s32 @!p0 $0xFFFFF086;
	s6 =	sadd.s32 @!p0 s3, s7;
	s7 =	simm.s32 @!p0 $0x108  }
0x21: {  	s3 =	sadd.s32 s3, s9;
	s6 =	sadd.s32 @!p0 $0x88, s6;
	s7 =	simm.s32 @p2 $0x1082  }
0x22: {  	[simem:s7], [sflag:s8] =	dma.local @!p0 [hbm:s6], $0xF7A  }
0x23: {  	s9 =	sor.u32 $0xD0000000, s2;
	s6 =	simm.s32 $0x108;
	_ =	swait.ge @!p0 [sflag:s8], $0x0  }
0x24: {  	s3 =	sadd.s32 $0x88, s3;
	s6 =	simm.s32 @!p1 $0x1082;
	[sflag:s4] =	ssyncset.s32 $0xFFFFF086  }
0x25: {  	[simem:s6], [sflag:s4] =	dma.local [hbm:s3], $0xF7A  }
0x26: {  	[smem:$0x3F84] =	sst s1;
	(tag) =	ssettag s2;
	_ =	strace s9  }
0x27: {  	s1 =	sld [smem:$0x3F94]  }
0x28: {  	s2 =	sld [smem:$0x3F95]  }
0x29: {  	s4 =	sld [smem:$0x3F97]  }
0x2a: {  	p0 =	seq.s32 s5, $0x0;
	s5 =	sld [smem:$0x3F98]  }
0x2b: {  	s6 =	sld [smem:$0x3F99]  }
0x2c: {  	s7 =	sld [smem:$0x3F9A]  }
0x2d: {  	s3 =	simm.s32 $0x108;
	s8 =	sld [smem:$0x3F9B]  }
0x2e: {  	s3 =	simm.s32 @!p0 $0x1082;
	s9 =	sld [smem:$0x3F9C]  }
0x2f: {  	lr =	sadd.s32 s0, s3;
	s0 =	sld [smem:$0x3F93]  }
0x30: {  	s3 =	sld [smem:$0x3F96]  }
0x31: {  	[smem:$0x3F9F] =	sst s10  }
0x32: {  	s10 =	sld [smem:$0x3F9D];
	_ =	sdelay $0x3  }
0x33: {  	p0 =	seq.s32 s10, $0x1;
	s10 =	sld [smem:$0x3F9F];
	_ =	sdelay $0x3  }
0x34: {  	[smem:$0x3F9F] =	sst s10  }
0x35: {  	s10 =	sld [smem:$0x3F9E];
	_ =	sdelay $0x3  }
0x36: {  	p1 =	seq.s32 s10, $0x1;
	s10 =	sld [smem:$0x3F9F];
	_ =	sdelay $0x3  }
0x37: {  	[smem:$0x3F9F] =	sst s10  }
0x38: {  	s10 =	sld [smem:$0x3FA0]  }
0x39: {  	_ = 	snop;
	(pc) =	sbr.ind lr, $3  }
0x3a: {  	_ = 	snop  }
0x3b: {  	_ = 	snop  }
0x3c: {  	p2 =	seq.s32 s10, $0x1;
	s10 =	sld [smem:$0x3F9F]  }
0x3d: {  	_ =	shalt  }
0x3e: {  	_ =	shalt  }
0x3f: {  	_ =	shalt  }
0x40: {  	_ =	shalt  }
0x41: {  	_ =	shalt  }
0x42: {  	_ =	shalt  }
0x43: {  	_ =	shalt  }
0x44: {  	_ =	shalt  }
0x45: {  	_ =	shalt  }
0x46: {  	_ =	shalt  }
0x47: {  	_ =	shalt  }
0x48: {  	_ =	shalt  }
0x49: {  	_ =	shalt  }
0x4a: {  	_ =	shalt  }
0x4b: {  	_ =	shalt  }
0x4c: {  	_ =	shalt  }
0x4d: {  	_ =	shalt  }
0x4e: {  	_ =	shalt  }
0x4f: {  	_ =	shalt  }
0x50: {  	_ =	shalt  }
0x51: {  	_ =	shalt  }
0x52: {  	_ =	shalt  }
0x53: {  	_ =	shalt  }
0x54: {  	_ =	shalt  }
0x55: {  	_ =	shalt  }
0x56: {  	_ =	shalt  }
0x57: {  	_ =	shalt  }
0x58: {  	_ =	shalt  }
0x59: {  	_ =	shalt  }
0x5a: {  	_ =	shalt  }
0x5b: {  	_ =	shalt  }
0x5c: {  	_ =	shalt  }
0x5d: {  	_ =	shalt  }
0x5e: {  	_ =	shalt  }
0x5f: {  	_ =	shalt  }
0x60: {  	_ =	shalt  }
0x61: {  	_ =	shalt  }
0x62: {  	_ =	shalt  }
0x63: {  	_ =	shalt  }
0x64: {  	_ =	shalt  }
0x65: {  	_ =	shalt  }
0x66: {  	_ =	shalt  }
0x67: {  	_ =	shalt  }
0x68: {  	_ =	shalt  }
0x69: {  	_ =	shalt  }
0x6a: {  	_ =	shalt  }
0x6b: {  	_ =	shalt  }
0x6c: {  	_ =	shalt  }
0x6d: {  	_ =	shalt  }
0x6e: {  	_ =	shalt  }
0x6f: {  	_ =	shalt  }
0x70: {  	_ =	shalt  }
0x71: {  	_ =	shalt  }
0x72: {  	_ =	shalt  }
0x73: {  	_ =	shalt  }
0x74: {  	_ =	shalt  }
0x75: {  	_ =	shalt  }
0x76: {  	_ =	shalt  }
0x77: {  	_ =	shalt  }
0x78: {  	_ =	shalt  }
0x79: {  	_ =	shalt  }
0x7a: {  	_ =	shalt  }
0x7b: {  	_ =	shalt  }
0x7c: {  	_ =	shalt  }
0x7d: {  	_ =	shalt  }
0x7e: {  	_ =	shalt  }
0x7f: {  	_ =	shalt  }
0x80: {  	_ =	shalt  }
0x81: {  	_ =	shalt  }
0x82: {  	_ =	shalt  }
0x83: {  	_ =	shalt  }
0x84: {  	_ =	shalt  }
0x85: {  	_ =	shalt  }
0x86: {  	_ =	shalt  }
0x87: {  	_ =	shalt  }
.Lfunc_end0:
.L_simem_size_0:
called_computation.1_lowered:
.L_overlay_start_0:
0x88: {  	s2 =	sld [smem:$0x3FD9]  }
0x89: {  	s3 =	sld [smem:$0x3FFE];
	_ =	sdelay $0x1  }
0x8a: {  	s1 =	srdreg.scid  }
0x8b: {  	s0 =	sand.u32 $0x1, s1  }
0x8c: {  	s16 =	sshll.u32 s0, $0xA;
	s2 =	sadd.s32 s3, s2  }
0x8d: {  	s2 =	sadd.s32 s2, s16  }
0x8e: {  	[smem:$0x3FAB] =	sst s2  }
0x8f: {  	_ = 	snop  }
0x90: {  	(tm) =	ssettm $0x1  }
0x91: {  	s17 =	sld [smem:$0x3FFB];
	_ =	sdelay $0x3  }
0x92: {  	_ =	strace s17  }
0x93: {  	s2 =	sld [smem:$0x3FFC];
	_ =	sdelay $0x3  }
0x94: {  	_ =	strace s2  }
0x95: {  	s2 =	sld [smem:$0x3FFD];
	_ =	sdelay $0x3  }
0x96: {  	_ =	strace s2  }
0x97: {  	_ =	strace $0x8FFFFFFF  }
0x98: {  	s18 =	sld [smem:$0x3FDB];
	_ =	sdelay $0x1  }
0x99: {  	s19 =	simm.s32 $_scs_section_size  }
0x9a: {  	s4 =	simm.s32 $_size__tile_overlayer_lowered;
	s5 =	simm.s32 $_tile_overlayer_lowered  }
0x9b: {  	s22 =	simm.s32 $0x1BFF;
	s21 =	sshll.u32 s5, $0x1;
	s2 =	sadd.s32 s19, s18  }
0x9c: {  	s6 =	simm.s32 $0x0;
	s20 =	sshll.u32 s4, $0x1;
	s4 =	sadd.s32 s21, s2  }
0x9d: {  	[timem:s6], [sflag:s22] =	dma.local [hbm:s4], s20  }
0x9e: {  	_ =	swait.ge [sflag:s22], s20  }
0x9f: {  	s3 =	ssub.s32 $0x0, s20;
	[sflag:s22] =	ssyncset.done $0x0  }
0xa0: {  	[sflag:s22] =	ssyncadd.s32 s3;
	_ =	sdelay $0x1  }
0xa1: {  	s23 =	simm.s32 $0x1B8B  }
0xa2: {  	_ =	swait.ge [sflag:s23], $0x1  }
0xa3: {  	[sflag:s23] =	ssyncset.done $0x0  }
0xa4: {  	s25 =	simm.s32 $0x1B8E;
	s24 =	sld [smem:$0x3FFE];
	[sflag:s23] =	ssyncadd.s32 $0xFFFFFFFF  }
0xa5: {  	s26 =	simm.s32 $execute0_lowered;
	[smem:$0x3FD2] =	sst s25  }
0xa6: {  	s4 =	sshll.u32 s26, $0x1;
	_ =	strace $0x80000049;
	[dreg:$0x1] =	wrdreg $0xFFFFFFFF  }
0xa7: {  	s28 =	simm.s32 $_size_execute0_lowered;
	s2 =	sadd.s32 s2, s4;
	[dreg:$0x0] =	wrdreg $0x0  }
0xa8: {  	s4 =	sshll.u32 s28, $0x1;
	[dreg:$0x2] =	wrdreg s2  }
0xa9: {  	[dreg:$0x3] =	wrdreg s4  }
0xaa: {  	[dreg:$0x4] =	wrdreg $0xC0  }
0xab: {  	_ =	task [dreg:s6], $0x5FFFF  }
0xac: {  	[dreg:$0x1] =	wrdreg $0xFFFFFFFF  }
0xad: {  	[dreg:$0x0] =	wrdreg $0x60  }
0xae: {  	[dreg:$0x2] =	wrdreg s24  }
0xaf: {  	[dreg:$0x3] =	wrdreg $0xAC000  }
0xb0: {  	[dreg:$0x4] =	wrdreg $0x9  }
0xb1: {  	_ =	task.clear_ibuf [dreg:s6], $0x5FFFF;
	_ =	strace $0x90000049  }
0xb2: {  	s29 =	simm.s32 $0x9;
	_ =	strace $0x8000004B  }
0xb3: {  	_ =	swait.ge [sflag:s29], $0x1  }
0xb4: {  	[sflag:s29] =	ssyncadd.s32 $0xFFFFFFFF  }
0xb5: {  	_ =	strace $0x9000004B  }
0xb6: {  	_ =	sfence  }
0xb7: {  	s30 =	sld [smem:$0x0];
	_ =	sdelay $0x2  }
0xb8: {  	s31 =	sshll.u32 s1, $0xD;
	s1 =	sshrl.u32 s1, $0x2  }
0xb9: {  	s3 =	sand.u32 $0x4000, s31;
	s1 =	sadd.s32 s1, s30  }
0xba: {  	s0 =	sor.u32 s3, s0;
	s1 =	sshll.u32 s1, $0x11  }
0xbb: {  	s0 =	sor.u32 s1, s0  }
0xbc: {  	s0 =	sadd.s32 $0x8F2B, s0  }
0xbd: {  	[sflag:s0] =	ssyncadd.remote.s32 $0x1  }
0xbe: {  	_ =	sfence.sel $0xFFFF  }
0xbf: {  	[dreg:$0x0] =	wrdreg $0xFFFFFFFF;
	(pc) =	sbr.abs _section_cstart, $3  }
0xc0: {  	[dreg:$0x1] =	wrdreg $0xFFFFFFFF  }
0xc1: {  	_ =	task.clear_ibuf [dreg:s6], $0x2FFFF;
	_ =	strace $0x9FFFFFFF  }
0xc2: {  	(tm) =	ssettm $0x7FFFFFFF  }
0xc3: {  	_ =	shalt  }
tec
execute0_lowered:
.L_overlay_start_1:
0x0: {  	(tag) =	ssettag $0x1  }
0x1: {  	s7 =	rddreg [dreg:$0x0]  }
0x2: {  	s1 =	rddreg [dreg:$0x1]  }
0x3: {  	s0 =	rddreg [dreg:$0x2];
	s3 =	simm.s32 $0x0;
	s2 =	srdreg.scid  }
0x4: {  	s14 =	simm.s32 $0x64;
	s15 =	simm.s32 $0x800;
	s8 =	sand.u32 $0x1, s2  }
0x5: {  	s16 =	simm.s32 $0x1;
	s2 =	stileid.u32;
	s9 =	smul.u32 $0x140000, s8  }
0x6: {  	s17 =	simm.s32 $0x2;
	[smem:$0x7FF] =	sst s3;
	s10 =	smul.u32 $0x14000, s2  }
0x7: {  	s4 =	sadd.s32 $0x85E00, s7;
	s5 =	sadd.s32 $0x6CE00, s7;
	s11 =	smul.u32 $0x50000, s2  }
0x8: {  	s6 =	sadd.s32 $0x3C00, s7;
	s30 =	smul.u32 $0x64000, s8;
	s8 =	ssub.s32 $0x2, s8  }
0x9: {  	_ =	strace $0x8000004A;
	s12 =	smul.u32 $0x6400, s2;
	s31 =	sshrl.u32 s8, $0x1  }
0xa: {  	s9 =	sadd.s32 s10, s9;
	s11 =	sshrl.u32 s11, $0x2;
	s13 =	ssub.s32 s8, s31  }
0xb: {  	s8 =	sadd.s32 s12, s30;
	s12 =	simm.s32 $0x3;
	s9 =	sshrl.u32 s9, $0x3  }
0xc: {  	s10 =	smax.u32 s13, $0x1;
	s13 =	simm.s32 $0x400;
	s9 =	sadd.s32 s9, s7  }
0xd: {  	v0 =	vimm.f32 $0.0e+00;
	s7 =	sadd.s32 s11, s1;
	s11 =	simm.s32 $0xA400;
	s9 =	sadd.s32 $0x1CC00, s9  }
.LBB2_1:
0xe: {  	s18 =	simm.s32 $0x0;
	s19 =	simm.s32 $0x0  }
.LBB2_2:
0xf: {  	p0 =	sne.s32 s19, $0x1FC0  }
.Ltmp0:
0x10: {  	_ = 	snop;
	(pc) =	sbr.rel @p0 .LBB2_2-.Ltmp0, $4  }
0x11: {  	s20 =	sand.u32 $0x1E00, s19  }
0x12: {  	s21 =	sand.u32 $0x70, s18;
	s20 =	sshrl.u32 s20, $0x2  }
0x13: {  	s20 =	sor.u32 s21, s20  }
0x14: {  	s18 =	sadd.s32 $0x10, s18;
	s19 =	sadd.s32 $0x40, s19;
	[tilespmem:s20+$0xA400] =	vst v0  }
0x15: {  	s18 =	sadd.s32 $0x0, s7  }
0x16: {  	[spmem:s18] =	stream.linear.scatter [tilespmem:s11], [sflag:$0x3], $0x800, $0x38;
	[tilespmem:$0x1EC00] =	vst v63  }
0x17: {  	s18 =	simm.s32 $0x2000;
	_ =	swait.ge [sflag:s12], $0x800  }
.LBB2_4:
0x18: {  	s19 =	sshra.s32 s18, $0x2;
	[sflag:s12] =	ssyncset.done $0x0;
	p0 =	sne.s32 s18, $0x4E000  }
.Ltmp1:
0x19: {  	s19 =	sadd.s32 s19, s7;
	[sflag:s12] =	ssyncadd.s32 $0xFFFFF800;
	(pc) =	sbr.rel @p0 .LBB2_4-.Ltmp1, $3  }
0x1a: {  	[spmem:s19] =	stream.linear.scatter [tilespmem:s11], [sflag:$0x3], $0x800, $0x38;
	[tilespmem:$0x1EC00] =	vst v63  }
0x1b: {  	s18 =	sadd.s32 $0x2000, s18;
	_ =	sdelay $0x1  }
0x1c: {  	_ =	swait.ge [sflag:s12], $0x800  }
0x1d: {  	[sflag:s12] =	ssyncset.done $0x0  }
0x1e: {  	[sflag:s12] =	ssyncadd.s32 $0xFFFFF800  }
0x1f: {  	s18 =	simm.s32 $0x0;
	s19 =	simm.s32 $0x0;
	[bflag:$0x0] =	sbarrier.arrive $0xFFFF  }
.LBB2_6:
0x20: {  	s20 =	sshll.u32 s19, $0xA  }
0x21: {  	s20 =	sadd.s32 s20, s8  }
0x22: {  	s20 =	sshrl.u32 s20, $0x3  }
0x23: {  	s21 =	sadd.s32 s5, s20  }
0x24: {  	[tilespmem:s18], [sflag:$0x3] =	stream.linear.gather [hbm4b:s21+s18], $0x400, $0x38;
	[tilespmem:$0x1EC00] =	vst v63  }
0x25: {  	_ =	swait.ge [sflag:s12], $0x400  }
0x26: {  	[sflag:s12] =	ssyncset.done $0x0  }
0x27: {  	s20 =	sadd.s32 s6, s20;
	[sflag:s12] =	ssyncadd.s32 $0xFFFFFC00  }
0x28: {  	[tilespmem:s13], [sflag:$0x3] =	stream.linear.gather [hbm4b:s20+s18], $0x400, $0x38;
	[tilespmem:$0x1EC00] =	vst v63  }
0x29: {  	_ =	swait.ge [sflag:s12], $0x400  }
0x2a: {  	[sflag:s12] =	ssyncset.done $0x0  }
0x2b: {  	s20 =	simm.s32 $0x0;
	[sflag:s12] =	ssyncadd.s32 $0xFFFFFC00  }
0x2c: {  	[tilespmem:s15], [sflag:$0x1] =	stream.indirect.gather [hbm4b:s4+s14], $0x80, s18, s14, $0xb8;
	[tilespmem:$0x1EC00] =	vst v63  }
.LBB2_7:
0x2d: {  	p0 =	slt.u32 s20, $0x2  }
0x2e: {  	s21 =	simm.s32 @!p0 $0x2  }
0x2f: {  	_ =	swait.ge @!p0 [sflag:s21], $0x3200  }
0x30: {  	p1 =	seq.s32 @!p0 s20, $0x7;
	[sflag:s21] =	ssyncset.done @!p0 $0x0  }
0x31: {  	p1 =	por p0, !p1;
	[sflag:s21] =	ssyncadd.s32 @!p0 $0xFFFFCE00;
	s21 =	simm.s32 @!p0 $0x8  }
0x32: {  	s21 =	sadd.s32 @p1 $0x1, s20  }
0x33: {  	s22 =	smul.u32 @p1 $0xAB, s21;
	_ =	sdelay $0x1  }
0x34: {  	s22 =	sshrl.u32 @p1 s22, $0x9  }
0x35: {  	s22 =	sand.u32 @p1 $0x7F, s22  }
0x36: {  	s22 =	smul.u32 @p1 $0x3, s22;
	_ =	sdelay $0x1  }
0x37: {  	s22 =	ssub.s32 @p1 s21, s22  }
0x38: {  	s22 =	sand.u32 @p1 $0xFF, s22  }
0x39: {  	s22 =	smul.u32 @p1 $0xD000, s22;
	_ =	sdelay $0x1  }
0x3a: {  	s23 =	sshll.u32 @p1 s21, $0x7;
	s22 =	sshrl.u32 @p1 s22, $0x2  }
0x3b: {  	s30 =	smul.u32 $0xAB, s20;
	s23 =	sand.u32 @p1 $0x3FFFFF80, s23;
	s22 =	sadd.s32 @p1 $0x800, s22  }
0x3c: {  	[tilespmem:s22], [sflag:$0x1] =	stream.indirect.gather @p1 [hbm4b:s4+s14], $0x80, s23, s14, $0xb8;
	[tilespmem:$0x1EC00] =	vst v63  }
0x3d: {  	s22 =	sshrl.u32 s30, $0x9  }
0x3e: {  	s22 =	sand.u32 $0x7F, s22  }
0x3f: {  	s22 =	smul.u32 $0x3, s22;
	_ =	sdelay $0x1  }
0x40: {  	s22 =	ssub.s32 s20, s22  }
0x41: {  	s22 =	sand.u32 $0xFF, s22  }
0x42: {  	p0 =	slt.u32 s21, $0x8;
	s22 =	smul.u32 $0xD000, s22  }
.Ltmp2:
0x43: {  	s31 =	sshll.u32 s20, $0x7;
	_ =	swait.ge [sflag:s16], $0x3200;
	(pc) =	sbr.rel @p0 .LBB2_7-.Ltmp2, $4  }
0x44: {  	[sflag:s16] =	ssyncset.done $0x0;
	s20 =	sand.u32 $0x3FFFFF80, s31;
	s22 =	sshrl.u32 s22, $0x2  }
0x45: {  	[sflag:s16] =	ssyncadd.s32 $0xFFFFCE00;
	s20 =	sadd.s32 $0x400, s20;
	s22 =	sadd.s32 $0x800, s22  }
0x46: {  	[spmem:s1] =	stream.indirect.scatter.add.f32 [tilespmem:s22], [sflag:$0x2], $0x80, s20, s14, $0xb8;
	[tilespmem:$0x1EC00] =	vst v63  }
0x47: {  	s20 =	smov.u32 s21  }
0x48: {  	s19 =	sadd.s32 $0x1, s19  }
0x49: {  	_ =	swait.ge [sflag:s17], $0x3200;
	p0 =	sne.s32 s19, $0x19  }
.Ltmp3:
0x4a: {  	[sflag:s17] =	ssyncset.done $0x0;
	(pc) =	sbr.rel @p0 .LBB2_6-.Ltmp3, $4  }
0x4b: {  	[sflag:s17] =	ssyncadd.s32 $0xFFFFCE00  }
0x4c: {  	_ =	swait.ge [sflag:s17], $0x3200  }
0x4d: {  	[sflag:s17] =	ssyncset.done $0x0  }
0x4e: {  	[sflag:s17] =	ssyncadd.s32 $0xFFFFCE00  }
0x4f: {  	s3 =	sadd.s32 $0x1, s3  }
0x50: {  	s18 =	sshll.u32 s2, $0x6;
	[bflag:$0x0] =	sbarrier.arrive $0xFFFF;
	p0 =	sne.s32 s3, s10  }
.Ltmp4:
0x51: {  	s19 =	sshrl.u32 s7, $0x3;
	s18 =	sor.u32 $0x1C03, s18;
	(pc) =	sbr.rel @p0 .LBB2_1-.Ltmp4, $4  }
0x52: {  	[hbm:s9], [sflag:s18] =	dma.local [spmem:s19], $0x2800  }
0x53: {  	_ =	swait.ge [sflag:s12], $0x2800  }
0x54: {  	[sflag:s12] =	ssyncset.done $0x0  }
0x55: {  	[sflag:s12] =	ssyncadd.s32 $0xFFFFD800  }
0x56: {  	_ =	sfence.sel $0x180000  }
0x57: {  	[bflag:$0x0] =	sbarrier.arrive $0xFFFF  }
0x58: {  	p0 =	sne.s32 s2, $0x0;
	_ =	strace $0x9000004A  }
0x59: {  	s0 =	sadd.s32 @!p0 $0x100000, s0;
	[bflag:$0x2] =	sbarrier.arrive $0xFFFF  }
0x5a: {  	[sflag:s0] =	ssyncadd.tile.s32 @!p0 $0x1;
	_ =	shalt  }
.Lfunc_end2:
_tile_overlayer_lowered:
.L_overlay_start_2:
0x5b: {  	(tag) =	ssettag $0x2  }
0x5c: {  	s0 =	rddreg [dreg:$0x0];
	s2 =	stileid.u32  }
0x5d: {  	s1 =	rddreg [dreg:$0x1];
	p0 =	sne.s32 s2, $0x0  }
0x5e: {  	s3 =	rddreg [dreg:$0x2];
	[bflag:$0x3] =	sbarrier.arrive $0xFFFF;
	s2 =	simm.s32 @!p0 $0x1C03  }
0x5f: {  	[timem:s3], [sflag:s2] =	dma.local @!p0 [hbm:s0], s1  }
0x60: {  	s0 =	simm.s32 @!p0 $0x3  }
0x61: {  	_ =	swait.ge @!p0 [sflag:s0], s1  }
0x62: {  	s1 =	ssub.s32 @!p0 $0x0, s1;
	[sflag:s0] =	ssyncset.done @!p0 $0x0  }
0x63: {  	[sflag:s0] =	ssyncadd.s32 @!p0 s1  }
0x64: {  	[bflag:$0x3] =	sbarrier.arrive $0xFFFF  }
0x65: {  	_ =	shalt  }

// kernel: kernel.16.cloned.1.call-start
scs
__scs_entry_jumppad:
0x0: {  	(pc) =	sbr.rel $0x88, $3  }
0x1: {  	(tag) =	ssettag $0x0;
	lr =	simm.s32 $0x1  }
0x2: {  	[smem:$0x3F84] =	sst lr;
	_ =	strace $0xD0000000  }
0x3: {  	_ = 	snop  }
0x4: {  	_ = 	snop  }
0x5: {  	_ = 	snop  }
0x6: {  	_ = 	snop  }
0x7: {  	_ = 	snop  }
__scs_overlays_trampoline_lowered:
0x8: {  	[smem:$0x3F93] =	sst s0  }
0x9: {  	[smem:$0x3F94] =	sst s1  }
0xa: {  	[smem:$0x3F95] =	sst s2  }
0xb: {  	[smem:$0x3F96] =	sst s3  }
0xc: {  	[smem:$0x3F97] =	sst s4  }
0xd: {  	[smem:$0x3F98] =	sst s5  }
0xe: {  	[smem:$0x3F99] =	sst s6  }
0xf: {  	[smem:$0x3F9A] =	sst s7  }
0x10: {  	[smem:$0x3F9B] =	sst s8  }
0x11: {  	[smem:$0x3F9C] =	sst s9;
	s0 =	simm.s32 @!p0 $0x0  }
0x12: {  	s1 =	sld [smem:$0x3F82];
	s0 =	simm.s32 @p0 $0x1  }
0x13: {  	[smem:$0x3F9D] =	sst s0;
	s0 =	simm.s32 @!p1 $0x0  }
0x14: {  	s2 =	sld [smem:$0x3F81];
	s0 =	simm.s32 @p1 $0x1  }
0x15: {  	[smem:$0x3F9E] =	sst s0;
	s0 =	simm.s32 @!p2 $0x0  }
0x16: {  	s3 =	sld [smem:$0x3FDB];
	s0 =	simm.s32 @p2 $0x1  }
0x17: {  	s4 =	simm.s32 $0x1BF5;
	[smem:$0x3FA0] =	sst s0  }
0x18: {  	s0 =	sld [smem:$0x3F83];
	_ =	swait.ge [sflag:s4], $0x0  }
0x19: {  	s7 =	sld [smem:$0x3F84]  }
0x1a: {  	s8 =	sadd.s32 $0xFFFFE003, lr  }
0x1b: {  	s9 =	sadd.s32 $0xFFFFFEF7, lr;
	s5 =	simm.s32 $0xFFFFFFFF;
	p2 =	slt.u32 s8, $0xFFFFF086  }
0x1c: {  	p1 =	slt.u32 s9, $0xF7A;
	s5 =	simm.s32 @!p2 $0x0  }
0x1d: {  	s5 =	simm.s32 @p1 $0x1;
	p0 =	seq.s32 s7, s2  }
0x1e: {  	s7 =	smul.u32 @!p0 $0xF7A, s2;
	p2 =	seq.s32 @!p0 s5, $0x0  }
0x1f: {  	s9 =	smul.u32 $0xF7A, s1;
	s8 =	simm.s32 @!p0 $0x1BF5;
	p2 =	por !p2, p0  }
0x20: {  	[sflag:s8] =	ssyncset.s32 @!p0 $0xFFFFF086;
	s6 =	sadd.s32 @!p0 s3, s7;
	s7 =	simm.s32 @!p0 $0x108  }
0x21: {  	s3 =	sadd.s32 s3, s9;
	s6 =	sadd.s32 @!p0 $0x88, s6;
	s7 =	simm.s32 @p2 $0x1082  }
0x22: {  	[simem:s7], [sflag:s8] =	dma.local @!p0 [hbm:s6], $0xF7A  }
0x23: {  	s9 =	sor.u32 $0xD0000000, s2;
	s6 =	simm.s32 $0x108;
	_ =	swait.ge @!p0 [sflag:s8], $0x0  }
0x24: {  	s3 =	sadd.s32 $0x88, s3;
	s6 =	simm.s32 @!p1 $0x1082;
	[sflag:s4] =	ssyncset.s32 $0xFFFFF086  }
0x25: {  	[simem:s6], [sflag:s4] =	dma.local [hbm:s3], $0xF7A  }
0x26: {  	[smem:$0x3F84] =	sst s1;
	(tag) =	ssettag s2;
	_ =	strace s9  }
0x27: {  	s1 =	sld [smem:$0x3F94]  }
0x28: {  	s2 =	sld [smem:$0x3F95]  }
0x29: {  	s4 =	sld [smem:$0x3F97]  }
0x2a: {  	p0 =	seq.s32 s5, $0x0;
	s5 =	sld [smem:$0x3F98]  }
0x2b: {  	s6 =	sld [smem:$0x3F99]  }
0x2c: {  	s7 =	sld [smem:$0x3F9A]  }
0x2d: {  	s3 =	simm.s32 $0x108;
	s8 =	sld [smem:$0x3F9B]  }
0x2e: {  	s3 =	simm.s32 @!p0 $0x1082;
	s9 =	sld [smem:$0x3F9C]  }
0x2f: {  	lr =	sadd.s32 s0, s3;
	s0 =	sld [smem:$0x3F93]  }
0x30: {  	s3 =	sld [smem:$0x3F96]  }
0x31: {  	[smem:$0x3F9F] =	sst s10  }
0x32: {  	s10 =	sld [smem:$0x3F9D];
	_ =	sdelay $0x3  }
0x33: {  	p0 =	seq.s32 s10, $0x1;
	s10 =	sld [smem:$0x3F9F];
	_ =	sdelay $0x3  }
0x34: {  	[smem:$0x3F9F] =	sst s10  }
0x35: {  	s10 =	sld [smem:$0x3F9E];
	_ =	sdelay $0x3  }
0x36: {  	p1 =	seq.s32 s10, $0x1;
	s10 =	sld [smem:$0x3F9F];
	_ =	sdelay $0x3  }
0x37: {  	[smem:$0x3F9F] =	sst s10  }
0x38: {  	s10 =	sld [smem:$0x3FA0]  }
0x39: {  	_ = 	snop;
	(pc) =	sbr.ind lr, $3  }
0x3a: {  	_ = 	snop  }
0x3b: {  	_ = 	snop  }
0x3c: {  	p2 =	seq.s32 s10, $0x1;
	s10 =	sld [smem:$0x3F9F]  }
0x3d: {  	_ =	shalt  }
0x3e: {  	_ =	shalt  }
0x3f: {  	_ =	shalt  }
0x40: {  	_ =	shalt  }
0x41: {  	_ =	shalt  }
0x42: {  	_ =	shalt  }
0x43: {  	_ =	shalt  }
0x44: {  	_ =	shalt  }
0x45: {  	_ =	shalt  }
0x46: {  	_ =	shalt  }
0x47: {  	_ =	shalt  }
0x48: {  	_ =	shalt  }
0x49: {  	_ =	shalt  }
0x4a: {  	_ =	shalt  }
0x4b: {  	_ =	shalt  }
0x4c: {  	_ =	shalt  }
0x4d: {  	_ =	shalt  }
0x4e: {  	_ =	shalt  }
0x4f: {  	_ =	shalt  }
0x50: {  	_ =	shalt  }
0x51: {  	_ =	shalt  }
0x52: {  	_ =	shalt  }
0x53: {  	_ =	shalt  }
0x54: {  	_ =	shalt  }
0x55: {  	_ =	shalt  }
0x56: {  	_ =	shalt  }
0x57: {  	_ =	shalt  }
0x58: {  	_ =	shalt  }
0x59: {  	_ =	shalt  }
0x5a: {  	_ =	shalt  }
0x5b: {  	_ =	shalt  }
0x5c: {  	_ =	shalt  }
0x5d: {  	_ =	shalt  }
0x5e: {  	_ =	shalt  }
0x5f: {  	_ =	shalt  }
0x60: {  	_ =	shalt  }
0x61: {  	_ =	shalt  }
0x62: {  	_ =	shalt  }
0x63: {  	_ =	shalt  }
0x64: {  	_ =	shalt  }
0x65: {  	_ =	shalt  }
0x66: {  	_ =	shalt  }
0x67: {  	_ =	shalt  }
0x68: {  	_ =	shalt  }
0x69: {  	_ =	shalt  }
0x6a: {  	_ =	shalt  }
0x6b: {  	_ =	shalt  }
0x6c: {  	_ =	shalt  }
0x6d: {  	_ =	shalt  }
0x6e: {  	_ =	shalt  }
0x6f: {  	_ =	shalt  }
0x70: {  	_ =	shalt  }
0x71: {  	_ =	shalt  }
0x72: {  	_ =	shalt  }
0x73: {  	_ =	shalt  }
0x74: {  	_ =	shalt  }
0x75: {  	_ =	shalt  }
0x76: {  	_ =	shalt  }
0x77: {  	_ =	shalt  }
0x78: {  	_ =	shalt  }
0x79: {  	_ =	shalt  }
0x7a: {  	_ =	shalt  }
0x7b: {  	_ =	shalt  }
0x7c: {  	_ =	shalt  }
0x7d: {  	_ =	shalt  }
0x7e: {  	_ =	shalt  }
0x7f: {  	_ =	shalt  }
0x80: {  	_ =	shalt  }
0x81: {  	_ =	shalt  }
0x82: {  	_ =	shalt  }
0x83: {  	_ =	shalt  }
0x84: {  	_ =	shalt  }
0x85: {  	_ =	shalt  }
0x86: {  	_ =	shalt  }
0x87: {  	_ =	shalt  }
.Lfunc_end0:
.L_simem_size_0:
called_computation.2_lowered:
.L_overlay_start_0:
0x88: {  	s2 =	sld [smem:$0x3FD9]  }
0x89: {  	s3 =	sld [smem:$0x3FFE];
	_ =	sdelay $0x1  }
0x8a: {  	s1 =	srdreg.scid  }
0x8b: {  	s0 =	sand.u32 $0x1, s1  }
0x8c: {  	s16 =	sshll.u32 s0, $0xA;
	s2 =	sadd.s32 s3, s2  }
0x8d: {  	s2 =	sadd.s32 s2, s16  }
0x8e: {  	[smem:$0x3FAB] =	sst s2  }
0x8f: {  	_ = 	snop  }
0x90: {  	(tm) =	ssettm $0x1  }
0x91: {  	s17 =	sld [smem:$0x3FFB];
	_ =	sdelay $0x3  }
0x92: {  	_ =	strace s17  }
0x93: {  	s2 =	sld [smem:$0x3FFC];
	_ =	sdelay $0x3  }
0x94: {  	_ =	strace s2  }
0x95: {  	s2 =	sld [smem:$0x3FFD];
	_ =	sdelay $0x3  }
0x96: {  	_ =	strace s2  }
0x97: {  	_ =	strace $0x8FFFFFFF  }
0x98: {  	s18 =	sld [smem:$0x3FDB];
	_ =	sdelay $0x1  }
0x99: {  	s19 =	simm.s32 $_scs_section_size  }
0x9a: {  	s4 =	simm.s32 $_size__tile_overlayer_lowered;
	s5 =	simm.s32 $_tile_overlayer_lowered  }
0x9b: {  	s22 =	simm.s32 $0x1BFF;
	s21 =	sshll.u32 s5, $0x1;
	s2 =	sadd.s32 s19, s18  }
0x9c: {  	s6 =	simm.s32 $0x0;
	s20 =	sshll.u32 s4, $0x1;
	s4 =	sadd.s32 s21, s2  }
0x9d: {  	[timem:s6], [sflag:s22] =	dma.local [hbm:s4], s20  }
0x9e: {  	_ =	swait.ge [sflag:s22], s20  }
0x9f: {  	s3 =	ssub.s32 $0x0, s20;
	[sflag:s22] =	ssyncset.done $0x0  }
0xa0: {  	[sflag:s22] =	ssyncadd.s32 s3;
	_ =	sdelay $0x1  }
0xa1: {  	s23 =	simm.s32 $0x1B8B  }
0xa2: {  	_ =	swait.ge [sflag:s23], $0x1  }
0xa3: {  	[sflag:s23] =	ssyncset.done $0x0  }
0xa4: {  	s25 =	simm.s32 $0x1B8E;
	s24 =	sld [smem:$0x3FFE];
	[sflag:s23] =	ssyncadd.s32 $0xFFFFFFFF  }
0xa5: {  	s26 =	simm.s32 $execute0_lowered;
	[smem:$0x3FD2] =	sst s25  }
0xa6: {  	s4 =	sshll.u32 s26, $0x1;
	_ =	strace $0x8000004C;
	[dreg:$0x1] =	wrdreg $0xFFFFFFFF  }
0xa7: {  	s28 =	simm.s32 $_size_execute0_lowered;
	s2 =	sadd.s32 s2, s4;
	[dreg:$0x0] =	wrdreg $0x0  }
0xa8: {  	s4 =	sshll.u32 s28, $0x1;
	[dreg:$0x2] =	wrdreg s2  }
0xa9: {  	[dreg:$0x3] =	wrdreg s4  }
0xaa: {  	[dreg:$0x4] =	wrdreg $0xC0  }
0xab: {  	_ =	task [dreg:s6], $0x5FFFF  }
0xac: {  	[dreg:$0x1] =	wrdreg $0xFFFFFFFF  }
0xad: {  	[dreg:$0x0] =	wrdreg $0x60  }
0xae: {  	[dreg:$0x2] =	wrdreg s24  }
0xaf: {  	[dreg:$0x3] =	wrdreg $0xAC000  }
0xb0: {  	[dreg:$0x4] =	wrdreg $0x9  }
0xb1: {  	_ =	task.clear_ibuf [dreg:s6], $0x5FFFF;
	_ =	strace $0x9000004C  }
0xb2: {  	s29 =	simm.s32 $0x9;
	_ =	strace $0x8000004E  }
0xb3: {  	_ =	swait.ge [sflag:s29], $0x1  }
0xb4: {  	[sflag:s29] =	ssyncadd.s32 $0xFFFFFFFF  }
0xb5: {  	_ =	strace $0x9000004E  }
0xb6: {  	_ =	sfence  }
0xb7: {  	s30 =	sld [smem:$0x0];
	_ =	sdelay $0x2  }
0xb8: {  	s31 =	sshll.u32 s1, $0xD;
	s1 =	sshrl.u32 s1, $0x2  }
0xb9: {  	s3 =	sand.u32 $0x4000, s31;
	s1 =	sadd.s32 s1, s30  }
0xba: {  	s0 =	sor.u32 s3, s0;
	s1 =	sshll.u32 s1, $0x11  }
0xbb: {  	s0 =	sor.u32 s1, s0  }
0xbc: {  	s0 =	sadd.s32 $0x8F2B, s0  }
0xbd: {  	[sflag:s0] =	ssyncadd.remote.s32 $0x1  }
0xbe: {  	_ =	sfence.sel $0xFFFF  }
0xbf: {  	[dreg:$0x0] =	wrdreg $0xFFFFFFFF;
	(pc) =	sbr.abs _section_cstart, $3  }
0xc0: {  	[dreg:$0x1] =	wrdreg $0xFFFFFFFF  }
0xc1: {  	_ =	task.clear_ibuf [dreg:s6], $0x2FFFF;
	_ =	strace $0x9FFFFFFF  }
0xc2: {  	(tm) =	ssettm $0x7FFFFFFF  }
0xc3: {  	_ =	shalt  }
tec
execute0_lowered:
.L_overlay_start_1:
0x0: {  	(tag) =	ssettag $0x1  }
0x1: {  	s7 =	rddreg [dreg:$0x0]  }
0x2: {  	s1 =	rddreg [dreg:$0x1]  }
0x3: {  	s0 =	rddreg [dreg:$0x2];
	s3 =	simm.s32 $0x0;
	s2 =	srdreg.scid  }
0x4: {  	s14 =	simm.s32 $0x64;
	s15 =	simm.s32 $0x800;
	s8 =	sand.u32 $0x1, s2  }
0x5: {  	s16 =	simm.s32 $0x1;
	s2 =	stileid.u32;
	s9 =	smul.u32 $0x140000, s8  }
0x6: {  	s17 =	simm.s32 $0x2;
	[smem:$0x7FF] =	sst s3;
	s10 =	smul.u32 $0x14000, s2  }
0x7: {  	s4 =	sadd.s32 $0x85E00, s7;
	s5 =	sadd.s32 $0x6CE00, s7;
	s11 =	smul.u32 $0x50000, s2  }
0x8: {  	s6 =	sadd.s32 $0x3C00, s7;
	s30 =	smul.u32 $0x64000, s8;
	s8 =	ssub.s32 $0x2, s8  }
0x9: {  	_ =	strace $0x8000004D;
	s12 =	smul.u32 $0x6400, s2;
	s31 =	sshrl.u32 s8, $0x1  }
0xa: {  	s9 =	sadd.s32 s10, s9;
	s11 =	sshrl.u32 s11, $0x2;
	s13 =	ssub.s32 s8, s31  }
0xb: {  	s8 =	sadd.s32 s12, s30;
	s12 =	simm.s32 $0x3;
	s9 =	sshrl.u32 s9, $0x3  }
0xc: {  	s10 =	smax.u32 s13, $0x1;
	s13 =	simm.s32 $0x400;
	s9 =	sadd.s32 s9, s7  }
0xd: {  	v0 =	vimm.f32 $0.0e+00;
	s7 =	sadd.s32 s11, s1;
	s11 =	simm.s32 $0xA400;
	s9 =	sadd.s32 $0x1CC00, s9  }
.LBB2_1:
0xe: {  	s18 =	simm.s32 $0x0;
	s19 =	simm.s32 $0x0  }
.LBB2_2:
0xf: {  	p0 =	sne.s32 s19, $0x1FC0  }
.Ltmp0:
0x10: {  	_ = 	snop;
	(pc) =	sbr.rel @p0 .LBB2_2-.Ltmp0, $4  }
0x11: {  	s20 =	sand.u32 $0x1E00, s19  }
0x12: {  	s21 =	sand.u32 $0x70, s18;
	s20 =	sshrl.u32 s20, $0x2  }
0x13: {  	s20 =	sor.u32 s21, s20  }
0x14: {  	s18 =	sadd.s32 $0x10, s18;
	s19 =	sadd.s32 $0x40, s19;
	[tilespmem:s20+$0xA400] =	vst v0  }
0x15: {  	s18 =	sadd.s32 $0x0, s7  }
0x16: {  	[spmem:s18] =	stream.linear.scatter [tilespmem:s11], [sflag:$0x3], $0x800, $0x38;
	[tilespmem:$0x1EC00] =	vst v63  }
0x17: {  	s18 =	simm.s32 $0x2000;
	_ =	swait.ge [sflag:s12], $0x800  }
.LBB2_4:
0x18: {  	s19 =	sshra.s32 s18, $0x2;
	[sflag:s12] =	ssyncset.done $0x0;
	p0 =	sne.s32 s18, $0x4E000  }
.Ltmp1:
0x19: {  	s19 =	sadd.s32 s19, s7;
	[sflag:s12] =	ssyncadd.s32 $0xFFFFF800;
	(pc) =	sbr.rel @p0 .LBB2_4-.Ltmp1, $3  }
0x1a: {  	[spmem:s19] =	stream.linear.scatter [tilespmem:s11], [sflag:$0x3], $0x800, $0x38;
	[tilespmem:$0x1EC00] =	vst v63  }
0x1b: {  	s18 =	sadd.s32 $0x2000, s18;
	_ =	sdelay $0x1  }
0x1c: {  	_ =	swait.ge [sflag:s12], $0x800  }
0x1d: {  	[sflag:s12] =	ssyncset.done $0x0  }
0x1e: {  	[sflag:s12] =	ssyncadd.s32 $0xFFFFF800  }
0x1f: {  	s18 =	simm.s32 $0x0;
	s19 =	simm.s32 $0x0;
	[bflag:$0x0] =	sbarrier.arrive $0xFFFF  }
.LBB2_6:
0x20: {  	s20 =	sshll.u32 s19, $0xA  }
0x21: {  	s20 =	sadd.s32 s20, s8  }
0x22: {  	s20 =	sshrl.u32 s20, $0x3  }
0x23: {  	s21 =	sadd.s32 s5, s20  }
0x24: {  	[tilespmem:s18], [sflag:$0x3] =	stream.linear.gather [hbm4b:s21+s18], $0x400, $0x38;
	[tilespmem:$0x1EC00] =	vst v63  }
0x25: {  	_ =	swait.ge [sflag:s12], $0x400  }
0x26: {  	[sflag:s12] =	ssyncset.done $0x0  }
0x27: {  	s20 =	sadd.s32 s6, s20;
	[sflag:s12] =	ssyncadd.s32 $0xFFFFFC00  }
0x28: {  	[tilespmem:s13], [sflag:$0x3] =	stream.linear.gather [hbm4b:s20+s18], $0x400, $0x38;
	[tilespmem:$0x1EC00] =	vst v63  }
0x29: {  	_ =	swait.ge [sflag:s12], $0x400  }
0x2a: {  	[sflag:s12] =	ssyncset.done $0x0  }
0x2b: {  	s20 =	simm.s32 $0x0;
	[sflag:s12] =	ssyncadd.s32 $0xFFFFFC00  }
0x2c: {  	[tilespmem:s15], [sflag:$0x1] =	stream.indirect.gather [hbm4b:s4+s14], $0x80, s18, s14, $0xb8;
	[tilespmem:$0x1EC00] =	vst v63  }
.LBB2_7:
0x2d: {  	p0 =	slt.u32 s20, $0x2  }
0x2e: {  	s21 =	simm.s32 @!p0 $0x2  }
0x2f: {  	_ =	swait.ge @!p0 [sflag:s21], $0x3200  }
0x30: {  	p1 =	seq.s32 @!p0 s20, $0x7;
	[sflag:s21] =	ssyncset.done @!p0 $0x0  }
0x31: {  	p1 =	por p0, !p1;
	[sflag:s21] =	ssyncadd.s32 @!p0 $0xFFFFCE00;
	s21 =	simm.s32 @!p0 $0x8  }
0x32: {  	s21 =	sadd.s32 @p1 $0x1, s20  }
0x33: {  	s22 =	smul.u32 @p1 $0xAB, s21;
	_ =	sdelay $0x1  }
0x34: {  	s22 =	sshrl.u32 @p1 s22, $0x9  }
0x35: {  	s22 =	sand.u32 @p1 $0x7F, s22  }
0x36: {  	s22 =	smul.u32 @p1 $0x3, s22;
	_ =	sdelay $0x1  }
0x37: {  	s22 =	ssub.s32 @p1 s21, s22  }
0x38: {  	s22 =	sand.u32 @p1 $0xFF, s22  }
0x39: {  	s22 =	smul.u32 @p1 $0xD000, s22;
	_ =	sdelay $0x1  }
0x3a: {  	s23 =	sshll.u32 @p1 s21, $0x7;
	s22 =	sshrl.u32 @p1 s22, $0x2  }
0x3b: {  	s30 =	smul.u32 $0xAB, s20;
	s23 =	sand.u32 @p1 $0x3FFFFF80, s23;
	s22 =	sadd.s32 @p1 $0x800, s22  }
0x3c: {  	[tilespmem:s22], [sflag:$0x1] =	stream.indirect.gather @p1 [hbm4b:s4+s14], $0x80, s23, s14, $0xb8;
	[tilespmem:$0x1EC00] =	vst v63  }
0x3d: {  	s22 =	sshrl.u32 s30, $0x9  }
0x3e: {  	s22 =	sand.u32 $0x7F, s22  }
0x3f: {  	s22 =	smul.u32 $0x3, s22;
	_ =	sdelay $0x1  }
0x40: {  	s22 =	ssub.s32 s20, s22  }
0x41: {  	s22 =	sand.u32 $0xFF, s22  }
0x42: {  	p0 =	slt.u32 s21, $0x8;
	s22 =	smul.u32 $0xD000, s22  }
.Ltmp2:
0x43: {  	s31 =	sshll.u32 s20, $0x7;
	_ =	swait.ge [sflag:s16], $0x3200;
	(pc) =	sbr.rel @p0 .LBB2_7-.Ltmp2, $4  }
0x44: {  	[sflag:s16] =	ssyncset.done $0x0;
	s20 =	sand.u32 $0x3FFFFF80, s31;
	s22 =	sshrl.u32 s22, $0x2  }
0x45: {  	[sflag:s16] =	ssyncadd.s32 $0xFFFFCE00;
	s20 =	sadd.s32 $0x400, s20;
	s22 =	sadd.s32 $0x800, s22  }
0x46: {  	[spmem:s1] =	stream.indirect.scatter.add.f32 [tilespmem:s22], [sflag:$0x2], $0x80, s20, s14, $0xb8;
	[tilespmem:$0x1EC00] =	vst v63  }
0x47: {  	s20 =	smov.u32 s21  }
0x48: {  	s19 =	sadd.s32 $0x1, s19  }
0x49: {  	_ =	swait.ge [sflag:s17], $0x3200;
	p0 =	sne.s32 s19, $0x19  }
.Ltmp3:
0x4a: {  	[sflag:s17] =	ssyncset.done $0x0;
	(pc) =	sbr.rel @p0 .LBB2_6-.Ltmp3, $4  }
0x4b: {  	[sflag:s17] =	ssyncadd.s32 $0xFFFFCE00  }
0x4c: {  	_ =	swait.ge [sflag:s17], $0x3200  }
0x4d: {  	[sflag:s17] =	ssyncset.done $0x0  }
0x4e: {  	[sflag:s17] =	ssyncadd.s32 $0xFFFFCE00  }
0x4f: {  	s3 =	sadd.s32 $0x1, s3  }
0x50: {  	s18 =	sshll.u32 s2, $0x6;
	[bflag:$0x0] =	sbarrier.arrive $0xFFFF;
	p0 =	sne.s32 s3, s10  }
.Ltmp4:
0x51: {  	s19 =	sshrl.u32 s7, $0x3;
	s18 =	sor.u32 $0x1C03, s18;
	(pc) =	sbr.rel @p0 .LBB2_1-.Ltmp4, $4  }
0x52: {  	[hbm:s9], [sflag:s18] =	dma.local [spmem:s19], $0x2800  }
0x53: {  	_ =	swait.ge [sflag:s12], $0x2800  }
0x54: {  	[sflag:s12] =	ssyncset.done $0x0  }
0x55: {  	[sflag:s12] =	ssyncadd.s32 $0xFFFFD800  }
0x56: {  	_ =	sfence.sel $0x180000  }
0x57: {  	[bflag:$0x0] =	sbarrier.arrive $0xFFFF  }
0x58: {  	p0 =	sne.s32 s2, $0x0;
	_ =	strace $0x9000004D  }
0x59: {  	s0 =	sadd.s32 @!p0 $0x100000, s0;
	[bflag:$0x2] =	sbarrier.arrive $0xFFFF  }
0x5a: {  	[sflag:s0] =	ssyncadd.tile.s32 @!p0 $0x1;
	_ =	shalt  }
.Lfunc_end2:
_tile_overlayer_lowered:
.L_overlay_start_2:
0x5b: {  	(tag) =	ssettag $0x2  }
0x5c: {  	s0 =	rddreg [dreg:$0x0];
	s2 =	stileid.u32  }
0x5d: {  	s1 =	rddreg [dreg:$0x1];
	p0 =	sne.s32 s2, $0x0  }
0x5e: {  	s3 =	rddreg [dreg:$0x2];
	[bflag:$0x3] =	sbarrier.arrive $0xFFFF;
	s2 =	simm.s32 @!p0 $0x1C03  }
0x5f: {  	[timem:s3], [sflag:s2] =	dma.local @!p0 [hbm:s0], s1  }
0x60: {  	s0 =	simm.s32 @!p0 $0x3  }
0x61: {  	_ =	swait.ge @!p0 [sflag:s0], s1  }
0x62: {  	s1 =	ssub.s32 @!p0 $0x0, s1;
	[sflag:s0] =	ssyncset.done @!p0 $0x0  }
0x63: {  	[sflag:s0] =	ssyncadd.s32 @!p0 s1  }
0x64: {  	[bflag:$0x3] =	sbarrier.arrive $0xFFFF  }
0x65: {  	_ =	shalt  }

// kernel: kernel.19.cloned.1.call-start
scs
__scs_entry_jumppad:
0x0: {  	(pc) =	sbr.rel $0x88, $3  }
0x1: {  	(tag) =	ssettag $0x0;
	lr =	simm.s32 $0x1  }
0x2: {  	[smem:$0x3F84] =	sst lr;
	_ =	strace $0xD0000000  }
0x3: {  	_ = 	snop  }
0x4: {  	_ = 	snop  }
0x5: {  	_ = 	snop  }
0x6: {  	_ = 	snop  }
0x7: {  	_ = 	snop  }
__scs_overlays_trampoline_lowered:
0x8: {  	[smem:$0x3F93] =	sst s0  }
0x9: {  	[smem:$0x3F94] =	sst s1  }
0xa: {  	[smem:$0x3F95] =	sst s2  }
0xb: {  	[smem:$0x3F96] =	sst s3  }
0xc: {  	[smem:$0x3F97] =	sst s4  }
0xd: {  	[smem:$0x3F98] =	sst s5  }
0xe: {  	[smem:$0x3F99] =	sst s6  }
0xf: {  	[smem:$0x3F9A] =	sst s7  }
0x10: {  	[smem:$0x3F9B] =	sst s8  }
0x11: {  	[smem:$0x3F9C] =	sst s9;
	s0 =	simm.s32 @!p0 $0x0  }
0x12: {  	s1 =	sld [smem:$0x3F82];
	s0 =	simm.s32 @p0 $0x1  }
0x13: {  	[smem:$0x3F9D] =	sst s0;
	s0 =	simm.s32 @!p1 $0x0  }
0x14: {  	s2 =	sld [smem:$0x3F81];
	s0 =	simm.s32 @p1 $0x1  }
0x15: {  	[smem:$0x3F9E] =	sst s0;
	s0 =	simm.s32 @!p2 $0x0  }
0x16: {  	s3 =	sld [smem:$0x3FDB];
	s0 =	simm.s32 @p2 $0x1  }
0x17: {  	s4 =	simm.s32 $0x1BF5;
	[smem:$0x3FA0] =	sst s0  }
0x18: {  	s0 =	sld [smem:$0x3F83];
	_ =	swait.ge [sflag:s4], $0x0  }
0x19: {  	s7 =	sld [smem:$0x3F84]  }
0x1a: {  	s8 =	sadd.s32 $0xFFFFE003, lr  }
0x1b: {  	s9 =	sadd.s32 $0xFFFFFEF7, lr;
	s5 =	simm.s32 $0xFFFFFFFF;
	p2 =	slt.u32 s8, $0xFFFFF086  }
0x1c: {  	p1 =	slt.u32 s9, $0xF7A;
	s5 =	simm.s32 @!p2 $0x0  }
0x1d: {  	s5 =	simm.s32 @p1 $0x1;
	p0 =	seq.s32 s7, s2  }
0x1e: {  	s7 =	smul.u32 @!p0 $0xF7A, s2;
	p2 =	seq.s32 @!p0 s5, $0x0  }
0x1f: {  	s9 =	smul.u32 $0xF7A, s1;
	s8 =	simm.s32 @!p0 $0x1BF5;
	p2 =	por !p2, p0  }
0x20: {  	[sflag:s8] =	ssyncset.s32 @!p0 $0xFFFFF086;
	s6 =	sadd.s32 @!p0 s3, s7;
	s7 =	simm.s32 @!p0 $0x108  }
0x21: {  	s3 =	sadd.s32 s3, s9;
	s6 =	sadd.s32 @!p0 $0x88, s6;
	s7 =	simm.s32 @p2 $0x1082  }
0x22: {  	[simem:s7], [sflag:s8] =	dma.local @!p0 [hbm:s6], $0xF7A  }
0x23: {  	s9 =	sor.u32 $0xD0000000, s2;
	s6 =	simm.s32 $0x108;
	_ =	swait.ge @!p0 [sflag:s8], $0x0  }
0x24: {  	s3 =	sadd.s32 $0x88, s3;
	s6 =	simm.s32 @!p1 $0x1082;
	[sflag:s4] =	ssyncset.s32 $0xFFFFF086  }
0x25: {  	[simem:s6], [sflag:s4] =	dma.local [hbm:s3], $0xF7A  }
0x26: {  	[smem:$0x3F84] =	sst s1;
	(tag) =	ssettag s2;
	_ =	strace s9  }
0x27: {  	s1 =	sld [smem:$0x3F94]  }
0x28: {  	s2 =	sld [smem:$0x3F95]  }
0x29: {  	s4 =	sld [smem:$0x3F97]  }
0x2a: {  	p0 =	seq.s32 s5, $0x0;
	s5 =	sld [smem:$0x3F98]  }
0x2b: {  	s6 =	sld [smem:$0x3F99]  }
0x2c: {  	s7 =	sld [smem:$0x3F9A]  }
0x2d: {  	s3 =	simm.s32 $0x108;
	s8 =	sld [smem:$0x3F9B]  }
0x2e: {  	s3 =	simm.s32 @!p0 $0x1082;
	s9 =	sld [smem:$0x3F9C]  }
0x2f: {  	lr =	sadd.s32 s0, s3;
	s0 =	sld [smem:$0x3F93]  }
0x30: {  	s3 =	sld [smem:$0x3F96]  }
0x31: {  	[smem:$0x3F9F] =	sst s10  }
0x32: {  	s10 =	sld [smem:$0x3F9D];
	_ =	sdelay $0x3  }
0x33: {  	p0 =	seq.s32 s10, $0x1;
	s10 =	sld [smem:$0x3F9F];
	_ =	sdelay $0x3  }
0x34: {  	[smem:$0x3F9F] =	sst s10  }
0x35: {  	s10 =	sld [smem:$0x3F9E];
	_ =	sdelay $0x3  }
0x36: {  	p1 =	seq.s32 s10, $0x1;
	s10 =	sld [smem:$0x3F9F];
	_ =	sdelay $0x3  }
0x37: {  	[smem:$0x3F9F] =	sst s10  }
0x38: {  	s10 =	sld [smem:$0x3FA0]  }
0x39: {  	_ = 	snop;
	(pc) =	sbr.ind lr, $3  }
0x3a: {  	_ = 	snop  }
0x3b: {  	_ = 	snop  }
0x3c: {  	p2 =	seq.s32 s10, $0x1;
	s10 =	sld [smem:$0x3F9F]  }
0x3d: {  	_ =	shalt  }
0x3e: {  	_ =	shalt  }
0x3f: {  	_ =	shalt  }
0x40: {  	_ =	shalt  }
0x41: {  	_ =	shalt  }
0x42: {  	_ =	shalt  }
0x43: {  	_ =	shalt  }
0x44: {  	_ =	shalt  }
0x45: {  	_ =	shalt  }
0x46: {  	_ =	shalt  }
0x47: {  	_ =	shalt  }
0x48: {  	_ =	shalt  }
0x49: {  	_ =	shalt  }
0x4a: {  	_ =	shalt  }
0x4b: {  	_ =	shalt  }
0x4c: {  	_ =	shalt  }
0x4d: {  	_ =	shalt  }
0x4e: {  	_ =	shalt  }
0x4f: {  	_ =	shalt  }
0x50: {  	_ =	shalt  }
0x51: {  	_ =	shalt  }
0x52: {  	_ =	shalt  }
0x53: {  	_ =	shalt  }
0x54: {  	_ =	shalt  }
0x55: {  	_ =	shalt  }
0x56: {  	_ =	shalt  }
0x57: {  	_ =	shalt  }
0x58: {  	_ =	shalt  }
0x59: {  	_ =	shalt  }
0x5a: {  	_ =	shalt  }
0x5b: {  	_ =	shalt  }
0x5c: {  	_ =	shalt  }
0x5d: {  	_ =	shalt  }
0x5e: {  	_ =	shalt  }
0x5f: {  	_ =	shalt  }
0x60: {  	_ =	shalt  }
0x61: {  	_ =	shalt  }
0x62: {  	_ =	shalt  }
0x63: {  	_ =	shalt  }
0x64: {  	_ =	shalt  }
0x65: {  	_ =	shalt  }
0x66: {  	_ =	shalt  }
0x67: {  	_ =	shalt  }
0x68: {  	_ =	shalt  }
0x69: {  	_ =	shalt  }
0x6a: {  	_ =	shalt  }
0x6b: {  	_ =	shalt  }
0x6c: {  	_ =	shalt  }
0x6d: {  	_ =	shalt  }
0x6e: {  	_ =	shalt  }
0x6f: {  	_ =	shalt  }
0x70: {  	_ =	shalt  }
0x71: {  	_ =	shalt  }
0x72: {  	_ =	shalt  }
0x73: {  	_ =	shalt  }
0x74: {  	_ =	shalt  }
0x75: {  	_ =	shalt  }
0x76: {  	_ =	shalt  }
0x77: {  	_ =	shalt  }
0x78: {  	_ =	shalt  }
0x79: {  	_ =	shalt  }
0x7a: {  	_ =	shalt  }
0x7b: {  	_ =	shalt  }
0x7c: {  	_ =	shalt  }
0x7d: {  	_ =	shalt  }
0x7e: {  	_ =	shalt  }
0x7f: {  	_ =	shalt  }
0x80: {  	_ =	shalt  }
0x81: {  	_ =	shalt  }
0x82: {  	_ =	shalt  }
0x83: {  	_ =	shalt  }
0x84: {  	_ =	shalt  }
0x85: {  	_ =	shalt  }
0x86: {  	_ =	shalt  }
0x87: {  	_ =	shalt  }
.Lfunc_end0:
.L_simem_size_0:
called_computation.3_lowered:
.L_overlay_start_0:
0x88: {  	s2 =	sld [smem:$0x3FD9]  }
0x89: {  	s3 =	sld [smem:$0x3FFE];
	_ =	sdelay $0x1  }
0x8a: {  	s1 =	srdreg.scid  }
0x8b: {  	s0 =	sand.u32 $0x1, s1  }
0x8c: {  	s16 =	sshll.u32 s0, $0xA;
	s2 =	sadd.s32 s3, s2  }
0x8d: {  	s2 =	sadd.s32 s2, s16  }
0x8e: {  	[smem:$0x3FAB] =	sst s2  }
0x8f: {  	_ = 	snop  }
0x90: {  	(tm) =	ssettm $0x1  }
0x91: {  	s17 =	sld [smem:$0x3FFB];
	_ =	sdelay $0x3  }
0x92: {  	_ =	strace s17  }
0x93: {  	s2 =	sld [smem:$0x3FFC];
	_ =	sdelay $0x3  }
0x94: {  	_ =	strace s2  }
0x95: {  	s2 =	sld [smem:$0x3FFD];
	_ =	sdelay $0x3  }
0x96: {  	_ =	strace s2  }
0x97: {  	_ =	strace $0x8FFFFFFF  }
0x98: {  	s18 =	sld [smem:$0x3FDB];
	_ =	sdelay $0x1  }
0x99: {  	s19 =	simm.s32 $_scs_section_size  }
0x9a: {  	s4 =	simm.s32 $_size__tile_overlayer_lowered;
	s5 =	simm.s32 $_tile_overlayer_lowered  }
0x9b: {  	s22 =	simm.s32 $0x1BFF;
	s21 =	sshll.u32 s5, $0x1;
	s2 =	sadd.s32 s19, s18  }
0x9c: {  	s6 =	simm.s32 $0x0;
	s20 =	sshll.u32 s4, $0x1;
	s4 =	sadd.s32 s21, s2  }
0x9d: {  	[timem:s6], [sflag:s22] =	dma.local [hbm:s4], s20  }
0x9e: {  	_ =	swait.ge [sflag:s22], s20  }
0x9f: {  	s3 =	ssub.s32 $0x0, s20;
	[sflag:s22] =	ssyncset.done $0x0  }
0xa0: {  	[sflag:s22] =	ssyncadd.s32 s3;
	_ =	sdelay $0x1  }
0xa1: {  	s23 =	simm.s32 $0x1B8B  }
0xa2: {  	_ =	swait.ge [sflag:s23], $0x1  }
0xa3: {  	[sflag:s23] =	ssyncset.done $0x0  }
0xa4: {  	s25 =	simm.s32 $0x1B8E;
	s24 =	sld [smem:$0x3FFE];
	[sflag:s23] =	ssyncadd.s32 $0xFFFFFFFF  }
0xa5: {  	s26 =	simm.s32 $execute0_lowered;
	[smem:$0x3FD2] =	sst s25  }
0xa6: {  	s4 =	sshll.u32 s26, $0x1;
	_ =	strace $0x8000004F;
	[dreg:$0x1] =	wrdreg $0xFFFFFFFF  }
0xa7: {  	s28 =	simm.s32 $_size_execute0_lowered;
	s2 =	sadd.s32 s2, s4;
	[dreg:$0x0] =	wrdreg $0x0  }
0xa8: {  	s4 =	sshll.u32 s28, $0x1;
	[dreg:$0x2] =	wrdreg s2  }
0xa9: {  	[dreg:$0x3] =	wrdreg s4  }
0xaa: {  	[dreg:$0x4] =	wrdreg $0xC0  }
0xab: {  	_ =	task [dreg:s6], $0x5FFFF  }
0xac: {  	[dreg:$0x1] =	wrdreg $0xFFFFFFFF  }
0xad: {  	[dreg:$0x0] =	wrdreg $0x60  }
0xae: {  	[dreg:$0x2] =	wrdreg s24  }
0xaf: {  	[dreg:$0x3] =	wrdreg $0xAC000  }
0xb0: {  	[dreg:$0x4] =	wrdreg $0x9  }
0xb1: {  	_ =	task.clear_ibuf [dreg:s6], $0x5FFFF;
	_ =	strace $0x9000004F  }
0xb2: {  	s29 =	simm.s32 $0x9;
	_ =	strace $0x80000051  }
0xb3: {  	_ =	swait.ge [sflag:s29], $0x1  }
0xb4: {  	[sflag:s29] =	ssyncadd.s32 $0xFFFFFFFF  }
0xb5: {  	_ =	strace $0x90000051  }
0xb6: {  	_ =	sfence  }
0xb7: {  	s30 =	sld [smem:$0x0];
	_ =	sdelay $0x2  }
0xb8: {  	s31 =	sshll.u32 s1, $0xD;
	s1 =	sshrl.u32 s1, $0x2  }
0xb9: {  	s3 =	sand.u32 $0x4000, s31;
	s1 =	sadd.s32 s1, s30  }
0xba: {  	s0 =	sor.u32 s3, s0;
	s1 =	sshll.u32 s1, $0x11  }
0xbb: {  	s0 =	sor.u32 s1, s0  }
0xbc: {  	s0 =	sadd.s32 $0x8F2B, s0  }
0xbd: {  	[sflag:s0] =	ssyncadd.remote.s32 $0x1  }
0xbe: {  	_ =	sfence.sel $0xFFFF  }
0xbf: {  	[dreg:$0x0] =	wrdreg $0xFFFFFFFF;
	(pc) =	sbr.abs _section_cstart, $3  }
0xc0: {  	[dreg:$0x1] =	wrdreg $0xFFFFFFFF  }
0xc1: {  	_ =	task.clear_ibuf [dreg:s6], $0x2FFFF;
	_ =	strace $0x9FFFFFFF  }
0xc2: {  	(tm) =	ssettm $0x7FFFFFFF  }
0xc3: {  	_ =	shalt  }
tec
execute0_lowered:
.L_overlay_start_1:
0x0: {  	(tag) =	ssettag $0x1  }
0x1: {  	s7 =	rddreg [dreg:$0x0]  }
0x2: {  	s1 =	rddreg [dreg:$0x1]  }
0x3: {  	s0 =	rddreg [dreg:$0x2];
	s3 =	simm.s32 $0x0;
	s2 =	srdreg.scid  }
0x4: {  	s14 =	simm.s32 $0x64;
	s15 =	simm.s32 $0x800;
	s8 =	sand.u32 $0x1, s2  }
0x5: {  	s16 =	simm.s32 $0x1;
	s2 =	stileid.u32;
	s9 =	smul.u32 $0x140000, s8  }
0x6: {  	s17 =	simm.s32 $0x2;
	[smem:$0x7FF] =	sst s3;
	s10 =	smul.u32 $0x14000, s2  }
0x7: {  	s4 =	sadd.s32 $0x85E00, s7;
	s5 =	sadd.s32 $0x6CE00, s7;
	s11 =	smul.u32 $0x50000, s2  }
0x8: {  	s6 =	sadd.s32 $0x3C00, s7;
	s30 =	smul.u32 $0x64000, s8;
	s8 =	ssub.s32 $0x2, s8  }
0x9: {  	_ =	strace $0x80000050;
	s12 =	smul.u32 $0x6400, s2;
	s31 =	sshrl.u32 s8, $0x1  }
0xa: {  	s9 =	sadd.s32 s10, s9;
	s11 =	sshrl.u32 s11, $0x2;
	s13 =	ssub.s32 s8, s31  }
0xb: {  	s8 =	sadd.s32 s12, s30;
	s12 =	simm.s32 $0x3;
	s9 =	sshrl.u32 s9, $0x3  }
0xc: {  	s10 =	smax.u32 s13, $0x1;
	s13 =	simm.s32 $0x400;
	s9 =	sadd.s32 s9, s7  }
0xd: {  	v0 =	vimm.f32 $0.0e+00;
	s7 =	sadd.s32 s11, s1;
	s11 =	simm.s32 $0xA400;
	s9 =	sadd.s32 $0x1CC00, s9  }
.LBB2_1:
0xe: {  	s18 =	simm.s32 $0x0;
	s19 =	simm.s32 $0x0  }
.LBB2_2:
0xf: {  	p0 =	sne.s32 s19, $0x1FC0  }
.Ltmp0:
0x10: {  	_ = 	snop;
	(pc) =	sbr.rel @p0 .LBB2_2-.Ltmp0, $4  }
0x11: {  	s20 =	sand.u32 $0x1E00, s19  }
0x12: {  	s21 =	sand.u32 $0x70, s18;
	s20 =	sshrl.u32 s20, $0x2  }
0x13: {  	s20 =	sor.u32 s21, s20  }
0x14: {  	s18 =	sadd.s32 $0x10, s18;
	s19 =	sadd.s32 $0x40, s19;
	[tilespmem:s20+$0xA400] =	vst v0  }
0x15: {  	s18 =	sadd.s32 $0x0, s7  }
0x16: {  	[spmem:s18] =	stream.linear.scatter [tilespmem:s11], [sflag:$0x3], $0x800, $0x38;
	[tilespmem:$0x1EC00] =	vst v63  }
0x17: {  	s18 =	simm.s32 $0x2000;
	_ =	swait.ge [sflag:s12], $0x800  }
.LBB2_4:
0x18: {  	s19 =	sshra.s32 s18, $0x2;
	[sflag:s12] =	ssyncset.done $0x0;
	p0 =	sne.s32 s18, $0x4E000  }
.Ltmp1:
0x19: {  	s19 =	sadd.s32 s19, s7;
	[sflag:s12] =	ssyncadd.s32 $0xFFFFF800;
	(pc) =	sbr.rel @p0 .LBB2_4-.Ltmp1, $3  }
0x1a: {  	[spmem:s19] =	stream.linear.scatter [tilespmem:s11], [sflag:$0x3], $0x800, $0x38;
	[tilespmem:$0x1EC00] =	vst v63  }
0x1b: {  	s18 =	sadd.s32 $0x2000, s18;
	_ =	sdelay $0x1  }
0x1c: {  	_ =	swait.ge [sflag:s12], $0x800  }
0x1d: {  	[sflag:s12] =	ssyncset.done $0x0  }
0x1e: {  	[sflag:s12] =	ssyncadd.s32 $0xFFFFF800  }
0x1f: {  	s18 =	simm.s32 $0x0;
	s19 =	simm.s32 $0x0;
	[bflag:$0x0] =	sbarrier.arrive $0xFFFF  }
.LBB2_6:
0x20: {  	s20 =	sshll.u32 s19, $0xA  }
0x21: {  	s20 =	sadd.s32 s20, s8  }
0x22: {  	s20 =	sshrl.u32 s20, $0x3  }
0x23: {  	s21 =	sadd.s32 s5, s20  }
0x24: {  	[tilespmem:s18], [sflag:$0x3] =	stream.linear.gather [hbm4b:s21+s18], $0x400, $0x38;
	[tilespmem:$0x1EC00] =	vst v63  }
0x25: {  	_ =	swait.ge [sflag:s12], $0x400  }
0x26: {  	[sflag:s12] =	ssyncset.done $0x0  }
0x27: {  	s20 =	sadd.s32 s6, s20;
	[sflag:s12] =	ssyncadd.s32 $0xFFFFFC00  }
0x28: {  	[tilespmem:s13], [sflag:$0x3] =	stream.linear.gather [hbm4b:s20+s18], $0x400, $0x38;
	[tilespmem:$0x1EC00] =	vst v63  }
0x29: {  	_ =	swait.ge [sflag:s12], $0x400  }
0x2a: {  	[sflag:s12] =	ssyncset.done $0x0  }
0x2b: {  	s20 =	simm.s32 $0x0;
	[sflag:s12] =	ssyncadd.s32 $0xFFFFFC00  }
0x2c: {  	[tilespmem:s15], [sflag:$0x1] =	stream.indirect.gather [hbm4b:s4+s14], $0x80, s18, s14, $0xb8;
	[tilespmem:$0x1EC00] =	vst v63  }
.LBB2_7:
0x2d: {  	p0 =	slt.u32 s20, $0x2  }
0x2e: {  	s21 =	simm.s32 @!p0 $0x2  }
0x2f: {  	_ =	swait.ge @!p0 [sflag:s21], $0x3200  }
0x30: {  	p1 =	seq.s32 @!p0 s20, $0x7;
	[sflag:s21] =	ssyncset.done @!p0 $0x0  }
0x31: {  	p1 =	por p0, !p1;
	[sflag:s21] =	ssyncadd.s32 @!p0 $0xFFFFCE00;
	s21 =	simm.s32 @!p0 $0x8  }
0x32: {  	s21 =	sadd.s32 @p1 $0x1, s20  }
0x33: {  	s22 =	smul.u32 @p1 $0xAB, s21;
	_ =	sdelay $0x1  }
0x34: {  	s22 =	sshrl.u32 @p1 s22, $0x9  }
0x35: {  	s22 =	sand.u32 @p1 $0x7F, s22  }
0x36: {  	s22 =	smul.u32 @p1 $0x3, s22;
	_ =	sdelay $0x1  }
0x37: {  	s22 =	ssub.s32 @p1 s21, s22  }
0x38: {  	s22 =	sand.u32 @p1 $0xFF, s22  }
0x39: {  	s22 =	smul.u32 @p1 $0xD000, s22;
	_ =	sdelay $0x1  }
0x3a: {  	s23 =	sshll.u32 @p1 s21, $0x7;
	s22 =	sshrl.u32 @p1 s22, $0x2  }
0x3b: {  	s30 =	smul.u32 $0xAB, s20;
	s23 =	sand.u32 @p1 $0x3FFFFF80, s23;
	s22 =	sadd.s32 @p1 $0x800, s22  }
0x3c: {  	[tilespmem:s22], [sflag:$0x1] =	stream.indirect.gather @p1 [hbm4b:s4+s14], $0x80, s23, s14, $0xb8;
	[tilespmem:$0x1EC00] =	vst v63  }
0x3d: {  	s22 =	sshrl.u32 s30, $0x9  }
0x3e: {  	s22 =	sand.u32 $0x7F, s22  }
0x3f: {  	s22 =	smul.u32 $0x3, s22;
	_ =	sdelay $0x1  }
0x40: {  	s22 =	ssub.s32 s20, s22  }
0x41: {  	s22 =	sand.u32 $0xFF, s22  }
0x42: {  	p0 =	slt.u32 s21, $0x8;
	s22 =	smul.u32 $0xD000, s22  }
.Ltmp2:
0x43: {  	s31 =	sshll.u32 s20, $0x7;
	_ =	swait.ge [sflag:s16], $0x3200;
	(pc) =	sbr.rel @p0 .LBB2_7-.Ltmp2, $4  }
0x44: {  	[sflag:s16] =	ssyncset.done $0x0;
	s20 =	sand.u32 $0x3FFFFF80, s31;
	s22 =	sshrl.u32 s22, $0x2  }
0x45: {  	[sflag:s16] =	ssyncadd.s32 $0xFFFFCE00;
	s20 =	sadd.s32 $0x400, s20;
	s22 =	sadd.s32 $0x800, s22  }
0x46: {  	[spmem:s1] =	stream.indirect.scatter.add.f32 [tilespmem:s22], [sflag:$0x2], $0x80, s20, s14, $0xb8;
	[tilespmem:$0x1EC00] =	vst v63  }
0x47: {  	s20 =	smov.u32 s21  }
0x48: {  	s19 =	sadd.s32 $0x1, s19  }
0x49: {  	_ =	swait.ge [sflag:s17], $0x3200;
	p0 =	sne.s32 s19, $0x19  }
.Ltmp3:
0x4a: {  	[sflag:s17] =	ssyncset.done $0x0;
	(pc) =	sbr.rel @p0 .LBB2_6-.Ltmp3, $4  }
0x4b: {  	[sflag:s17] =	ssyncadd.s32 $0xFFFFCE00  }
0x4c: {  	_ =	swait.ge [sflag:s17], $0x3200  }
0x4d: {  	[sflag:s17] =	ssyncset.done $0x0  }
0x4e: {  	[sflag:s17] =	ssyncadd.s32 $0xFFFFCE00  }
0x4f: {  	s3 =	sadd.s32 $0x1, s3  }
0x50: {  	s18 =	sshll.u32 s2, $0x6;
	[bflag:$0x0] =	sbarrier.arrive $0xFFFF;
	p0 =	sne.s32 s3, s10  }
.Ltmp4:
0x51: {  	s19 =	sshrl.u32 s7, $0x3;
	s18 =	sor.u32 $0x1C03, s18;
	(pc) =	sbr.rel @p0 .LBB2_1-.Ltmp4, $4  }
0x52: {  	[hbm:s9], [sflag:s18] =	dma.local [spmem:s19], $0x2800  }
0x53: {  	_ =	swait.ge [sflag:s12], $0x2800  }
0x54: {  	[sflag:s12] =	ssyncset.done $0x0  }
0x55: {  	[sflag:s12] =	ssyncadd.s32 $0xFFFFD800  }
0x56: {  	_ =	sfence.sel $0x180000  }
0x57: {  	[bflag:$0x0] =	sbarrier.arrive $0xFFFF  }
0x58: {  	p0 =	sne.s32 s2, $0x0;
	_ =	strace $0x90000050  }
0x59: {  	s0 =	sadd.s32 @!p0 $0x100000, s0;
	[bflag:$0x2] =	sbarrier.arrive $0xFFFF  }
0x5a: {  	[sflag:s0] =	ssyncadd.tile.s32 @!p0 $0x1;
	_ =	shalt  }
.Lfunc_end2:
_tile_overlayer_lowered:
.L_overlay_start_2:
0x5b: {  	(tag) =	ssettag $0x2  }
0x5c: {  	s0 =	rddreg [dreg:$0x0];
	s2 =	stileid.u32  }
0x5d: {  	s1 =	rddreg [dreg:$0x1];
	p0 =	sne.s32 s2, $0x0  }
0x5e: {  	s3 =	rddreg [dreg:$0x2];
	[bflag:$0x3] =	sbarrier.arrive $0xFFFF;
	s2 =	simm.s32 @!p0 $0x1C03  }
0x5f: {  	[timem:s3], [sflag:s2] =	dma.local @!p0 [hbm:s0], s1  }
0x60: {  	s0 =	simm.s32 @!p0 $0x3  }
0x61: {  	_ =	swait.ge @!p0 [sflag:s0], s1  }
0x62: {  	s1 =	ssub.s32 @!p0 $0x0, s1;
	[sflag:s0] =	ssyncset.done @!p0 $0x0  }
0x63: {  	[sflag:s0] =	ssyncadd.s32 @!p0 s1  }
0x64: {  	[bflag:$0x3] =	sbarrier.arrive $0xFFFF  }
0x65: {  	_ =	shalt  }

</sc_bundles>
